<compile_context>
chip_gen: v7x
topology: tpu7x:2x2x1
jax: 0.10.2.dev20260603
libtpu: 0.0.44.dev20260713+nightly
codegen_flags: <defaults>
</compile_context>

<pallas_src>
import functools

import jax
import jax.numpy as jnp
import numpy as np
from jax import lax
from jax.experimental import pallas as pl
from jax.experimental.pallas import tpu as pltpu
from jax.experimental.pallas import tpu_sc as plsc

_N = 16777216
_L = 16
_NW = 32
_CH = 28672
_K = 5505024
_PER_W = _K // _NW
_CHUNKS = _PER_W // _CH
_TC_BLK = 262144


def _sc_spline(x, atab):
    mesh = plsc.VectorSubcoreMesh(core_axis_name="c", subcore_axis_name="s")

    @functools.partial(
        pl.kernel,
        out_type=jax.ShapeDtypeStruct((_K,), jnp.float32),
        mesh=mesh,
        scratch_types=[
            pltpu.VMEM((_CH,), jnp.float32),
            pltpu.VMEM((_CH,), jnp.float32),
            pltpu.VMEM((_CH,), jnp.float32),
            pltpu.VMEM((_CH,), jnp.float32),
            pltpu.VMEM((_L,), jnp.float32),
            pltpu.VMEM((_L,), jnp.float32),
            pltpu.VMEM((_L,), jnp.float32),
            pltpu.VMEM((_L,), jnp.float32),
            pltpu.VMEM((_L,), jnp.float32),
            pltpu.SemaphoreType.DMA,
            pltpu.SemaphoreType.DMA,
            pltpu.SemaphoreType.DMA,
            pltpu.SemaphoreType.DMA,
        ],
        compiler_params=pltpu.CompilerParams(needs_layout_passes=False),
    )
    def run(x_hbm, a_hbm, o_hbm, xb0, xb1, ob0, ob1, t0, t1, t2, t3, t4,
            si0, si1, so0, so1):
        wid = lax.axis_index("s") * 2 + lax.axis_index("c")
        base = wid * _PER_W
        tabs = (t0, t1, t2, t3, t4)
        for j in range(5):
            pltpu.sync_copy(a_hbm.at[j], tabs[j])

        xbufs, obufs = (xb0, xb1), (ob0, ob1)
        sins, souts = (si0, si1), (so0, so1)

        def compute(xbuf, obuf):
            @plsc.parallel_loop(0, _CH, _L, unroll=8)
            def body(s):
                xv = xbuf[pl.ds(s, _L)]
                xc = jnp.minimum(jnp.maximum(xv, -1.0), 1.0)
                f = (xc + 1.0) * 4.5 + 1e-5
                k0 = jnp.minimum(f.astype(jnp.int32), 9)
                kn = plsc.load_gather(t4, [k0])
                idx = jnp.maximum(jnp.where(xc <= kn, k0 - 1, k0), 0)
                a0 = plsc.load_gather(t0, [idx])
                a1 = plsc.load_gather(t1, [idx])
                a2 = plsc.load_gather(t2, [idx])
                a3 = plsc.load_gather(t3, [idx])
                obuf[pl.ds(s, _L)] = a0 + xc * (a1 + xc * (a2 + xc * a3))

        def off(g):
            return pl.multiple_of(base + g * _CH, 8)

        in_d = {0: pltpu.async_copy(x_hbm.at[pl.ds(off(0), _CH)], xb0, si0)}
        out_d = {}
        for g in range(_CHUNKS):
            cur = g % 2
            if g + 1 < _CHUNKS:
                in_d[g + 1] = pltpu.async_copy(
                    x_hbm.at[pl.ds(off(g + 1), _CH)],
                    xbufs[(g + 1) % 2], sins[(g + 1) % 2])
            in_d[g].wait()
            if g >= 2:
                out_d[g - 2].wait()
            compute(xbufs[cur], obufs[cur])
            out_d[g] = pltpu.async_copy(
                obufs[cur], o_hbm.at[pl.ds(off(g), _CH)], souts[cur])
        out_d[_CHUNKS - 2].wait()
        out_d[_CHUNKS - 1].wait()

    return run(x, atab)


def _tc_spline(x, atab):
    def body(a_ref, x_ref, o_ref):
        xc = jnp.minimum(jnp.maximum(x_ref[...], -1.0), 1.0)
        masks = [xc > a_ref[k, 4] for k in range(1, 9)]
        coeffs = []
        for j in range(4):
            aj = jnp.full_like(xc, a_ref[0, j])
            for k in range(1, 9):
                aj = jnp.where(masks[k - 1], a_ref[k, j], aj)
            coeffs.append(aj)
        a0, a1, a2, a3 = coeffs
        o_ref[...] = a0 + xc * (a1 + xc * (a2 + xc * a3))

    return pl.pallas_call(
        body,
        grid=((_N - _K) // _TC_BLK,),
        in_specs=[
            pl.BlockSpec(memory_space=pltpu.SMEM),
            pl.BlockSpec((_TC_BLK,), lambda i: (i + _K // _TC_BLK,)),
        ],
        out_specs=pl.BlockSpec((_TC_BLK,), lambda i: (i + _K // _TC_BLK,)),
        out_shape=jax.ShapeDtypeStruct((_N,), jnp.float32),
    )(atab, x)


def kernel(x, coefficients):
    knots = jnp.linspace(-1.0, 1.0, 10).astype(jnp.float32)
    lo, hi = knots[:-1], knots[1:]
    m = 1.0 / (hi - lo)
    b = -lo * m
    c0, c1, c2, c3 = (coefficients[:, i] for i in range(4))
    a0 = c0 + b * (c1 + b * (c2 + b * c3))
    a1 = m * (c1 + b * (2.0 * c2 + 3.0 * c3 * b))
    a2 = m * m * (c2 + 3.0 * c3 * b)
    a3 = m * m * m * c3
    atab_tc = jnp.stack([a0, a1, a2, a3], axis=-1)
    atab_sc = jnp.concatenate(
        [jnp.pad(atab_tc.T, ((0, 0), (0, _L - 9))),
         jnp.pad(knots, (0, _L - 10))[None],
         jnp.zeros((3, _L), jnp.float32)], axis=0)
    atab_tc5 = jnp.concatenate([atab_tc, knots[:9, None]], axis=1)
    sc_out = _sc_spline(x, atab_sc)
    tc_out = _tc_spline(x, atab_tc5)
    return lax.dynamic_update_slice(tc_out, sc_out, (0,))

# --- scband reference (transcript-rebuilt; emitter-appended) ---
"""Pipeline reference for scband-spline-function-5239860101392 (READ-ONLY COPY).

The authoritative reference and input builder live on the scoring server;
editing this copy changes nothing except your own understanding.
"""

import jax, jax.numpy as jnp
import numpy as np

NUM_KNOTS = 10
DEGREE = 3


def setup_inputs(seed: int = 0) -> dict:
    key = jax.random.key(seed)
    k1, k2 = jax.random.split(key)
    x = jax.random.normal(k1, (16777216,), dtype=jnp.float32)
    coefficients = (jax.random.normal(k2, (NUM_KNOTS - 1, DEGREE + 1), dtype=jnp.float32) * 0.1)
    return {"x": x, "coefficients": coefficients}


def reference(x, coefficients):
    knots = jnp.linspace(-1.0, 1.0, NUM_KNOTS).astype(jnp.float32)
    xc = jnp.clip(x, -1.0, 1.0)
    # torch.searchsorted(self.knots[1:], x) with right=False == jnp.searchsorted side='left'
    segment_idx = jnp.searchsorted(knots[1:], xc, side="left")
    segment_idx = jnp.clip(segment_idx, 0, NUM_KNOTS - 2)
    lo = knots[segment_idx]
    hi = knots[segment_idx + 1]
    t = (xc - lo) / (hi - lo)
    result = jnp.zeros_like(xc)
    for i in range(DEGREE + 1):
        result = result + coefficients[segment_idx, i] * t ** i
    return result

if __name__ == "__main__":
    import jax
    _d = setup_inputs()
    print(jax.jit(kernel)(*tuple(_d.values())))

</pallas_src>

<mosaic_0001>
#map = affine_map<(d0, d1) -> (0)>
#map1 = affine_map<(d0, d1) -> (0, 0)>
module attributes {stable_mosaic.version = 14 : i64} {
  func.func @run(%arg0: i32, %arg1: i32, %arg2: memref<16777216xf32, #tpu.memory_space<hbm>>, %arg3: memref<8x16xf32, #tpu.memory_space<hbm>>, %arg4: memref<5505024xf32, #tpu.memory_space<hbm>>, %arg5: memref<28672xf32, #tpu.memory_space<vmem>>, %arg6: memref<28672xf32, #tpu.memory_space<vmem>>, %arg7: memref<28672xf32, #tpu.memory_space<vmem>>, %arg8: memref<28672xf32, #tpu.memory_space<vmem>>, %arg9: memref<16xf32, #tpu.memory_space<vmem>>, %arg10: memref<16xf32, #tpu.memory_space<vmem>>, %arg11: memref<16xf32, #tpu.memory_space<vmem>>, %arg12: memref<16xf32, #tpu.memory_space<vmem>>, %arg13: memref<16xf32, #tpu.memory_space<vmem>>, %arg14: memref<!tpu.dma_semaphore, #tpu.memory_space<semaphore_mem>>, %arg15: memref<!tpu.dma_semaphore, #tpu.memory_space<semaphore_mem>>, %arg16: memref<!tpu.dma_semaphore, #tpu.memory_space<semaphore_mem>>, %arg17: memref<!tpu.dma_semaphore, #tpu.memory_space<semaphore_mem>>) attributes {dimension_semantics = [#tpu.dimension_semantics<core_parallel>, #tpu.dimension_semantics<subcore_parallel>], iteration_bounds = array<i64: 2, 16>, scalar_prefetch = 0 : i64, scratch_operands = 13 : i64, tpu.core_type = #tpu.core_type<sc_vector_subcore>, window_params = [{transform_indices = #map}, {transform_indices = #map1}, {transform_indices = #map}]} {
    %mul3A = arith.constant 2 : i32
    %mul3A_0 = arith.muli %arg1, %mul3A : i32
    %add3A = arith.addi %mul3A_0, %arg0 : i32
    %mul3A_1 = arith.constant 172032 : i32
    %mul3A_2 = arith.muli %add3A, %mul3A_1 : i32
    %run_scoped3A = arith.constant 0 : i32
    "tpu.region"() ({
      %run_scoped3A_105 = tpu.sem_alloc : memref<!tpu.dma_semaphore, #tpu.memory_space<semaphore_mem>>
      %dma_start3A_106 = arith.constant 0 : i32
      %dma_start3A_107 = tpu.memref_slice %arg3[%run_scoped3A, %dma_start3A_106] : memref<8x16xf32, #tpu.memory_space<hbm>> -> memref<1x16xf32, #tpu.memory_space<hbm>>
      %dma_start3A_108 = tpu.memref_squeeze %dma_start3A_107 : memref<1x16xf32, #tpu.memory_space<hbm>> -> memref<16xf32, #tpu.memory_space<hbm>>
      %dma_start3A_109 = arith.constant 0 : i32
      %dma_start3A_110 = tpu.memref_slice %arg3[%run_scoped3A, %dma_start3A_109] : memref<8x16xf32, #tpu.memory_space<hbm>> -> memref<1x16xf32, #tpu.memory_space<hbm>>
      %dma_start3A_111 = tpu.memref_squeeze %dma_start3A_110 : memref<1x16xf32, #tpu.memory_space<hbm>> -> memref<16xf32, #tpu.memory_space<hbm>>
      tpu.enqueue_dma source(%dma_start3A_111 : memref<16xf32, #tpu.memory_space<hbm>>) target(%arg9 : memref<16xf32, #tpu.memory_space<vmem>>) target_semaphore(%run_scoped3A_105 : memref<!tpu.dma_semaphore, #tpu.memory_space<semaphore_mem>>)
      %dma_wait3A_112 = arith.constant 0 : i32
      %dma_wait3A_113 = tpu.memref_slice %arg3[%run_scoped3A, %dma_wait3A_112] : memref<8x16xf32, #tpu.memory_space<hbm>> -> memref<1x16xf32, #tpu.memory_space<hbm>>
      %dma_wait3A_114 = tpu.memref_squeeze %dma_wait3A_113 : memref<1x16xf32, #tpu.memory_space<hbm>> -> memref<16xf32, #tpu.memory_space<hbm>>
      %dma_wait3A_115 = arith.constant 0 : i32
      %dma_wait3A_116 = tpu.memref_slice %arg3[%run_scoped3A, %dma_wait3A_115] : memref<8x16xf32, #tpu.memory_space<hbm>> -> memref<1x16xf32, #tpu.memory_space<hbm>>
      %dma_wait3A_117 = tpu.memref_squeeze %dma_wait3A_116 : memref<1x16xf32, #tpu.memory_space<hbm>> -> memref<16xf32, #tpu.memory_space<hbm>>
      tpu.wait_dma2 semaphore(%run_scoped3A_105 : memref<!tpu.dma_semaphore, #tpu.memory_space<semaphore_mem>>) src(%dma_wait3A_117 : memref<16xf32, #tpu.memory_space<hbm>>) dst(%arg9 : memref<16xf32, #tpu.memory_space<vmem>>)
      tpu.yield
    }) : () -> ()
    %run_scoped3A_3 = arith.constant 1 : i32
    "tpu.region"() ({
      %run_scoped3A_105 = tpu.sem_alloc : memref<!tpu.dma_semaphore, #tpu.memory_space<semaphore_mem>>
      %dma_start3A_106 = arith.constant 0 : i32
      %dma_start3A_107 = tpu.memref_slice %arg3[%run_scoped3A_3, %dma_start3A_106] : memref<8x16xf32, #tpu.memory_space<hbm>> -> memref<1x16xf32, #tpu.memory_space<hbm>>
      %dma_start3A_108 = tpu.memref_squeeze %dma_start3A_107 : memref<1x16xf32, #tpu.memory_space<hbm>> -> memref<16xf32, #tpu.memory_space<hbm>>
      %dma_start3A_109 = arith.constant 0 : i32
      %dma_start3A_110 = tpu.memref_slice %arg3[%run_scoped3A_3, %dma_start3A_109] : memref<8x16xf32, #tpu.memory_space<hbm>> -> memref<1x16xf32, #tpu.memory_space<hbm>>
      %dma_start3A_111 = tpu.memref_squeeze %dma_start3A_110 : memref<1x16xf32, #tpu.memory_space<hbm>> -> memref<16xf32, #tpu.memory_space<hbm>>
      tpu.enqueue_dma source(%dma_start3A_111 : memref<16xf32, #tpu.memory_space<hbm>>) target(%arg10 : memref<16xf32, #tpu.memory_space<vmem>>) target_semaphore(%run_scoped3A_105 : memref<!tpu.dma_semaphore, #tpu.memory_space<semaphore_mem>>)
      %dma_wait3A_112 = arith.constant 0 : i32
      %dma_wait3A_113 = tpu.memref_slice %arg3[%run_scoped3A_3, %dma_wait3A_112] : memref<8x16xf32, #tpu.memory_space<hbm>> -> memref<1x16xf32, #tpu.memory_space<hbm>>
      %dma_wait3A_114 = tpu.memref_squeeze %dma_wait3A_113 : memref<1x16xf32, #tpu.memory_space<hbm>> -> memref<16xf32, #tpu.memory_space<hbm>>
      %dma_wait3A_115 = arith.constant 0 : i32
      %dma_wait3A_116 = tpu.memref_slice %arg3[%run_scoped3A_3, %dma_wait3A_115] : memref<8x16xf32, #tpu.memory_space<hbm>> -> memref<1x16xf32, #tpu.memory_space<hbm>>
      %dma_wait3A_117 = tpu.memref_squeeze %dma_wait3A_116 : memref<1x16xf32, #tpu.memory_space<hbm>> -> memref<16xf32, #tpu.memory_space<hbm>>
      tpu.wait_dma2 semaphore(%run_scoped3A_105 : memref<!tpu.dma_semaphore, #tpu.memory_space<semaphore_mem>>) src(%dma_wait3A_117 : memref<16xf32, #tpu.memory_space<hbm>>) dst(%arg10 : memref<16xf32, #tpu.memory_space<vmem>>)
      tpu.yield
    }) : () -> ()
    %run_scoped3A_4 = arith.constant 2 : i32
    "tpu.region"() ({
      %run_scoped3A_105 = tpu.sem_alloc : memref<!tpu.dma_semaphore, #tpu.memory_space<semaphore_mem>>
      %dma_start3A_106 = arith.constant 0 : i32
      %dma_start3A_107 = tpu.memref_slice %arg3[%run_scoped3A_4, %dma_start3A_106] : memref<8x16xf32, #tpu.memory_space<hbm>> -> memref<1x16xf32, #tpu.memory_space<hbm>>
      %dma_start3A_108 = tpu.memref_squeeze %dma_start3A_107 : memref<1x16xf32, #tpu.memory_space<hbm>> -> memref<16xf32, #tpu.memory_space<hbm>>
      %dma_start3A_109 = arith.constant 0 : i32
      %dma_start3A_110 = tpu.memref_slice %arg3[%run_scoped3A_4, %dma_start3A_109] : memref<8x16xf32, #tpu.memory_space<hbm>> -> memref<1x16xf32, #tpu.memory_space<hbm>>
      %dma_start3A_111 = tpu.memref_squeeze %dma_start3A_110 : memref<1x16xf32, #tpu.memory_space<hbm>> -> memref<16xf32, #tpu.memory_space<hbm>>
      tpu.enqueue_dma source(%dma_start3A_111 : memref<16xf32, #tpu.memory_space<hbm>>) target(%arg11 : memref<16xf32, #tpu.memory_space<vmem>>) target_semaphore(%run_scoped3A_105 : memref<!tpu.dma_semaphore, #tpu.memory_space<semaphore_mem>>)
      %dma_wait3A_112 = arith.constant 0 : i32
      %dma_wait3A_113 = tpu.memref_slice %arg3[%run_scoped3A_4, %dma_wait3A_112] : memref<8x16xf32, #tpu.memory_space<hbm>> -> memref<1x16xf32, #tpu.memory_space<hbm>>
      %dma_wait3A_114 = tpu.memref_squeeze %dma_wait3A_113 : memref<1x16xf32, #tpu.memory_space<hbm>> -> memref<16xf32, #tpu.memory_space<hbm>>
      %dma_wait3A_115 = arith.constant 0 : i32
      %dma_wait3A_116 = tpu.memref_slice %arg3[%run_scoped3A_4, %dma_wait3A_115] : memref<8x16xf32, #tpu.memory_space<hbm>> -> memref<1x16xf32, #tpu.memory_space<hbm>>
      %dma_wait3A_117 = tpu.memref_squeeze %dma_wait3A_116 : memref<1x16xf32, #tpu.memory_space<hbm>> -> memref<16xf32, #tpu.memory_space<hbm>>
      tpu.wait_dma2 semaphore(%run_scoped3A_105 : memref<!tpu.dma_semaphore, #tpu.memory_space<semaphore_mem>>) src(%dma_wait3A_117 : memref<16xf32, #tpu.memory_space<hbm>>) dst(%arg11 : memref<16xf32, #tpu.memory_space<vmem>>)
      tpu.yield
    }) : () -> ()
    %run_scoped3A_5 = arith.constant 3 : i32
    "tpu.region"() ({
      %run_scoped3A_105 = tpu.sem_alloc : memref<!tpu.dma_semaphore, #tpu.memory_space<semaphore_mem>>
      %dma_start3A_106 = arith.constant 0 : i32
      %dma_start3A_107 = tpu.memref_slice %arg3[%run_scoped3A_5, %dma_start3A_106] : memref<8x16xf32, #tpu.memory_space<hbm>> -> memref<1x16xf32, #tpu.memory_space<hbm>>
      %dma_start3A_108 = tpu.memref_squeeze %dma_start3A_107 : memref<1x16xf32, #tpu.memory_space<hbm>> -> memref<16xf32, #tpu.memory_space<hbm>>
      %dma_start3A_109 = arith.constant 0 : i32
      %dma_start3A_110 = tpu.memref_slice %arg3[%run_scoped3A_5, %dma_start3A_109] : memref<8x16xf32, #tpu.memory_space<hbm>> -> memref<1x16xf32, #tpu.memory_space<hbm>>
      %dma_start3A_111 = tpu.memref_squeeze %dma_start3A_110 : memref<1x16xf32, #tpu.memory_space<hbm>> -> memref<16xf32, #tpu.memory_space<hbm>>
      tpu.enqueue_dma source(%dma_start3A_111 : memref<16xf32, #tpu.memory_space<hbm>>) target(%arg12 : memref<16xf32, #tpu.memory_space<vmem>>) target_semaphore(%run_scoped3A_105 : memref<!tpu.dma_semaphore, #tpu.memory_space<semaphore_mem>>)
      %dma_wait3A_112 = arith.constant 0 : i32
      %dma_wait3A_113 = tpu.memref_slice %arg3[%run_scoped3A_5, %dma_wait3A_112] : memref<8x16xf32, #tpu.memory_space<hbm>> -> memref<1x16xf32, #tpu.memory_space<hbm>>
      %dma_wait3A_114 = tpu.memref_squeeze %dma_wait3A_113 : memref<1x16xf32, #tpu.memory_space<hbm>> -> memref<16xf32, #tpu.memory_space<hbm>>
      %dma_wait3A_115 = arith.constant 0 : i32
      %dma_wait3A_116 = tpu.memref_slice %arg3[%run_scoped3A_5, %dma_wait3A_115] : memref<8x16xf32, #tpu.memory_space<hbm>> -> memref<1x16xf32, #tpu.memory_space<hbm>>
      %dma_wait3A_117 = tpu.memref_squeeze %dma_wait3A_116 : memref<1x16xf32, #tpu.memory_space<hbm>> -> memref<16xf32, #tpu.memory_space<hbm>>
      tpu.wait_dma2 semaphore(%run_scoped3A_105 : memref<!tpu.dma_semaphore, #tpu.memory_space<semaphore_mem>>) src(%dma_wait3A_117 : memref<16xf32, #tpu.memory_space<hbm>>) dst(%arg12 : memref<16xf32, #tpu.memory_space<vmem>>)
      tpu.yield
    }) : () -> ()
    %run_scoped3A_6 = arith.constant 4 : i32
    "tpu.region"() ({
      %run_scoped3A_105 = tpu.sem_alloc : memref<!tpu.dma_semaphore, #tpu.memory_space<semaphore_mem>>
      %dma_start3A_106 = arith.constant 0 : i32
      %dma_start3A_107 = tpu.memref_slice %arg3[%run_scoped3A_6, %dma_start3A_106] : memref<8x16xf32, #tpu.memory_space<hbm>> -> memref<1x16xf32, #tpu.memory_space<hbm>>
      %dma_start3A_108 = tpu.memref_squeeze %dma_start3A_107 : memref<1x16xf32, #tpu.memory_space<hbm>> -> memref<16xf32, #tpu.memory_space<hbm>>
      %dma_start3A_109 = arith.constant 0 : i32
      %dma_start3A_110 = tpu.memref_slice %arg3[%run_scoped3A_6, %dma_start3A_109] : memref<8x16xf32, #tpu.memory_space<hbm>> -> memref<1x16xf32, #tpu.memory_space<hbm>>
      %dma_start3A_111 = tpu.memref_squeeze %dma_start3A_110 : memref<1x16xf32, #tpu.memory_space<hbm>> -> memref<16xf32, #tpu.memory_space<hbm>>
      tpu.enqueue_dma source(%dma_start3A_111 : memref<16xf32, #tpu.memory_space<hbm>>) target(%arg13 : memref<16xf32, #tpu.memory_space<vmem>>) target_semaphore(%run_scoped3A_105 : memref<!tpu.dma_semaphore, #tpu.memory_space<semaphore_mem>>)
      %dma_wait3A_112 = arith.constant 0 : i32
      %dma_wait3A_113 = tpu.memref_slice %arg3[%run_scoped3A_6, %dma_wait3A_112] : memref<8x16xf32, #tpu.memory_space<hbm>> -> memref<1x16xf32, #tpu.memory_space<hbm>>
      %dma_wait3A_114 = tpu.memref_squeeze %dma_wait3A_113 : memref<1x16xf32, #tpu.memory_space<hbm>> -> memref<16xf32, #tpu.memory_space<hbm>>
      %dma_wait3A_115 = arith.constant 0 : i32
      %dma_wait3A_116 = tpu.memref_slice %arg3[%run_scoped3A_6, %dma_wait3A_115] : memref<8x16xf32, #tpu.memory_space<hbm>> -> memref<1x16xf32, #tpu.memory_space<hbm>>
      %dma_wait3A_117 = tpu.memref_squeeze %dma_wait3A_116 : memref<1x16xf32, #tpu.memory_space<hbm>> -> memref<16xf32, #tpu.memory_space<hbm>>
      tpu.wait_dma2 semaphore(%run_scoped3A_105 : memref<!tpu.dma_semaphore, #tpu.memory_space<semaphore_mem>>) src(%dma_wait3A_117 : memref<16xf32, #tpu.memory_space<hbm>>) dst(%arg13 : memref<16xf32, #tpu.memory_space<vmem>>)
      tpu.yield
    }) : () -> ()
    %add3A_7 = arith.constant 0 : i32
    %add3A_8 = arith.addi %mul3A_2, %add3A_7 : i32
    %multiple_of3A = tpu.assume_multiple %add3A_8, 8 : i32
    %dma_start3A = tpu.memref_slice %arg2[%multiple_of3A] : memref<16777216xf32, #tpu.memory_space<hbm>> -> memref<28672xf32, #tpu.memory_space<hbm>>
    %dma_start3A_9 = tpu.memref_slice %arg2[%multiple_of3A] : memref<16777216xf32, #tpu.memory_space<hbm>> -> memref<28672xf32, #tpu.memory_space<hbm>>
    tpu.enqueue_dma source(%dma_start3A_9 : memref<28672xf32, #tpu.memory_space<hbm>>) target(%arg5 : memref<28672xf32, #tpu.memory_space<vmem>>) target_semaphore(%arg14 : memref<!tpu.dma_semaphore, #tpu.memory_space<semaphore_mem>>)
    %add3A_10 = arith.constant 28672 : i32
    %add3A_11 = arith.addi %mul3A_2, %add3A_10 : i32
    %multiple_of3A_12 = tpu.assume_multiple %add3A_11, 8 : i32
    %dma_start3A_13 = tpu.memref_slice %arg2[%multiple_of3A_12] : memref<16777216xf32, #tpu.memory_space<hbm>> -> memref<28672xf32, #tpu.memory_space<hbm>>
    %dma_start3A_14 = tpu.memref_slice %arg2[%multiple_of3A_12] : memref<16777216xf32, #tpu.memory_space<hbm>> -> memref<28672xf32, #tpu.memory_space<hbm>>
    tpu.enqueue_dma source(%dma_start3A_14 : memref<28672xf32, #tpu.memory_space<hbm>>) target(%arg6 : memref<28672xf32, #tpu.memory_space<vmem>>) target_semaphore(%arg15 : memref<!tpu.dma_semaphore, #tpu.memory_space<semaphore_mem>>)
    %dma_wait3A = tpu.memref_slice %arg2[%multiple_of3A] : memref<16777216xf32, #tpu.memory_space<hbm>> -> memref<28672xf32, #tpu.memory_space<hbm>>
    %dma_wait3A_15 = tpu.memref_slice %arg2[%multiple_of3A] : memref<16777216xf32, #tpu.memory_space<hbm>> -> memref<28672xf32, #tpu.memory_space<hbm>>
    tpu.wait_dma2 semaphore(%arg14 : memref<!tpu.dma_semaphore, #tpu.memory_space<semaphore_mem>>) src(%dma_wait3A_15 : memref<28672xf32, #tpu.memory_space<hbm>>) dst(%arg5 : memref<28672xf32, #tpu.memory_space<vmem>>)
    %parallel_loop3A = arith.constant 0 : i32
    %parallel_loop3A_16 = arith.constant 28672 : i32
    %parallel_loop3A_17 = arith.constant 16 : i32
    scf.for %parallel_loop3A_105 = %parallel_loop3A to %parallel_loop3A_16 step %parallel_loop3A_17  : i32 {
      %parallel_loop3A_106 = arith.index_cast %parallel_loop3A_105 : i32 to index
      %parallel_loop3A_107 = tpu.vector_load %arg5[%parallel_loop3A_106] {strides = array<i32>} : memref<28672xf32, #tpu.memory_space<vmem>>, vector<16xf32>,
      %parallel_loop3A_108 = arith.constant -1.000000e+00 : f32
      %parallel_loop3A_109 = vector.broadcast %parallel_loop3A_108 : f32 to vector<16xf32>
      %parallel_loop3A_110 = arith.maximumf %parallel_loop3A_107, %parallel_loop3A_109 : vector<16xf32>
      %parallel_loop3A_111 = arith.constant 1.000000e+00 : f32
      %parallel_loop3A_112 = vector.broadcast %parallel_loop3A_111 : f32 to vector<16xf32>
      %parallel_loop3A_113 = arith.minimumf %parallel_loop3A_110, %parallel_loop3A_112 : vector<16xf32>
      %parallel_loop3A_114 = arith.constant 1.000000e+00 : f32
      %parallel_loop3A_115 = vector.broadcast %parallel_loop3A_114 : f32 to vector<16xf32>
      %parallel_loop3A_116 = arith.addf %parallel_loop3A_113, %parallel_loop3A_115 : vector<16xf32>
      %parallel_loop3A_117 = arith.constant 4.500000e+00 : f32
      %parallel_loop3A_118 = vector.broadcast %parallel_loop3A_117 : f32 to vector<16xf32>
      %parallel_loop3A_119 = arith.mulf %parallel_loop3A_116, %parallel_loop3A_118 : vector<16xf32>
      %parallel_loop3A_120 = arith.constant 9.99999974E-6 : f32
      %parallel_loop3A_121 = vector.broadcast %parallel_loop3A_120 : f32 to vector<16xf32>
      %parallel_loop3A_122 = arith.addf %parallel_loop3A_119, %parallel_loop3A_121 : vector<16xf32>
      %parallel_loop3A_123 = arith.fptosi %parallel_loop3A_122 : vector<16xf32> to vector<16xi32>
      %parallel_loop3A_124 = arith.constant 9 : i32
      %parallel_loop3A_125 = vector.broadcast %parallel_loop3A_124 : i32 to vector<16xi32>
      %parallel_loop3A_126 = arith.minsi %parallel_loop3A_123, %parallel_loop3A_125 : vector<16xi32>
      %parallel_loop3A_127 = tpu.vector_load_idx %arg13[%parallel_loop3A_126] : memref<16xf32, #tpu.memory_space<vmem>>[vector<16xi32>], vector<16xf32>,
      %parallel_loop3A_128 = arith.cmpf ole, %parallel_loop3A_113, %parallel_loop3A_127 : vector<16xf32>
      %parallel_loop3A_129 = arith.constant 1 : i32
      %parallel_loop3A_130 = vector.broadcast %parallel_loop3A_129 : i32 to vector<16xi32>
      %parallel_loop3A_131 = arith.subi %parallel_loop3A_126, %parallel_loop3A_130 : vector<16xi32>
      %parallel_loop3A_132 = arith.select %parallel_loop3A_128, %parallel_loop3A_131, %parallel_loop3A_126 : vector<16xi1>, vector<16xi32>
      %parallel_loop3A_133 = arith.constant 0 : i32
      %parallel_loop3A_134 = vector.broadcast %parallel_loop3A_133 : i32 to vector<16xi32>
      %parallel_loop3A_135 = arith.maxsi %parallel_loop3A_132, %parallel_loop3A_134 : vector<16xi32>
      %parallel_loop3A_136 = tpu.vector_load_idx %arg9[%parallel_loop3A_135] : memref<16xf32, #tpu.memory_space<vmem>>[vector<16xi32>], vector<16xf32>,
      %parallel_loop3A_137 = tpu.vector_load_idx %arg10[%parallel_loop3A_135] : memref<16xf32, #tpu.memory_space<vmem>>[vector<16xi32>], vector<16xf32>,
      %parallel_loop3A_138 = tpu.vector_load_idx %arg11[%parallel_loop3A_135] : memref<16xf32, #tpu.memory_space<vmem>>[vector<16xi32>], vector<16xf32>,
      %parallel_loop3A_139 = tpu.vector_load_idx %arg12[%parallel_loop3A_135] : memref<16xf32, #tpu.memory_space<vmem>>[vector<16xi32>], vector<16xf32>,
      %parallel_loop3A_140 = arith.mulf %parallel_loop3A_113, %parallel_loop3A_139 : vector<16xf32>
      %parallel_loop3A_141 = arith.addf %parallel_loop3A_138, %parallel_loop3A_140 : vector<16xf32>
      %parallel_loop3A_142 = arith.mulf %parallel_loop3A_113, %parallel_loop3A_141 : vector<16xf32>
      %parallel_loop3A_143 = arith.addf %parallel_loop3A_137, %parallel_loop3A_142 : vector<16xf32>
      %parallel_loop3A_144 = arith.mulf %parallel_loop3A_113, %parallel_loop3A_143 : vector<16xf32>
      %parallel_loop3A_145 = arith.addf %parallel_loop3A_136, %parallel_loop3A_144 : vector<16xf32>
      %parallel_loop3A_146 = arith.index_cast %parallel_loop3A_105 : i32 to index
      %parallel_loop3A_147 = tpu.vector_load %arg7[%parallel_loop3A_146] {strides = array<i32>} : memref<28672xf32, #tpu.memory_space<vmem>>, vector<16xf32>,
      tpu.vector_store %arg7[%parallel_loop3A_146], %parallel_loop3A_145 {strides = array<i32>} : memref<28672xf32, #tpu.memory_space<vmem>>, vector<16xf32>,
    } {sc.loop_unroll_factor = 8 : i64, sc.parallel_access}
    %add3A_18 = arith.constant 0 : i32
    %add3A_19 = arith.addi %mul3A_2, %add3A_18 : i32
    %multiple_of3A_20 = tpu.assume_multiple %add3A_19, 8 : i32
    %dma_start3A_21 = tpu.memref_slice %arg4[%multiple_of3A_20] : memref<5505024xf32, #tpu.memory_space<hbm>> -> memref<28672xf32, #tpu.memory_space<hbm>>
    %dma_start3A_22 = tpu.memref_slice %arg4[%multiple_of3A_20] : memref<5505024xf32, #tpu.memory_space<hbm>> -> memref<28672xf32, #tpu.memory_space<hbm>>
    tpu.enqueue_dma source(%arg7 : memref<28672xf32, #tpu.memory_space<vmem>>) target(%dma_start3A_22 : memref<28672xf32, #tpu.memory_space<hbm>>) target_semaphore(%arg16 : memref<!tpu.dma_semaphore, #tpu.memory_space<semaphore_mem>>)
    %add3A_23 = arith.constant 57344 : i32
    %add3A_24 = arith.addi %mul3A_2, %add3A_23 : i32
    %multiple_of3A_25 = tpu.assume_multiple %add3A_24, 8 : i32
    %dma_start3A_26 = tpu.memref_slice %arg2[%multiple_of3A_25] : memref<16777216xf32, #tpu.memory_space<hbm>> -> memref<28672xf32, #tpu.memory_space<hbm>>
    %dma_start3A_27 = tpu.memref_slice %arg2[%multiple_of3A_25] : memref<16777216xf32, #tpu.memory_space<hbm>> -> memref<28672xf32, #tpu.memory_space<hbm>>
    tpu.enqueue_dma source(%dma_start3A_27 : memref<28672xf32, #tpu.memory_space<hbm>>) target(%arg5 : memref<28672xf32, #tpu.memory_space<vmem>>) target_semaphore(%arg14 : memref<!tpu.dma_semaphore, #tpu.memory_space<semaphore_mem>>)
    %dma_wait3A_28 = tpu.memref_slice %arg2[%multiple_of3A_12] : memref<16777216xf32, #tpu.memory_space<hbm>> -> memref<28672xf32, #tpu.memory_space<hbm>>
    %dma_wait3A_29 = tpu.memref_slice %arg2[%multiple_of3A_12] : memref<16777216xf32, #tpu.memory_space<hbm>> -> memref<28672xf32, #tpu.memory_space<hbm>>
    tpu.wait_dma2 semaphore(%arg15 : memref<!tpu.dma_semaphore, #tpu.memory_space<semaphore_mem>>) src(%dma_wait3A_29 : memref<28672xf32, #tpu.memory_space<hbm>>) dst(%arg6 : memref<28672xf32, #tpu.memory_space<vmem>>)
    %parallel_loop3A_30 = arith.constant 0 : i32
    %parallel_loop3A_31 = arith.constant 28672 : i32
    %parallel_loop3A_32 = arith.constant 16 : i32
    scf.for %parallel_loop3A_105 = %parallel_loop3A_30 to %parallel_loop3A_31 step %parallel_loop3A_32  : i32 {
      %parallel_loop3A_106 = arith.index_cast %parallel_loop3A_105 : i32 to index
      %parallel_loop3A_107 = tpu.vector_load %arg6[%parallel_loop3A_106] {strides = array<i32>} : memref<28672xf32, #tpu.memory_space<vmem>>, vector<16xf32>,
      %parallel_loop3A_108 = arith.constant -1.000000e+00 : f32
      %parallel_loop3A_109 = vector.broadcast %parallel_loop3A_108 : f32 to vector<16xf32>
      %parallel_loop3A_110 = arith.maximumf %parallel_loop3A_107, %parallel_loop3A_109 : vector<16xf32>
      %parallel_loop3A_111 = arith.constant 1.000000e+00 : f32
      %parallel_loop3A_112 = vector.broadcast %parallel_loop3A_111 : f32 to vector<16xf32>
      %parallel_loop3A_113 = arith.minimumf %parallel_loop3A_110, %parallel_loop3A_112 : vector<16xf32>
      %parallel_loop3A_114 = arith.constant 1.000000e+00 : f32
      %parallel_loop3A_115 = vector.broadcast %parallel_loop3A_114 : f32 to vector<16xf32>
      %parallel_loop3A_116 = arith.addf %parallel_loop3A_113, %parallel_loop3A_115 : vector<16xf32>
      %parallel_loop3A_117 = arith.constant 4.500000e+00 : f32
      %parallel_loop3A_118 = vector.broadcast %parallel_loop3A_117 : f32 to vector<16xf32>
      %parallel_loop3A_119 = arith.mulf %parallel_loop3A_116, %parallel_loop3A_118 : vector<16xf32>
      %parallel_loop3A_120 = arith.constant 9.99999974E-6 : f32
      %parallel_loop3A_121 = vector.broadcast %parallel_loop3A_120 : f32 to vector<16xf32>
      %parallel_loop3A_122 = arith.addf %parallel_loop3A_119, %parallel_loop3A_121 : vector<16xf32>
      %parallel_loop3A_123 = arith.fptosi %parallel_loop3A_122 : vector<16xf32> to vector<16xi32>
      %parallel_loop3A_124 = arith.constant 9 : i32
      %parallel_loop3A_125 = vector.broadcast %parallel_loop3A_124 : i32 to vector<16xi32>
      %parallel_loop3A_126 = arith.minsi %parallel_loop3A_123, %parallel_loop3A_125 : vector<16xi32>
      %parallel_loop3A_127 = tpu.vector_load_idx %arg13[%parallel_loop3A_126] : memref<16xf32, #tpu.memory_space<vmem>>[vector<16xi32>], vector<16xf32>,
      %parallel_loop3A_128 = arith.cmpf ole, %parallel_loop3A_113, %parallel_loop3A_127 : vector<16xf32>
      %parallel_loop3A_129 = arith.constant 1 : i32
      %parallel_loop3A_130 = vector.broadcast %parallel_loop3A_129 : i32 to vector<16xi32>
      %parallel_loop3A_131 = arith.subi %parallel_loop3A_126, %parallel_loop3A_130 : vector<16xi32>
      %parallel_loop3A_132 = arith.select %parallel_loop3A_128, %parallel_loop3A_131, %parallel_loop3A_126 : vector<16xi1>, vector<16xi32>
      %parallel_loop3A_133 = arith.constant 0 : i32
      %parallel_loop3A_134 = vector.broadcast %parallel_loop3A_133 : i32 to vector<16xi32>
      %parallel_loop3A_135 = arith.maxsi %parallel_loop3A_132, %parallel_loop3A_134 : vector<16xi32>
      %parallel_loop3A_136 = tpu.vector_load_idx %arg9[%parallel_loop3A_135] : memref<16xf32, #tpu.memory_space<vmem>>[vector<16xi32>], vector<16xf32>,
      %parallel_loop3A_137 = tpu.vector_load_idx %arg10[%parallel_loop3A_135] : memref<16xf32, #tpu.memory_space<vmem>>[vector<16xi32>], vector<16xf32>,
      %parallel_loop3A_138 = tpu.vector_load_idx %arg11[%parallel_loop3A_135] : memref<16xf32, #tpu.memory_space<vmem>>[vector<16xi32>], vector<16xf32>,
      %parallel_loop3A_139 = tpu.vector_load_idx %arg12[%parallel_loop3A_135] : memref<16xf32, #tpu.memory_space<vmem>>[vector<16xi32>], vector<16xf32>,
      %parallel_loop3A_140 = arith.mulf %parallel_loop3A_113, %parallel_loop3A_139 : vector<16xf32>
      %parallel_loop3A_141 = arith.addf %parallel_loop3A_138, %parallel_loop3A_140 : vector<16xf32>
      %parallel_loop3A_142 = arith.mulf %parallel_loop3A_113, %parallel_loop3A_141 : vector<16xf32>
      %parallel_loop3A_143 = arith.addf %parallel_loop3A_137, %parallel_loop3A_142 : vector<16xf32>
      %parallel_loop3A_144 = arith.mulf %parallel_loop3A_113, %parallel_loop3A_143 : vector<16xf32>
      %parallel_loop3A_145 = arith.addf %parallel_loop3A_136, %parallel_loop3A_144 : vector<16xf32>
      %parallel_loop3A_146 = arith.index_cast %parallel_loop3A_105 : i32 to index
      %parallel_loop3A_147 = tpu.vector_load %arg8[%parallel_loop3A_146] {strides = array<i32>} : memref<28672xf32, #tpu.memory_space<vmem>>, vector<16xf32>,
      tpu.vector_store %arg8[%parallel_loop3A_146], %parallel_loop3A_145 {strides = array<i32>} : memref<28672xf32, #tpu.memory_space<vmem>>, vector<16xf32>,
    } {sc.loop_unroll_factor = 8 : i64, sc.parallel_access}
    %add3A_33 = arith.constant 28672 : i32
    %add3A_34 = arith.addi %mul3A_2, %add3A_33 : i32
    %multiple_of3A_35 = tpu.assume_multiple %add3A_34, 8 : i32
    %dma_start3A_36 = tpu.memref_slice %arg4[%multiple_of3A_35] : memref<5505024xf32, #tpu.memory_space<hbm>> -> memref<28672xf32, #tpu.memory_space<hbm>>
    %dma_start3A_37 = tpu.memref_slice %arg4[%multiple_of3A_35] : memref<5505024xf32, #tpu.memory_space<hbm>> -> memref<28672xf32, #tpu.memory_space<hbm>>
    tpu.enqueue_dma source(%arg8 : memref<28672xf32, #tpu.memory_space<vmem>>) target(%dma_start3A_37 : memref<28672xf32, #tpu.memory_space<hbm>>) target_semaphore(%arg17 : memref<!tpu.dma_semaphore, #tpu.memory_space<semaphore_mem>>)
    %add3A_38 = arith.constant 86016 : i32
    %add3A_39 = arith.addi %mul3A_2, %add3A_38 : i32
    %multiple_of3A_40 = tpu.assume_multiple %add3A_39, 8 : i32
    %dma_start3A_41 = tpu.memref_slice %arg2[%multiple_of3A_40] : memref<16777216xf32, #tpu.memory_space<hbm>> -> memref<28672xf32, #tpu.memory_space<hbm>>
    %dma_start3A_42 = tpu.memref_slice %arg2[%multiple_of3A_40] : memref<16777216xf32, #tpu.memory_space<hbm>> -> memref<28672xf32, #tpu.memory_space<hbm>>
    tpu.enqueue_dma source(%dma_start3A_42 : memref<28672xf32, #tpu.memory_space<hbm>>) target(%arg6 : memref<28672xf32, #tpu.memory_space<vmem>>) target_semaphore(%arg15 : memref<!tpu.dma_semaphore, #tpu.memory_space<semaphore_mem>>)
    %dma_wait3A_43 = tpu.memref_slice %arg2[%multiple_of3A_25] : memref<16777216xf32, #tpu.memory_space<hbm>> -> memref<28672xf32, #tpu.memory_space<hbm>>
    %dma_wait3A_44 = tpu.memref_slice %arg2[%multiple_of3A_25] : memref<16777216xf32, #tpu.memory_space<hbm>> -> memref<28672xf32, #tpu.memory_space<hbm>>
    tpu.wait_dma2 semaphore(%arg14 : memref<!tpu.dma_semaphore, #tpu.memory_space<semaphore_mem>>) src(%dma_wait3A_44 : memref<28672xf32, #tpu.memory_space<hbm>>) dst(%arg5 : memref<28672xf32, #tpu.memory_space<vmem>>)
    %dma_wait3A_45 = tpu.memref_slice %arg4[%multiple_of3A_20] : memref<5505024xf32, #tpu.memory_space<hbm>> -> memref<28672xf32, #tpu.memory_space<hbm>>
    %dma_wait3A_46 = tpu.memref_slice %arg4[%multiple_of3A_20] : memref<5505024xf32, #tpu.memory_space<hbm>> -> memref<28672xf32, #tpu.memory_space<hbm>>
    tpu.wait_dma2 semaphore(%arg16 : memref<!tpu.dma_semaphore, #tpu.memory_space<semaphore_mem>>) src(%arg7 : memref<28672xf32, #tpu.memory_space<vmem>>) dst(%dma_wait3A_46 : memref<28672xf32, #tpu.memory_space<hbm>>)
    %parallel_loop3A_47 = arith.constant 0 : i32
    %parallel_loop3A_48 = arith.constant 28672 : i32
    %parallel_loop3A_49 = arith.constant 16 : i32
    scf.for %parallel_loop3A_105 = %parallel_loop3A_47 to %parallel_loop3A_48 step %parallel_loop3A_49  : i32 {
      %parallel_loop3A_106 = arith.index_cast %parallel_loop3A_105 : i32 to index
      %parallel_loop3A_107 = tpu.vector_load %arg5[%parallel_loop3A_106] {strides = array<i32>} : memref<28672xf32, #tpu.memory_space<vmem>>, vector<16xf32>,
      %parallel_loop3A_108 = arith.constant -1.000000e+00 : f32
      %parallel_loop3A_109 = vector.broadcast %parallel_loop3A_108 : f32 to vector<16xf32>
      %parallel_loop3A_110 = arith.maximumf %parallel_loop3A_107, %parallel_loop3A_109 : vector<16xf32>
      %parallel_loop3A_111 = arith.constant 1.000000e+00 : f32
      %parallel_loop3A_112 = vector.broadcast %parallel_loop3A_111 : f32 to vector<16xf32>
      %parallel_loop3A_113 = arith.minimumf %parallel_loop3A_110, %parallel_loop3A_112 : vector<16xf32>
      %parallel_loop3A_114 = arith.constant 1.000000e+00 : f32
      %parallel_loop3A_115 = vector.broadcast %parallel_loop3A_114 : f32 to vector<16xf32>
      %parallel_loop3A_116 = arith.addf %parallel_loop3A_113, %parallel_loop3A_115 : vector<16xf32>
      %parallel_loop3A_117 = arith.constant 4.500000e+00 : f32
      %parallel_loop3A_118 = vector.broadcast %parallel_loop3A_117 : f32 to vector<16xf32>
      %parallel_loop3A_119 = arith.mulf %parallel_loop3A_116, %parallel_loop3A_118 : vector<16xf32>
      %parallel_loop3A_120 = arith.constant 9.99999974E-6 : f32
      %parallel_loop3A_121 = vector.broadcast %parallel_loop3A_120 : f32 to vector<16xf32>
      %parallel_loop3A_122 = arith.addf %parallel_loop3A_119, %parallel_loop3A_121 : vector<16xf32>
      %parallel_loop3A_123 = arith.fptosi %parallel_loop3A_122 : vector<16xf32> to vector<16xi32>
      %parallel_loop3A_124 = arith.constant 9 : i32
      %parallel_loop3A_125 = vector.broadcast %parallel_loop3A_124 : i32 to vector<16xi32>
      %parallel_loop3A_126 = arith.minsi %parallel_loop3A_123, %parallel_loop3A_125 : vector<16xi32>
      %parallel_loop3A_127 = tpu.vector_load_idx %arg13[%parallel_loop3A_126] : memref<16xf32, #tpu.memory_space<vmem>>[vector<16xi32>], vector<16xf32>,
      %parallel_loop3A_128 = arith.cmpf ole, %parallel_loop3A_113, %parallel_loop3A_127 : vector<16xf32>
      %parallel_loop3A_129 = arith.constant 1 : i32
      %parallel_loop3A_130 = vector.broadcast %parallel_loop3A_129 : i32 to vector<16xi32>
      %parallel_loop3A_131 = arith.subi %parallel_loop3A_126, %parallel_loop3A_130 : vector<16xi32>
      %parallel_loop3A_132 = arith.select %parallel_loop3A_128, %parallel_loop3A_131, %parallel_loop3A_126 : vector<16xi1>, vector<16xi32>
      %parallel_loop3A_133 = arith.constant 0 : i32
      %parallel_loop3A_134 = vector.broadcast %parallel_loop3A_133 : i32 to vector<16xi32>
      %parallel_loop3A_135 = arith.maxsi %parallel_loop3A_132, %parallel_loop3A_134 : vector<16xi32>
      %parallel_loop3A_136 = tpu.vector_load_idx %arg9[%parallel_loop3A_135] : memref<16xf32, #tpu.memory_space<vmem>>[vector<16xi32>], vector<16xf32>,
      %parallel_loop3A_137 = tpu.vector_load_idx %arg10[%parallel_loop3A_135] : memref<16xf32, #tpu.memory_space<vmem>>[vector<16xi32>], vector<16xf32>,
      %parallel_loop3A_138 = tpu.vector_load_idx %arg11[%parallel_loop3A_135] : memref<16xf32, #tpu.memory_space<vmem>>[vector<16xi32>], vector<16xf32>,
      %parallel_loop3A_139 = tpu.vector_load_idx %arg12[%parallel_loop3A_135] : memref<16xf32, #tpu.memory_space<vmem>>[vector<16xi32>], vector<16xf32>,
      %parallel_loop3A_140 = arith.mulf %parallel_loop3A_113, %parallel_loop3A_139 : vector<16xf32>
      %parallel_loop3A_141 = arith.addf %parallel_loop3A_138, %parallel_loop3A_140 : vector<16xf32>
      %parallel_loop3A_142 = arith.mulf %parallel_loop3A_113, %parallel_loop3A_141 : vector<16xf32>
      %parallel_loop3A_143 = arith.addf %parallel_loop3A_137, %parallel_loop3A_142 : vector<16xf32>
      %parallel_loop3A_144 = arith.mulf %parallel_loop3A_113, %parallel_loop3A_143 : vector<16xf32>
      %parallel_loop3A_145 = arith.addf %parallel_loop3A_136, %parallel_loop3A_144 : vector<16xf32>
      %parallel_loop3A_146 = arith.index_cast %parallel_loop3A_105 : i32 to index
      %parallel_loop3A_147 = tpu.vector_load %arg7[%parallel_loop3A_146] {strides = array<i32>} : memref<28672xf32, #tpu.memory_space<vmem>>, vector<16xf32>,
      tpu.vector_store %arg7[%parallel_loop3A_146], %parallel_loop3A_145 {strides = array<i32>} : memref<28672xf32, #tpu.memory_space<vmem>>, vector<16xf32>,
    } {sc.loop_unroll_factor = 8 : i64, sc.parallel_access}
    %add3A_50 = arith.constant 57344 : i32
    %add3A_51 = arith.addi %mul3A_2, %add3A_50 : i32
    %multiple_of3A_52 = tpu.assume_multiple %add3A_51, 8 : i32
    %dma_start3A_53 = tpu.memref_slice %arg4[%multiple_of3A_52] : memref<5505024xf32, #tpu.memory_space<hbm>> -> memref<28672xf32, #tpu.memory_space<hbm>>
    %dma_start3A_54 = tpu.memref_slice %arg4[%multiple_of3A_52] : memref<5505024xf32, #tpu.memory_space<hbm>> -> memref<28672xf32, #tpu.memory_space<hbm>>
    tpu.enqueue_dma source(%arg7 : memref<28672xf32, #tpu.memory_space<vmem>>) target(%dma_start3A_54 : memref<28672xf32, #tpu.memory_space<hbm>>) target_semaphore(%arg16 : memref<!tpu.dma_semaphore, #tpu.memory_space<semaphore_mem>>)
    %add3A_55 = arith.constant 114688 : i32
    %add3A_56 = arith.addi %mul3A_2, %add3A_55 : i32
    %multiple_of3A_57 = tpu.assume_multiple %add3A_56, 8 : i32
    %dma_start3A_58 = tpu.memref_slice %arg2[%multiple_of3A_57] : memref<16777216xf32, #tpu.memory_space<hbm>> -> memref<28672xf32, #tpu.memory_space<hbm>>
    %dma_start3A_59 = tpu.memref_slice %arg2[%multiple_of3A_57] : memref<16777216xf32, #tpu.memory_space<hbm>> -> memref<28672xf32, #tpu.memory_space<hbm>>
    tpu.enqueue_dma source(%dma_start3A_59 : memref<28672xf32, #tpu.memory_space<hbm>>) target(%arg5 : memref<28672xf32, #tpu.memory_space<vmem>>) target_semaphore(%arg14 : memref<!tpu.dma_semaphore, #tpu.memory_space<semaphore_mem>>)
    %dma_wait3A_60 = tpu.memref_slice %arg2[%multiple_of3A_40] : memref<16777216xf32, #tpu.memory_space<hbm>> -> memref<28672xf32, #tpu.memory_space<hbm>>
    %dma_wait3A_61 = tpu.memref_slice %arg2[%multiple_of3A_40] : memref<16777216xf32, #tpu.memory_space<hbm>> -> memref<28672xf32, #tpu.memory_space<hbm>>
    tpu.wait_dma2 semaphore(%arg15 : memref<!tpu.dma_semaphore, #tpu.memory_space<semaphore_mem>>) src(%dma_wait3A_61 : memref<28672xf32, #tpu.memory_space<hbm>>) dst(%arg6 : memref<28672xf32, #tpu.memory_space<vmem>>)
    %dma_wait3A_62 = tpu.memref_slice %arg4[%multiple_of3A_35] : memref<5505024xf32, #tpu.memory_space<hbm>> -> memref<28672xf32, #tpu.memory_space<hbm>>
    %dma_wait3A_63 = tpu.memref_slice %arg4[%multiple_of3A_35] : memref<5505024xf32, #tpu.memory_space<hbm>> -> memref<28672xf32, #tpu.memory_space<hbm>>
    tpu.wait_dma2 semaphore(%arg17 : memref<!tpu.dma_semaphore, #tpu.memory_space<semaphore_mem>>) src(%arg8 : memref<28672xf32, #tpu.memory_space<vmem>>) dst(%dma_wait3A_63 : memref<28672xf32, #tpu.memory_space<hbm>>)
    %parallel_loop3A_64 = arith.constant 0 : i32
    %parallel_loop3A_65 = arith.constant 28672 : i32
    %parallel_loop3A_66 = arith.constant 16 : i32
    scf.for %parallel_loop3A_105 = %parallel_loop3A_64 to %parallel_loop3A_65 step %parallel_loop3A_66  : i32 {
      %parallel_loop3A_106 = arith.index_cast %parallel_loop3A_105 : i32 to index
      %parallel_loop3A_107 = tpu.vector_load %arg6[%parallel_loop3A_106] {strides = array<i32>} : memref<28672xf32, #tpu.memory_space<vmem>>, vector<16xf32>,
      %parallel_loop3A_108 = arith.constant -1.000000e+00 : f32
      %parallel_loop3A_109 = vector.broadcast %parallel_loop3A_108 : f32 to vector<16xf32>
      %parallel_loop3A_110 = arith.maximumf %parallel_loop3A_107, %parallel_loop3A_109 : vector<16xf32>
      %parallel_loop3A_111 = arith.constant 1.000000e+00 : f32
      %parallel_loop3A_112 = vector.broadcast %parallel_loop3A_111 : f32 to vector<16xf32>
      %parallel_loop3A_113 = arith.minimumf %parallel_loop3A_110, %parallel_loop3A_112 : vector<16xf32>
      %parallel_loop3A_114 = arith.constant 1.000000e+00 : f32
      %parallel_loop3A_115 = vector.broadcast %parallel_loop3A_114 : f32 to vector<16xf32>
      %parallel_loop3A_116 = arith.addf %parallel_loop3A_113, %parallel_loop3A_115 : vector<16xf32>
      %parallel_loop3A_117 = arith.constant 4.500000e+00 : f32
      %parallel_loop3A_118 = vector.broadcast %parallel_loop3A_117 : f32 to vector<16xf32>
      %parallel_loop3A_119 = arith.mulf %parallel_loop3A_116, %parallel_loop3A_118 : vector<16xf32>
      %parallel_loop3A_120 = arith.constant 9.99999974E-6 : f32
      %parallel_loop3A_121 = vector.broadcast %parallel_loop3A_120 : f32 to vector<16xf32>
      %parallel_loop3A_122 = arith.addf %parallel_loop3A_119, %parallel_loop3A_121 : vector<16xf32>
      %parallel_loop3A_123 = arith.fptosi %parallel_loop3A_122 : vector<16xf32> to vector<16xi32>
      %parallel_loop3A_124 = arith.constant 9 : i32
      %parallel_loop3A_125 = vector.broadcast %parallel_loop3A_124 : i32 to vector<16xi32>
      %parallel_loop3A_126 = arith.minsi %parallel_loop3A_123, %parallel_loop3A_125 : vector<16xi32>
      %parallel_loop3A_127 = tpu.vector_load_idx %arg13[%parallel_loop3A_126] : memref<16xf32, #tpu.memory_space<vmem>>[vector<16xi32>], vector<16xf32>,
      %parallel_loop3A_128 = arith.cmpf ole, %parallel_loop3A_113, %parallel_loop3A_127 : vector<16xf32>
      %parallel_loop3A_129 = arith.constant 1 : i32
      %parallel_loop3A_130 = vector.broadcast %parallel_loop3A_129 : i32 to vector<16xi32>
      %parallel_loop3A_131 = arith.subi %parallel_loop3A_126, %parallel_loop3A_130 : vector<16xi32>
      %parallel_loop3A_132 = arith.select %parallel_loop3A_128, %parallel_loop3A_131, %parallel_loop3A_126 : vector<16xi1>, vector<16xi32>
      %parallel_loop3A_133 = arith.constant 0 : i32
      %parallel_loop3A_134 = vector.broadcast %parallel_loop3A_133 : i32 to vector<16xi32>
      %parallel_loop3A_135 = arith.maxsi %parallel_loop3A_132, %parallel_loop3A_134 : vector<16xi32>
      %parallel_loop3A_136 = tpu.vector_load_idx %arg9[%parallel_loop3A_135] : memref<16xf32, #tpu.memory_space<vmem>>[vector<16xi32>], vector<16xf32>,
      %parallel_loop3A_137 = tpu.vector_load_idx %arg10[%parallel_loop3A_135] : memref<16xf32, #tpu.memory_space<vmem>>[vector<16xi32>], vector<16xf32>,
      %parallel_loop3A_138 = tpu.vector_load_idx %arg11[%parallel_loop3A_135] : memref<16xf32, #tpu.memory_space<vmem>>[vector<16xi32>], vector<16xf32>,
      %parallel_loop3A_139 = tpu.vector_load_idx %arg12[%parallel_loop3A_135] : memref<16xf32, #tpu.memory_space<vmem>>[vector<16xi32>], vector<16xf32>,
      %parallel_loop3A_140 = arith.mulf %parallel_loop3A_113, %parallel_loop3A_139 : vector<16xf32>
      %parallel_loop3A_141 = arith.addf %parallel_loop3A_138, %parallel_loop3A_140 : vector<16xf32>
      %parallel_loop3A_142 = arith.mulf %parallel_loop3A_113, %parallel_loop3A_141 : vector<16xf32>
      %parallel_loop3A_143 = arith.addf %parallel_loop3A_137, %parallel_loop3A_142 : vector<16xf32>
      %parallel_loop3A_144 = arith.mulf %parallel_loop3A_113, %parallel_loop3A_143 : vector<16xf32>
      %parallel_loop3A_145 = arith.addf %parallel_loop3A_136, %parallel_loop3A_144 : vector<16xf32>
      %parallel_loop3A_146 = arith.index_cast %parallel_loop3A_105 : i32 to index
      %parallel_loop3A_147 = tpu.vector_load %arg8[%parallel_loop3A_146] {strides = array<i32>} : memref<28672xf32, #tpu.memory_space<vmem>>, vector<16xf32>,
      tpu.vector_store %arg8[%parallel_loop3A_146], %parallel_loop3A_145 {strides = array<i32>} : memref<28672xf32, #tpu.memory_space<vmem>>, vector<16xf32>,
    } {sc.loop_unroll_factor = 8 : i64, sc.parallel_access}
    %add3A_67 = arith.constant 86016 : i32
    %add3A_68 = arith.addi %mul3A_2, %add3A_67 : i32
    %multiple_of3A_69 = tpu.assume_multiple %add3A_68, 8 : i32
    %dma_start3A_70 = tpu.memref_slice %arg4[%multiple_of3A_69] : memref<5505024xf32, #tpu.memory_space<hbm>> -> memref<28672xf32, #tpu.memory_space<hbm>>
    %dma_start3A_71 = tpu.memref_slice %arg4[%multiple_of3A_69] : memref<5505024xf32, #tpu.memory_space<hbm>> -> memref<28672xf32, #tpu.memory_space<hbm>>
    tpu.enqueue_dma source(%arg8 : memref<28672xf32, #tpu.memory_space<vmem>>) target(%dma_start3A_71 : memref<28672xf32, #tpu.memory_space<hbm>>) target_semaphore(%arg17 : memref<!tpu.dma_semaphore, #tpu.memory_space<semaphore_mem>>)
    %add3A_72 = arith.constant 143360 : i32
    %add3A_73 = arith.addi %mul3A_2, %add3A_72 : i32
    %multiple_of3A_74 = tpu.assume_multiple %add3A_73, 8 : i32
    %dma_start3A_75 = tpu.memref_slice %arg2[%multiple_of3A_74] : memref<16777216xf32, #tpu.memory_space<hbm>> -> memref<28672xf32, #tpu.memory_space<hbm>>
    %dma_start3A_76 = tpu.memref_slice %arg2[%multiple_of3A_74] : memref<16777216xf32, #tpu.memory_space<hbm>> -> memref<28672xf32, #tpu.memory_space<hbm>>
    tpu.enqueue_dma source(%dma_start3A_76 : memref<28672xf32, #tpu.memory_space<hbm>>) target(%arg6 : memref<28672xf32, #tpu.memory_space<vmem>>) target_semaphore(%arg15 : memref<!tpu.dma_semaphore, #tpu.memory_space<semaphore_mem>>)
    %dma_wait3A_77 = tpu.memref_slice %arg2[%multiple_of3A_57] : memref<16777216xf32, #tpu.memory_space<hbm>> -> memref<28672xf32, #tpu.memory_space<hbm>>
    %dma_wait3A_78 = tpu.memref_slice %arg2[%multiple_of3A_57] : memref<16777216xf32, #tpu.memory_space<hbm>> -> memref<28672xf32, #tpu.memory_space<hbm>>
    tpu.wait_dma2 semaphore(%arg14 : memref<!tpu.dma_semaphore, #tpu.memory_space<semaphore_mem>>) src(%dma_wait3A_78 : memref<28672xf32, #tpu.memory_space<hbm>>) dst(%arg5 : memref<28672xf32, #tpu.memory_space<vmem>>)
    %dma_wait3A_79 = tpu.memref_slice %arg4[%multiple_of3A_52] : memref<5505024xf32, #tpu.memory_space<hbm>> -> memref<28672xf32, #tpu.memory_space<hbm>>
    %dma_wait3A_80 = tpu.memref_slice %arg4[%multiple_of3A_52] : memref<5505024xf32, #tpu.memory_space<hbm>> -> memref<28672xf32, #tpu.memory_space<hbm>>
    tpu.wait_dma2 semaphore(%arg16 : memref<!tpu.dma_semaphore, #tpu.memory_space<semaphore_mem>>) src(%arg7 : memref<28672xf32, #tpu.memory_space<vmem>>) dst(%dma_wait3A_80 : memref<28672xf32, #tpu.memory_space<hbm>>)
    %parallel_loop3A_81 = arith.constant 0 : i32
    %parallel_loop3A_82 = arith.constant 28672 : i32
    %parallel_loop3A_83 = arith.constant 16 : i32
    scf.for %parallel_loop3A_105 = %parallel_loop3A_81 to %parallel_loop3A_82 step %parallel_loop3A_83  : i32 {
      %parallel_loop3A_106 = arith.index_cast %parallel_loop3A_105 : i32 to index
      %parallel_loop3A_107 = tpu.vector_load %arg5[%parallel_loop3A_106] {strides = array<i32>} : memref<28672xf32, #tpu.memory_space<vmem>>, vector<16xf32>,
      %parallel_loop3A_108 = arith.constant -1.000000e+00 : f32
      %parallel_loop3A_109 = vector.broadcast %parallel_loop3A_108 : f32 to vector<16xf32>
      %parallel_loop3A_110 = arith.maximumf %parallel_loop3A_107, %parallel_loop3A_109 : vector<16xf32>
      %parallel_loop3A_111 = arith.constant 1.000000e+00 : f32
      %parallel_loop3A_112 = vector.broadcast %parallel_loop3A_111 : f32 to vector<16xf32>
      %parallel_loop3A_113 = arith.minimumf %parallel_loop3A_110, %parallel_loop3A_112 : vector<16xf32>
      %parallel_loop3A_114 = arith.constant 1.000000e+00 : f32
      %parallel_loop3A_115 = vector.broadcast %parallel_loop3A_114 : f32 to vector<16xf32>
      %parallel_loop3A_116 = arith.addf %parallel_loop3A_113, %parallel_loop3A_115 : vector<16xf32>
      %parallel_loop3A_117 = arith.constant 4.500000e+00 : f32
      %parallel_loop3A_118 = vector.broadcast %parallel_loop3A_117 : f32 to vector<16xf32>
      %parallel_loop3A_119 = arith.mulf %parallel_loop3A_116, %parallel_loop3A_118 : vector<16xf32>
      %parallel_loop3A_120 = arith.constant 9.99999974E-6 : f32
      %parallel_loop3A_121 = vector.broadcast %parallel_loop3A_120 : f32 to vector<16xf32>
      %parallel_loop3A_122 = arith.addf %parallel_loop3A_119, %parallel_loop3A_121 : vector<16xf32>
      %parallel_loop3A_123 = arith.fptosi %parallel_loop3A_122 : vector<16xf32> to vector<16xi32>
      %parallel_loop3A_124 = arith.constant 9 : i32
      %parallel_loop3A_125 = vector.broadcast %parallel_loop3A_124 : i32 to vector<16xi32>
      %parallel_loop3A_126 = arith.minsi %parallel_loop3A_123, %parallel_loop3A_125 : vector<16xi32>
      %parallel_loop3A_127 = tpu.vector_load_idx %arg13[%parallel_loop3A_126] : memref<16xf32, #tpu.memory_space<vmem>>[vector<16xi32>], vector<16xf32>,
      %parallel_loop3A_128 = arith.cmpf ole, %parallel_loop3A_113, %parallel_loop3A_127 : vector<16xf32>
      %parallel_loop3A_129 = arith.constant 1 : i32
      %parallel_loop3A_130 = vector.broadcast %parallel_loop3A_129 : i32 to vector<16xi32>
      %parallel_loop3A_131 = arith.subi %parallel_loop3A_126, %parallel_loop3A_130 : vector<16xi32>
      %parallel_loop3A_132 = arith.select %parallel_loop3A_128, %parallel_loop3A_131, %parallel_loop3A_126 : vector<16xi1>, vector<16xi32>
      %parallel_loop3A_133 = arith.constant 0 : i32
      %parallel_loop3A_134 = vector.broadcast %parallel_loop3A_133 : i32 to vector<16xi32>
      %parallel_loop3A_135 = arith.maxsi %parallel_loop3A_132, %parallel_loop3A_134 : vector<16xi32>
      %parallel_loop3A_136 = tpu.vector_load_idx %arg9[%parallel_loop3A_135] : memref<16xf32, #tpu.memory_space<vmem>>[vector<16xi32>], vector<16xf32>,
      %parallel_loop3A_137 = tpu.vector_load_idx %arg10[%parallel_loop3A_135] : memref<16xf32, #tpu.memory_space<vmem>>[vector<16xi32>], vector<16xf32>,
      %parallel_loop3A_138 = tpu.vector_load_idx %arg11[%parallel_loop3A_135] : memref<16xf32, #tpu.memory_space<vmem>>[vector<16xi32>], vector<16xf32>,
      %parallel_loop3A_139 = tpu.vector_load_idx %arg12[%parallel_loop3A_135] : memref<16xf32, #tpu.memory_space<vmem>>[vector<16xi32>], vector<16xf32>,
      %parallel_loop3A_140 = arith.mulf %parallel_loop3A_113, %parallel_loop3A_139 : vector<16xf32>
      %parallel_loop3A_141 = arith.addf %parallel_loop3A_138, %parallel_loop3A_140 : vector<16xf32>
      %parallel_loop3A_142 = arith.mulf %parallel_loop3A_113, %parallel_loop3A_141 : vector<16xf32>
      %parallel_loop3A_143 = arith.addf %parallel_loop3A_137, %parallel_loop3A_142 : vector<16xf32>
      %parallel_loop3A_144 = arith.mulf %parallel_loop3A_113, %parallel_loop3A_143 : vector<16xf32>
      %parallel_loop3A_145 = arith.addf %parallel_loop3A_136, %parallel_loop3A_144 : vector<16xf32>
      %parallel_loop3A_146 = arith.index_cast %parallel_loop3A_105 : i32 to index
      %parallel_loop3A_147 = tpu.vector_load %arg7[%parallel_loop3A_146] {strides = array<i32>} : memref<28672xf32, #tpu.memory_space<vmem>>, vector<16xf32>,
      tpu.vector_store %arg7[%parallel_loop3A_146], %parallel_loop3A_145 {strides = array<i32>} : memref<28672xf32, #tpu.memory_space<vmem>>, vector<16xf32>,
    } {sc.loop_unroll_factor = 8 : i64, sc.parallel_access}
    %add3A_84 = arith.constant 114688 : i32
    %add3A_85 = arith.addi %mul3A_2, %add3A_84 : i32
    %multiple_of3A_86 = tpu.assume_multiple %add3A_85, 8 : i32
    %dma_start3A_87 = tpu.memref_slice %arg4[%multiple_of3A_86] : memref<5505024xf32, #tpu.memory_space<hbm>> -> memref<28672xf32, #tpu.memory_space<hbm>>
    %dma_start3A_88 = tpu.memref_slice %arg4[%multiple_of3A_86] : memref<5505024xf32, #tpu.memory_space<hbm>> -> memref<28672xf32, #tpu.memory_space<hbm>>
    tpu.enqueue_dma source(%arg7 : memref<28672xf32, #tpu.memory_space<vmem>>) target(%dma_start3A_88 : memref<28672xf32, #tpu.memory_space<hbm>>) target_semaphore(%arg16 : memref<!tpu.dma_semaphore, #tpu.memory_space<semaphore_mem>>)
    %dma_wait3A_89 = tpu.memref_slice %arg2[%multiple_of3A_74] : memref<16777216xf32, #tpu.memory_space<hbm>> -> memref<28672xf32, #tpu.memory_space<hbm>>
    %dma_wait3A_90 = tpu.memref_slice %arg2[%multiple_of3A_74] : memref<16777216xf32, #tpu.memory_space<hbm>> -> memref<28672xf32, #tpu.memory_space<hbm>>
    tpu.wait_dma2 semaphore(%arg15 : memref<!tpu.dma_semaphore, #tpu.memory_space<semaphore_mem>>) src(%dma_wait3A_90 : memref<28672xf32, #tpu.memory_space<hbm>>) dst(%arg6 : memref<28672xf32, #tpu.memory_space<vmem>>)
    %dma_wait3A_91 = tpu.memref_slice %arg4[%multiple_of3A_69] : memref<5505024xf32, #tpu.memory_space<hbm>> -> memref<28672xf32, #tpu.memory_space<hbm>>
    %dma_wait3A_92 = tpu.memref_slice %arg4[%multiple_of3A_69] : memref<5505024xf32, #tpu.memory_space<hbm>> -> memref<28672xf32, #tpu.memory_space<hbm>>
    tpu.wait_dma2 semaphore(%arg17 : memref<!tpu.dma_semaphore, #tpu.memory_space<semaphore_mem>>) src(%arg8 : memref<28672xf32, #tpu.memory_space<vmem>>) dst(%dma_wait3A_92 : memref<28672xf32, #tpu.memory_space<hbm>>)
    %parallel_loop3A_93 = arith.constant 0 : i32
    %parallel_loop3A_94 = arith.constant 28672 : i32
    %parallel_loop3A_95 = arith.constant 16 : i32
    scf.for %parallel_loop3A_105 = %parallel_loop3A_93 to %parallel_loop3A_94 step %parallel_loop3A_95  : i32 {
      %parallel_loop3A_106 = arith.index_cast %parallel_loop3A_105 : i32 to index
      %parallel_loop3A_107 = tpu.vector_load %arg6[%parallel_loop3A_106] {strides = array<i32>} : memref<28672xf32, #tpu.memory_space<vmem>>, vector<16xf32>,
      %parallel_loop3A_108 = arith.constant -1.000000e+00 : f32
      %parallel_loop3A_109 = vector.broadcast %parallel_loop3A_108 : f32 to vector<16xf32>
      %parallel_loop3A_110 = arith.maximumf %parallel_loop3A_107, %parallel_loop3A_109 : vector<16xf32>
      %parallel_loop3A_111 = arith.constant 1.000000e+00 : f32
      %parallel_loop3A_112 = vector.broadcast %parallel_loop3A_111 : f32 to vector<16xf32>
      %parallel_loop3A_113 = arith.minimumf %parallel_loop3A_110, %parallel_loop3A_112 : vector<16xf32>
      %parallel_loop3A_114 = arith.constant 1.000000e+00 : f32
      %parallel_loop3A_115 = vector.broadcast %parallel_loop3A_114 : f32 to vector<16xf32>
      %parallel_loop3A_116 = arith.addf %parallel_loop3A_113, %parallel_loop3A_115 : vector<16xf32>
      %parallel_loop3A_117 = arith.constant 4.500000e+00 : f32
      %parallel_loop3A_118 = vector.broadcast %parallel_loop3A_117 : f32 to vector<16xf32>
      %parallel_loop3A_119 = arith.mulf %parallel_loop3A_116, %parallel_loop3A_118 : vector<16xf32>
      %parallel_loop3A_120 = arith.constant 9.99999974E-6 : f32
      %parallel_loop3A_121 = vector.broadcast %parallel_loop3A_120 : f32 to vector<16xf32>
      %parallel_loop3A_122 = arith.addf %parallel_loop3A_119, %parallel_loop3A_121 : vector<16xf32>
      %parallel_loop3A_123 = arith.fptosi %parallel_loop3A_122 : vector<16xf32> to vector<16xi32>
      %parallel_loop3A_124 = arith.constant 9 : i32
      %parallel_loop3A_125 = vector.broadcast %parallel_loop3A_124 : i32 to vector<16xi32>
      %parallel_loop3A_126 = arith.minsi %parallel_loop3A_123, %parallel_loop3A_125 : vector<16xi32>
      %parallel_loop3A_127 = tpu.vector_load_idx %arg13[%parallel_loop3A_126] : memref<16xf32, #tpu.memory_space<vmem>>[vector<16xi32>], vector<16xf32>,
      %parallel_loop3A_128 = arith.cmpf ole, %parallel_loop3A_113, %parallel_loop3A_127 : vector<16xf32>
      %parallel_loop3A_129 = arith.constant 1 : i32
      %parallel_loop3A_130 = vector.broadcast %parallel_loop3A_129 : i32 to vector<16xi32>
      %parallel_loop3A_131 = arith.subi %parallel_loop3A_126, %parallel_loop3A_130 : vector<16xi32>
      %parallel_loop3A_132 = arith.select %parallel_loop3A_128, %parallel_loop3A_131, %parallel_loop3A_126 : vector<16xi1>, vector<16xi32>
      %parallel_loop3A_133 = arith.constant 0 : i32
      %parallel_loop3A_134 = vector.broadcast %parallel_loop3A_133 : i32 to vector<16xi32>
      %parallel_loop3A_135 = arith.maxsi %parallel_loop3A_132, %parallel_loop3A_134 : vector<16xi32>
      %parallel_loop3A_136 = tpu.vector_load_idx %arg9[%parallel_loop3A_135] : memref<16xf32, #tpu.memory_space<vmem>>[vector<16xi32>], vector<16xf32>,
      %parallel_loop3A_137 = tpu.vector_load_idx %arg10[%parallel_loop3A_135] : memref<16xf32, #tpu.memory_space<vmem>>[vector<16xi32>], vector<16xf32>,
      %parallel_loop3A_138 = tpu.vector_load_idx %arg11[%parallel_loop3A_135] : memref<16xf32, #tpu.memory_space<vmem>>[vector<16xi32>], vector<16xf32>,
      %parallel_loop3A_139 = tpu.vector_load_idx %arg12[%parallel_loop3A_135] : memref<16xf32, #tpu.memory_space<vmem>>[vector<16xi32>], vector<16xf32>,
      %parallel_loop3A_140 = arith.mulf %parallel_loop3A_113, %parallel_loop3A_139 : vector<16xf32>
      %parallel_loop3A_141 = arith.addf %parallel_loop3A_138, %parallel_loop3A_140 : vector<16xf32>
      %parallel_loop3A_142 = arith.mulf %parallel_loop3A_113, %parallel_loop3A_141 : vector<16xf32>
      %parallel_loop3A_143 = arith.addf %parallel_loop3A_137, %parallel_loop3A_142 : vector<16xf32>
      %parallel_loop3A_144 = arith.mulf %parallel_loop3A_113, %parallel_loop3A_143 : vector<16xf32>
      %parallel_loop3A_145 = arith.addf %parallel_loop3A_136, %parallel_loop3A_144 : vector<16xf32>
      %parallel_loop3A_146 = arith.index_cast %parallel_loop3A_105 : i32 to index
      %parallel_loop3A_147 = tpu.vector_load %arg8[%parallel_loop3A_146] {strides = array<i32>} : memref<28672xf32, #tpu.memory_space<vmem>>, vector<16xf32>,
      tpu.vector_store %arg8[%parallel_loop3A_146], %parallel_loop3A_145 {strides = array<i32>} : memref<28672xf32, #tpu.memory_space<vmem>>, vector<16xf32>,
    } {sc.loop_unroll_factor = 8 : i64, sc.parallel_access}
    %add3A_96 = arith.constant 143360 : i32
    %add3A_97 = arith.addi %mul3A_2, %add3A_96 : i32
    %multiple_of3A_98 = tpu.assume_multiple %add3A_97, 8 : i32
    %dma_start3A_99 = tpu.memref_slice %arg4[%multiple_of3A_98] : memref<5505024xf32, #tpu.memory_space<hbm>> -> memref<28672xf32, #tpu.memory_space<hbm>>
    %dma_start3A_100 = tpu.memref_slice %arg4[%multiple_of3A_98] : memref<5505024xf32, #tpu.memory_space<hbm>> -> memref<28672xf32, #tpu.memory_space<hbm>>
    tpu.enqueue_dma source(%arg8 : memref<28672xf32, #tpu.memory_space<vmem>>) target(%dma_start3A_100 : memref<28672xf32, #tpu.memory_space<hbm>>) target_semaphore(%arg17 : memref<!tpu.dma_semaphore, #tpu.memory_space<semaphore_mem>>)
    %dma_wait3A_101 = tpu.memref_slice %arg4[%multiple_of3A_86] : memref<5505024xf32, #tpu.memory_space<hbm>> -> memref<28672xf32, #tpu.memory_space<hbm>>
    %dma_wait3A_102 = tpu.memref_slice %arg4[%multiple_of3A_86] : memref<5505024xf32, #tpu.memory_space<hbm>> -> memref<28672xf32, #tpu.memory_space<hbm>>
    tpu.wait_dma2 semaphore(%arg16 : memref<!tpu.dma_semaphore, #tpu.memory_space<semaphore_mem>>) src(%arg7 : memref<28672xf32, #tpu.memory_space<vmem>>) dst(%dma_wait3A_102 : memref<28672xf32, #tpu.memory_space<hbm>>)
    %dma_wait3A_103 = tpu.memref_slice %arg4[%multiple_of3A_98] : memref<5505024xf32, #tpu.memory_space<hbm>> -> memref<28672xf32, #tpu.memory_space<hbm>>
    %dma_wait3A_104 = tpu.memref_slice %arg4[%multiple_of3A_98] : memref<5505024xf32, #tpu.memory_space<hbm>> -> memref<28672xf32, #tpu.memory_space<hbm>>
    tpu.wait_dma2 semaphore(%arg17 : memref<!tpu.dma_semaphore, #tpu.memory_space<semaphore_mem>>) src(%arg8 : memref<28672xf32, #tpu.memory_space<vmem>>) dst(%dma_wait3A_104 : memref<28672xf32, #tpu.memory_space<hbm>>)
    return
  }
}

module attributes {stable_mosaic.version = 14 : i64} {
  func.func @body(%arg0: i32, %arg1: memref<9x5xf32, #tpu.memory_space<smem>>, %arg2: memref<262144xf32, #tpu.memory_space<vmem>>, %arg3: memref<262144xf32, #tpu.memory_space<vmem>>) attributes {dimension_semantics = [#tpu.dimension_semantics<arbitrary>], iteration_bounds = array<i64: 43>, scalar_prefetch = 0 : i64, scratch_operands = 0 : i64, tpu.core_type = #tpu.core_type<tc>, window_params = [{transform_indices = @transform_0, window_bounds = array<i64: 9, 5>}, {transform_indices = @transform_1, window_bounds = array<i64: 262144>}, {transform_indices = @transform_2, window_bounds = array<i64: 262144>}]} {
    %get3A = arith.constant 0 : index
    %get3A_0 = vector.load %arg2[%get3A] : memref<262144xf32, #tpu.memory_space<vmem>>, vector<262144xf32>
    %max3A = arith.constant -1.000000e+00 : f32
    %max3A_1 = vector.broadcast %max3A : f32 to vector<262144xf32>
    %max3A_2 = arith.maximumf %get3A_0, %max3A_1 : vector<262144xf32>
    %min3A = arith.constant 1.000000e+00 : f32
    %min3A_3 = vector.broadcast %min3A : f32 to vector<262144xf32>
    %min3A_4 = arith.minimumf %max3A_2, %min3A_3 : vector<262144xf32>
    %get3A_5 = arith.constant 1 : index
    %get3A_6 = arith.constant 4 : index
    %get3A_7 = memref.load %arg1[%get3A_5, %get3A_6] : memref<9x5xf32, #tpu.memory_space<smem>>
    %gt3A = vector.broadcast %get3A_7 : f32 to vector<262144xf32>
    %gt3A_8 = arith.cmpf ogt, %min3A_4, %gt3A : vector<262144xf32>
    %get3A_9 = arith.constant 2 : index
    %get3A_10 = arith.constant 4 : index
    %get3A_11 = memref.load %arg1[%get3A_9, %get3A_10] : memref<9x5xf32, #tpu.memory_space<smem>>
    %gt3A_12 = vector.broadcast %get3A_11 : f32 to vector<262144xf32>
    %gt3A_13 = arith.cmpf ogt, %min3A_4, %gt3A_12 : vector<262144xf32>
    %get3A_14 = arith.constant 3 : index
    %get3A_15 = arith.constant 4 : index
    %get3A_16 = memref.load %arg1[%get3A_14, %get3A_15] : memref<9x5xf32, #tpu.memory_space<smem>>
    %gt3A_17 = vector.broadcast %get3A_16 : f32 to vector<262144xf32>
    %gt3A_18 = arith.cmpf ogt, %min3A_4, %gt3A_17 : vector<262144xf32>
    %get3A_19 = arith.constant 4 : index
    %get3A_20 = arith.constant 4 : index
    %get3A_21 = memref.load %arg1[%get3A_19, %get3A_20] : memref<9x5xf32, #tpu.memory_space<smem>>
    %gt3A_22 = vector.broadcast %get3A_21 : f32 to vector<262144xf32>
    %gt3A_23 = arith.cmpf ogt, %min3A_4, %gt3A_22 : vector<262144xf32>
    %get3A_24 = arith.constant 5 : index
    %get3A_25 = arith.constant 4 : index
    %get3A_26 = memref.load %arg1[%get3A_24, %get3A_25] : memref<9x5xf32, #tpu.memory_space<smem>>
    %gt3A_27 = vector.broadcast %get3A_26 : f32 to vector<262144xf32>
    %gt3A_28 = arith.cmpf ogt, %min3A_4, %gt3A_27 : vector<262144xf32>
    %get3A_29 = arith.constant 6 : index
    %get3A_30 = arith.constant 4 : index
    %get3A_31 = memref.load %arg1[%get3A_29, %get3A_30] : memref<9x5xf32, #tpu.memory_space<smem>>
    %gt3A_32 = vector.broadcast %get3A_31 : f32 to vector<262144xf32>
    %gt3A_33 = arith.cmpf ogt, %min3A_4, %gt3A_32 : vector<262144xf32>
    %get3A_34 = arith.constant 7 : index
    %get3A_35 = arith.constant 4 : index
    %get3A_36 = memref.load %arg1[%get3A_34, %get3A_35] : memref<9x5xf32, #tpu.memory_space<smem>>
    %gt3A_37 = vector.broadcast %get3A_36 : f32 to vector<262144xf32>
    %gt3A_38 = arith.cmpf ogt, %min3A_4, %gt3A_37 : vector<262144xf32>
    %get3A_39 = arith.constant 8 : index
    %get3A_40 = arith.constant 4 : index
    %get3A_41 = memref.load %arg1[%get3A_39, %get3A_40] : memref<9x5xf32, #tpu.memory_space<smem>>
    %gt3A_42 = vector.broadcast %get3A_41 : f32 to vector<262144xf32>
    %gt3A_43 = arith.cmpf ogt, %min3A_4, %gt3A_42 : vector<262144xf32>
    %get3A_44 = arith.constant 0 : index
    %get3A_45 = arith.constant 0 : index
    %get3A_46 = memref.load %arg1[%get3A_44, %get3A_45] : memref<9x5xf32, #tpu.memory_space<smem>>
    %broadcast_in_dim3A = vector.broadcast %get3A_46 : f32 to vector<262144xf32>
    %get3A_47 = arith.constant 1 : index
    %get3A_48 = arith.constant 0 : index
    %get3A_49 = memref.load %arg1[%get3A_47, %get3A_48] : memref<9x5xf32, #tpu.memory_space<smem>>
    %broadcast_in_dim3A_50 = vector.broadcast %get3A_49 : f32 to vector<262144xf32>
    %select_n3A = arith.select %gt3A_8, %broadcast_in_dim3A_50, %broadcast_in_dim3A : vector<262144xi1>, vector<262144xf32>
    %get3A_51 = arith.constant 2 : index
    %get3A_52 = arith.constant 0 : index
    %get3A_53 = memref.load %arg1[%get3A_51, %get3A_52] : memref<9x5xf32, #tpu.memory_space<smem>>
    %broadcast_in_dim3A_54 = vector.broadcast %get3A_53 : f32 to vector<262144xf32>
    %select_n3A_55 = arith.select %gt3A_13, %broadcast_in_dim3A_54, %select_n3A : vector<262144xi1>, vector<262144xf32>
    %get3A_56 = arith.constant 3 : index
    %get3A_57 = arith.constant 0 : index
    %get3A_58 = memref.load %arg1[%get3A_56, %get3A_57] : memref<9x5xf32, #tpu.memory_space<smem>>
    %broadcast_in_dim3A_59 = vector.broadcast %get3A_58 : f32 to vector<262144xf32>
    %select_n3A_60 = arith.select %gt3A_18, %broadcast_in_dim3A_59, %select_n3A_55 : vector<262144xi1>, vector<262144xf32>
    %get3A_61 = arith.constant 4 : index
    %get3A_62 = arith.constant 0 : index
    %get3A_63 = memref.load %arg1[%get3A_61, %get3A_62] : memref<9x5xf32, #tpu.memory_space<smem>>
    %broadcast_in_dim3A_64 = vector.broadcast %get3A_63 : f32 to vector<262144xf32>
    %select_n3A_65 = arith.select %gt3A_23, %broadcast_in_dim3A_64, %select_n3A_60 : vector<262144xi1>, vector<262144xf32>
    %get3A_66 = arith.constant 5 : index
    %get3A_67 = arith.constant 0 : index
    %get3A_68 = memref.load %arg1[%get3A_66, %get3A_67] : memref<9x5xf32, #tpu.memory_space<smem>>
    %broadcast_in_dim3A_69 = vector.broadcast %get3A_68 : f32 to vector<262144xf32>
    %select_n3A_70 = arith.select %gt3A_28, %broadcast_in_dim3A_69, %select_n3A_65 : vector<262144xi1>, vector<262144xf32>
    %get3A_71 = arith.constant 6 : index
    %get3A_72 = arith.constant 0 : index
    %get3A_73 = memref.load %arg1[%get3A_71, %get3A_72] : memref<9x5xf32, #tpu.memory_space<smem>>
    %broadcast_in_dim3A_74 = vector.broadcast %get3A_73 : f32 to vector<262144xf32>
    %select_n3A_75 = arith.select %gt3A_33, %broadcast_in_dim3A_74, %select_n3A_70 : vector<262144xi1>, vector<262144xf32>
    %get3A_76 = arith.constant 7 : index
    %get3A_77 = arith.constant 0 : index
    %get3A_78 = memref.load %arg1[%get3A_76, %get3A_77] : memref<9x5xf32, #tpu.memory_space<smem>>
    %broadcast_in_dim3A_79 = vector.broadcast %get3A_78 : f32 to vector<262144xf32>
    %select_n3A_80 = arith.select %gt3A_38, %broadcast_in_dim3A_79, %select_n3A_75 : vector<262144xi1>, vector<262144xf32>
    %get3A_81 = arith.constant 8 : index
    %get3A_82 = arith.constant 0 : index
    %get3A_83 = memref.load %arg1[%get3A_81, %get3A_82] : memref<9x5xf32, #tpu.memory_space<smem>>
    %broadcast_in_dim3A_84 = vector.broadcast %get3A_83 : f32 to vector<262144xf32>
    %select_n3A_85 = arith.select %gt3A_43, %broadcast_in_dim3A_84, %select_n3A_80 : vector<262144xi1>, vector<262144xf32>
    %get3A_86 = arith.constant 0 : index
    %get3A_87 = arith.constant 1 : index
    %get3A_88 = memref.load %arg1[%get3A_86, %get3A_87] : memref<9x5xf32, #tpu.memory_space<smem>>
    %broadcast_in_dim3A_89 = vector.broadcast %get3A_88 : f32 to vector<262144xf32>
    %get3A_90 = arith.constant 1 : index
    %get3A_91 = arith.constant 1 : index
    %get3A_92 = memref.load %arg1[%get3A_90, %get3A_91] : memref<9x5xf32, #tpu.memory_space<smem>>
    %broadcast_in_dim3A_93 = vector.broadcast %get3A_92 : f32 to vector<262144xf32>
    %select_n3A_94 = arith.select %gt3A_8, %broadcast_in_dim3A_93, %broadcast_in_dim3A_89 : vector<262144xi1>, vector<262144xf32>
    %get3A_95 = arith.constant 2 : index
    %get3A_96 = arith.constant 1 : index
    %get3A_97 = memref.load %arg1[%get3A_95, %get3A_96] : memref<9x5xf32, #tpu.memory_space<smem>>
    %broadcast_in_dim3A_98 = vector.broadcast %get3A_97 : f32 to vector<262144xf32>
    %select_n3A_99 = arith.select %gt3A_13, %broadcast_in_dim3A_98, %select_n3A_94 : vector<262144xi1>, vector<262144xf32>
    %get3A_100 = arith.constant 3 : index
    %get3A_101 = arith.constant 1 : index
    %get3A_102 = memref.load %arg1[%get3A_100, %get3A_101] : memref<9x5xf32, #tpu.memory_space<smem>>
    %broadcast_in_dim3A_103 = vector.broadcast %get3A_102 : f32 to vector<262144xf32>
    %select_n3A_104 = arith.select %gt3A_18, %broadcast_in_dim3A_103, %select_n3A_99 : vector<262144xi1>, vector<262144xf32>
    %get3A_105 = arith.constant 4 : index
    %get3A_106 = arith.constant 1 : index
    %get3A_107 = memref.load %arg1[%get3A_105, %get3A_106] : memref<9x5xf32, #tpu.memory_space<smem>>
    %broadcast_in_dim3A_108 = vector.broadcast %get3A_107 : f32 to vector<262144xf32>
    %select_n3A_109 = arith.select %gt3A_23, %broadcast_in_dim3A_108, %select_n3A_104 : vector<262144xi1>, vector<262144xf32>
    %get3A_110 = arith.constant 5 : index
    %get3A_111 = arith.constant 1 : index
    %get3A_112 = memref.load %arg1[%get3A_110, %get3A_111] : memref<9x5xf32, #tpu.memory_space<smem>>
    %broadcast_in_dim3A_113 = vector.broadcast %get3A_112 : f32 to vector<262144xf32>
    %select_n3A_114 = arith.select %gt3A_28, %broadcast_in_dim3A_113, %select_n3A_109 : vector<262144xi1>, vector<262144xf32>
    %get3A_115 = arith.constant 6 : index
    %get3A_116 = arith.constant 1 : index
    %get3A_117 = memref.load %arg1[%get3A_115, %get3A_116] : memref<9x5xf32, #tpu.memory_space<smem>>
    %broadcast_in_dim3A_118 = vector.broadcast %get3A_117 : f32 to vector<262144xf32>
    %select_n3A_119 = arith.select %gt3A_33, %broadcast_in_dim3A_118, %select_n3A_114 : vector<262144xi1>, vector<262144xf32>
    %get3A_120 = arith.constant 7 : index
    %get3A_121 = arith.constant 1 : index
    %get3A_122 = memref.load %arg1[%get3A_120, %get3A_121] : memref<9x5xf32, #tpu.memory_space<smem>>
    %broadcast_in_dim3A_123 = vector.broadcast %get3A_122 : f32 to vector<262144xf32>
    %select_n3A_124 = arith.select %gt3A_38, %broadcast_in_dim3A_123, %select_n3A_119 : vector<262144xi1>, vector<262144xf32>
    %get3A_125 = arith.constant 8 : index
    %get3A_126 = arith.constant 1 : index
    %get3A_127 = memref.load %arg1[%get3A_125, %get3A_126] : memref<9x5xf32, #tpu.memory_space<smem>>
    %broadcast_in_dim3A_128 = vector.broadcast %get3A_127 : f32 to vector<262144xf32>
    %select_n3A_129 = arith.select %gt3A_43, %broadcast_in_dim3A_128, %select_n3A_124 : vector<262144xi1>, vector<262144xf32>
    %get3A_130 = arith.constant 0 : index
    %get3A_131 = arith.constant 2 : index
    %get3A_132 = memref.load %arg1[%get3A_130, %get3A_131] : memref<9x5xf32, #tpu.memory_space<smem>>
    %broadcast_in_dim3A_133 = vector.broadcast %get3A_132 : f32 to vector<262144xf32>
    %get3A_134 = arith.constant 1 : index
    %get3A_135 = arith.constant 2 : index
    %get3A_136 = memref.load %arg1[%get3A_134, %get3A_135] : memref<9x5xf32, #tpu.memory_space<smem>>
    %broadcast_in_dim3A_137 = vector.broadcast %get3A_136 : f32 to vector<262144xf32>
    %select_n3A_138 = arith.select %gt3A_8, %broadcast_in_dim3A_137, %broadcast_in_dim3A_133 : vector<262144xi1>, vector<262144xf32>
    %get3A_139 = arith.constant 2 : index
    %get3A_140 = arith.constant 2 : index
    %get3A_141 = memref.load %arg1[%get3A_139, %get3A_140] : memref<9x5xf32, #tpu.memory_space<smem>>
    %broadcast_in_dim3A_142 = vector.broadcast %get3A_141 : f32 to vector<262144xf32>
    %select_n3A_143 = arith.select %gt3A_13, %broadcast_in_dim3A_142, %select_n3A_138 : vector<262144xi1>, vector<262144xf32>
    %get3A_144 = arith.constant 3 : index
    %get3A_145 = arith.constant 2 : index
    %get3A_146 = memref.load %arg1[%get3A_144, %get3A_145] : memref<9x5xf32, #tpu.memory_space<smem>>
    %broadcast_in_dim3A_147 = vector.broadcast %get3A_146 : f32 to vector<262144xf32>
    %select_n3A_148 = arith.select %gt3A_18, %broadcast_in_dim3A_147, %select_n3A_143 : vector<262144xi1>, vector<262144xf32>
    %get3A_149 = arith.constant 4 : index
    %get3A_150 = arith.constant 2 : index
    %get3A_151 = memref.load %arg1[%get3A_149, %get3A_150] : memref<9x5xf32, #tpu.memory_space<smem>>
    %broadcast_in_dim3A_152 = vector.broadcast %get3A_151 : f32 to vector<262144xf32>
    %select_n3A_153 = arith.select %gt3A_23, %broadcast_in_dim3A_152, %select_n3A_148 : vector<262144xi1>, vector<262144xf32>
    %get3A_154 = arith.constant 5 : index
    %get3A_155 = arith.constant 2 : index
    %get3A_156 = memref.load %arg1[%get3A_154, %get3A_155] : memref<9x5xf32, #tpu.memory_space<smem>>
    %broadcast_in_dim3A_157 = vector.broadcast %get3A_156 : f32 to vector<262144xf32>
    %select_n3A_158 = arith.select %gt3A_28, %broadcast_in_dim3A_157, %select_n3A_153 : vector<262144xi1>, vector<262144xf32>
    %get3A_159 = arith.constant 6 : index
    %get3A_160 = arith.constant 2 : index
    %get3A_161 = memref.load %arg1[%get3A_159, %get3A_160] : memref<9x5xf32, #tpu.memory_space<smem>>
    %broadcast_in_dim3A_162 = vector.broadcast %get3A_161 : f32 to vector<262144xf32>
    %select_n3A_163 = arith.select %gt3A_33, %broadcast_in_dim3A_162, %select_n3A_158 : vector<262144xi1>, vector<262144xf32>
    %get3A_164 = arith.constant 7 : index
    %get3A_165 = arith.constant 2 : index
    %get3A_166 = memref.load %arg1[%get3A_164, %get3A_165] : memref<9x5xf32, #tpu.memory_space<smem>>
    %broadcast_in_dim3A_167 = vector.broadcast %get3A_166 : f32 to vector<262144xf32>
    %select_n3A_168 = arith.select %gt3A_38, %broadcast_in_dim3A_167, %select_n3A_163 : vector<262144xi1>, vector<262144xf32>
    %get3A_169 = arith.constant 8 : index
    %get3A_170 = arith.constant 2 : index
    %get3A_171 = memref.load %arg1[%get3A_169, %get3A_170] : memref<9x5xf32, #tpu.memory_space<smem>>
    %broadcast_in_dim3A_172 = vector.broadcast %get3A_171 : f32 to vector<262144xf32>
    %select_n3A_173 = arith.select %gt3A_43, %broadcast_in_dim3A_172, %select_n3A_168 : vector<262144xi1>, vector<262144xf32>
    %get3A_174 = arith.constant 0 : index
    %get3A_175 = arith.constant 3 : index
    %get3A_176 = memref.load %arg1[%get3A_174, %get3A_175] : memref<9x5xf32, #tpu.memory_space<smem>>
    %broadcast_in_dim3A_177 = vector.broadcast %get3A_176 : f32 to vector<262144xf32>
    %get3A_178 = arith.constant 1 : index
    %get3A_179 = arith.constant 3 : index
    %get3A_180 = memref.load %arg1[%get3A_178, %get3A_179] : memref<9x5xf32, #tpu.memory_space<smem>>
    %broadcast_in_dim3A_181 = vector.broadcast %get3A_180 : f32 to vector<262144xf32>
    %select_n3A_182 = arith.select %gt3A_8, %broadcast_in_dim3A_181, %broadcast_in_dim3A_177 : vector<262144xi1>, vector<262144xf32>
    %get3A_183 = arith.constant 2 : index
    %get3A_184 = arith.constant 3 : index
    %get3A_185 = memref.load %arg1[%get3A_183, %get3A_184] : memref<9x5xf32, #tpu.memory_space<smem>>
    %broadcast_in_dim3A_186 = vector.broadcast %get3A_185 : f32 to vector<262144xf32>
    %select_n3A_187 = arith.select %gt3A_13, %broadcast_in_dim3A_186, %select_n3A_182 : vector<262144xi1>, vector<262144xf32>
    %get3A_188 = arith.constant 3 : index
    %get3A_189 = arith.constant 3 : index
    %get3A_190 = memref.load %arg1[%get3A_188, %get3A_189] : memref<9x5xf32, #tpu.memory_space<smem>>
    %broadcast_in_dim3A_191 = vector.broadcast %get3A_190 : f32 to vector<262144xf32>
    %select_n3A_192 = arith.select %gt3A_18, %broadcast_in_dim3A_191, %select_n3A_187 : vector<262144xi1>, vector<262144xf32>
    %get3A_193 = arith.constant 4 : index
    %get3A_194 = arith.constant 3 : index
    %get3A_195 = memref.load %arg1[%get3A_193, %get3A_194] : memref<9x5xf32, #tpu.memory_space<smem>>
    %broadcast_in_dim3A_196 = vector.broadcast %get3A_195 : f32 to vector<262144xf32>
    %select_n3A_197 = arith.select %gt3A_23, %broadcast_in_dim3A_196, %select_n3A_192 : vector<262144xi1>, vector<262144xf32>
    %get3A_198 = arith.constant 5 : index
    %get3A_199 = arith.constant 3 : index
    %get3A_200 = memref.load %arg1[%get3A_198, %get3A_199] : memref<9x5xf32, #tpu.memory_space<smem>>
    %broadcast_in_dim3A_201 = vector.broadcast %get3A_200 : f32 to vector<262144xf32>
    %select_n3A_202 = arith.select %gt3A_28, %broadcast_in_dim3A_201, %select_n3A_197 : vector<262144xi1>, vector<262144xf32>
    %get3A_203 = arith.constant 6 : index
    %get3A_204 = arith.constant 3 : index
    %get3A_205 = memref.load %arg1[%get3A_203, %get3A_204] : memref<9x5xf32, #tpu.memory_space<smem>>
    %broadcast_in_dim3A_206 = vector.broadcast %get3A_205 : f32 to vector<262144xf32>
    %select_n3A_207 = arith.select %gt3A_33, %broadcast_in_dim3A_206, %select_n3A_202 : vector<262144xi1>, vector<262144xf32>
    %get3A_208 = arith.constant 7 : index
    %get3A_209 = arith.constant 3 : index
    %get3A_210 = memref.load %arg1[%get3A_208, %get3A_209] : memref<9x5xf32, #tpu.memory_space<smem>>
    %broadcast_in_dim3A_211 = vector.broadcast %get3A_210 : f32 to vector<262144xf32>
    %select_n3A_212 = arith.select %gt3A_38, %broadcast_in_dim3A_211, %select_n3A_207 : vector<262144xi1>, vector<262144xf32>
    %get3A_213 = arith.constant 8 : index
    %get3A_214 = arith.constant 3 : index
    %get3A_215 = memref.load %arg1[%get3A_213, %get3A_214] : memref<9x5xf32, #tpu.memory_space<smem>>
    %broadcast_in_dim3A_216 = vector.broadcast %get3A_215 : f32 to vector<262144xf32>
    %select_n3A_217 = arith.select %gt3A_43, %broadcast_in_dim3A_216, %select_n3A_212 : vector<262144xi1>, vector<262144xf32>
    %mul3A = arith.mulf %min3A_4, %select_n3A_217 : vector<262144xf32>
    %add3A = arith.addf %select_n3A_173, %mul3A : vector<262144xf32>
    %mul3A_218 = arith.mulf %min3A_4, %add3A : vector<262144xf32>
    %add3A_219 = arith.addf %select_n3A_129, %mul3A_218 : vector<262144xf32>
    %mul3A_220 = arith.mulf %min3A_4, %add3A_219 : vector<262144xf32>
    %add3A_221 = arith.addf %select_n3A_85, %mul3A_220 : vector<262144xf32>
    %swap3A = arith.constant 0 : index
    %swap3A_222 = vector.load %arg3[%swap3A] : memref<262144xf32, #tpu.memory_space<vmem>>, vector<262144xf32>
    tpu.vector_store %arg3[%swap3A], %add3A_221 {strides = array<i32>} : memref<262144xf32, #tpu.memory_space<vmem>>, vector<262144xf32>,
    return
  }
  func.func @transform_0(%arg0: i32) -> (i32, i32) {
    %c0_i32 = arith.constant 0 : i32
    %c0_i32_0 = arith.constant 0 : i32
    %c0_i32_1 = arith.constant 0 : i32
    return %c0_i32, %c0_i32_0 : i32, i32
  }
  func.func @transform_1(%arg0: i32) -> i32 {
    %add3A = arith.constant 21 : i32
    %add3A_0 = arith.addi %arg0, %add3A : i32
    %c0_i32 = arith.constant 0 : i32
    return %add3A_0 : i32
  }
  func.func @transform_2(%arg0: i32) -> i32 {
    %add3A = arith.constant 21 : i32
    %add3A_0 = arith.addi %arg0, %add3A : i32
    %c0_i32 = arith.constant 0 : i32
    return %add3A_0 : i32
  }
}

</mosaic_0001>

<sc_bundles>
// kernel: kernel.4.cloned.1.call-start
scs
__scs_entry_jumppad:
0x0: {  	(pc) =	sbr.rel $0x88, $3  }
0x1: {  	(tag) =	ssettag $0x0;
	lr =	simm.s32 $0x1  }
0x2: {  	[smem:$0x3F9F] =	sst lr;
	_ =	strace $0xD0000000  }
0x3: {  	_ = 	snop  }
0x4: {  	_ = 	snop  }
0x5: {  	_ = 	snop  }
0x6: {  	_ = 	snop  }
0x7: {  	_ = 	snop  }
__scs_overlays_trampoline_lowered:
0x8: {  	[smem:$0x3FAE] =	sst s0  }
0x9: {  	[smem:$0x3FAF] =	sst s1  }
0xa: {  	[smem:$0x3FB0] =	sst s2  }
0xb: {  	[smem:$0x3FB1] =	sst s3  }
0xc: {  	[smem:$0x3FB2] =	sst s4  }
0xd: {  	[smem:$0x3FB3] =	sst s5  }
0xe: {  	[smem:$0x3FB4] =	sst s6  }
0xf: {  	[smem:$0x3FB5] =	sst s7  }
0x10: {  	[smem:$0x3FB6] =	sst s8  }
0x11: {  	[smem:$0x3FB7] =	sst s9;
	s0 =	simm.s32 @!p0 $0x0  }
0x12: {  	s1 =	sld [smem:$0x3F9D];
	s0 =	simm.s32 @p0 $0x1  }
0x13: {  	[smem:$0x3FB8] =	sst s0;
	s0 =	simm.s32 @!p1 $0x0  }
0x14: {  	s2 =	sld [smem:$0x3F9C];
	s0 =	simm.s32 @p1 $0x1  }
0x15: {  	[smem:$0x3FB9] =	sst s0;
	s0 =	simm.s32 @!p2 $0x0  }
0x16: {  	s3 =	sld [smem:$0x3FDB];
	s0 =	simm.s32 @p2 $0x1  }
0x17: {  	s4 =	simm.s32 $0x1BF5;
	[smem:$0x3FBB] =	sst s0  }
0x18: {  	s0 =	sld [smem:$0x3F9E];
	_ =	swait.ge [sflag:s4], $0x0  }
0x19: {  	s7 =	sld [smem:$0x3F9F]  }
0x1a: {  	s8 =	sadd.s32 $0xFFFFE003, lr  }
0x1b: {  	s9 =	sadd.s32 $0xFFFFFEF7, lr;
	s5 =	simm.s32 $0xFFFFFFFF;
	p2 =	slt.u32 s8, $0xFFFFF086  }
0x1c: {  	p1 =	slt.u32 s9, $0xF7A;
	s5 =	simm.s32 @!p2 $0x0  }
0x1d: {  	s5 =	simm.s32 @p1 $0x1;
	p0 =	seq.s32 s7, s2  }
0x1e: {  	s7 =	smul.u32 @!p0 $0xF7A, s2;
	p2 =	seq.s32 @!p0 s5, $0x0  }
0x1f: {  	s9 =	smul.u32 $0xF7A, s1;
	s8 =	simm.s32 @!p0 $0x1BF5;
	p2 =	por !p2, p0  }
0x20: {  	[sflag:s8] =	ssyncset.s32 @!p0 $0xFFFFF086;
	s6 =	sadd.s32 @!p0 s3, s7;
	s7 =	simm.s32 @!p0 $0x108  }
0x21: {  	s3 =	sadd.s32 s3, s9;
	s6 =	sadd.s32 @!p0 $0x88, s6;
	s7 =	simm.s32 @p2 $0x1082  }
0x22: {  	[simem:s7], [sflag:s8] =	dma.local @!p0 [hbm:s6], $0xF7A  }
0x23: {  	s9 =	sor.u32 $0xD0000000, s2;
	s6 =	simm.s32 $0x108;
	_ =	swait.ge @!p0 [sflag:s8], $0x0  }
0x24: {  	s3 =	sadd.s32 $0x88, s3;
	s6 =	simm.s32 @!p1 $0x1082;
	[sflag:s4] =	ssyncset.s32 $0xFFFFF086  }
0x25: {  	[simem:s6], [sflag:s4] =	dma.local [hbm:s3], $0xF7A  }
0x26: {  	[smem:$0x3F9F] =	sst s1;
	(tag) =	ssettag s2;
	_ =	strace s9  }
0x27: {  	s1 =	sld [smem:$0x3FAF]  }
0x28: {  	s2 =	sld [smem:$0x3FB0]  }
0x29: {  	s4 =	sld [smem:$0x3FB2]  }
0x2a: {  	p0 =	seq.s32 s5, $0x0;
	s5 =	sld [smem:$0x3FB3]  }
0x2b: {  	s6 =	sld [smem:$0x3FB4]  }
0x2c: {  	s7 =	sld [smem:$0x3FB5]  }
0x2d: {  	s3 =	simm.s32 $0x108;
	s8 =	sld [smem:$0x3FB6]  }
0x2e: {  	s3 =	simm.s32 @!p0 $0x1082;
	s9 =	sld [smem:$0x3FB7]  }
0x2f: {  	lr =	sadd.s32 s0, s3;
	s0 =	sld [smem:$0x3FAE]  }
0x30: {  	s3 =	sld [smem:$0x3FB1]  }
0x31: {  	[smem:$0x3FBA] =	sst s10  }
0x32: {  	s10 =	sld [smem:$0x3FB8];
	_ =	sdelay $0x3  }
0x33: {  	p0 =	seq.s32 s10, $0x1;
	s10 =	sld [smem:$0x3FBA];
	_ =	sdelay $0x3  }
0x34: {  	[smem:$0x3FBA] =	sst s10  }
0x35: {  	s10 =	sld [smem:$0x3FB9];
	_ =	sdelay $0x3  }
0x36: {  	p1 =	seq.s32 s10, $0x1;
	s10 =	sld [smem:$0x3FBA];
	_ =	sdelay $0x3  }
0x37: {  	[smem:$0x3FBA] =	sst s10  }
0x38: {  	s10 =	sld [smem:$0x3FBB]  }
0x39: {  	_ = 	snop;
	(pc) =	sbr.ind lr, $3  }
0x3a: {  	_ = 	snop  }
0x3b: {  	_ = 	snop  }
0x3c: {  	p2 =	seq.s32 s10, $0x1;
	s10 =	sld [smem:$0x3FBA]  }
0x3d: {  	_ =	shalt  }
0x3e: {  	_ =	shalt  }
0x3f: {  	_ =	shalt  }
0x40: {  	_ =	shalt  }
0x41: {  	_ =	shalt  }
0x42: {  	_ =	shalt  }
0x43: {  	_ =	shalt  }
0x44: {  	_ =	shalt  }
0x45: {  	_ =	shalt  }
0x46: {  	_ =	shalt  }
0x47: {  	_ =	shalt  }
0x48: {  	_ =	shalt  }
0x49: {  	_ =	shalt  }
0x4a: {  	_ =	shalt  }
0x4b: {  	_ =	shalt  }
0x4c: {  	_ =	shalt  }
0x4d: {  	_ =	shalt  }
0x4e: {  	_ =	shalt  }
0x4f: {  	_ =	shalt  }
0x50: {  	_ =	shalt  }
0x51: {  	_ =	shalt  }
0x52: {  	_ =	shalt  }
0x53: {  	_ =	shalt  }
0x54: {  	_ =	shalt  }
0x55: {  	_ =	shalt  }
0x56: {  	_ =	shalt  }
0x57: {  	_ =	shalt  }
0x58: {  	_ =	shalt  }
0x59: {  	_ =	shalt  }
0x5a: {  	_ =	shalt  }
0x5b: {  	_ =	shalt  }
0x5c: {  	_ =	shalt  }
0x5d: {  	_ =	shalt  }
0x5e: {  	_ =	shalt  }
0x5f: {  	_ =	shalt  }
0x60: {  	_ =	shalt  }
0x61: {  	_ =	shalt  }
0x62: {  	_ =	shalt  }
0x63: {  	_ =	shalt  }
0x64: {  	_ =	shalt  }
0x65: {  	_ =	shalt  }
0x66: {  	_ =	shalt  }
0x67: {  	_ =	shalt  }
0x68: {  	_ =	shalt  }
0x69: {  	_ =	shalt  }
0x6a: {  	_ =	shalt  }
0x6b: {  	_ =	shalt  }
0x6c: {  	_ =	shalt  }
0x6d: {  	_ =	shalt  }
0x6e: {  	_ =	shalt  }
0x6f: {  	_ =	shalt  }
0x70: {  	_ =	shalt  }
0x71: {  	_ =	shalt  }
0x72: {  	_ =	shalt  }
0x73: {  	_ =	shalt  }
0x74: {  	_ =	shalt  }
0x75: {  	_ =	shalt  }
0x76: {  	_ =	shalt  }
0x77: {  	_ =	shalt  }
0x78: {  	_ =	shalt  }
0x79: {  	_ =	shalt  }
0x7a: {  	_ =	shalt  }
0x7b: {  	_ =	shalt  }
0x7c: {  	_ =	shalt  }
0x7d: {  	_ =	shalt  }
0x7e: {  	_ =	shalt  }
0x7f: {  	_ =	shalt  }
0x80: {  	_ =	shalt  }
0x81: {  	_ =	shalt  }
0x82: {  	_ =	shalt  }
0x83: {  	_ =	shalt  }
0x84: {  	_ =	shalt  }
0x85: {  	_ =	shalt  }
0x86: {  	_ =	shalt  }
0x87: {  	_ =	shalt  }
.Lfunc_end0:
.L_simem_size_0:
called_computation_lowered:
.L_overlay_start_0:
0x88: {  	s2 =	sld [smem:$0x3FD9]  }
0x89: {  	s3 =	sld [smem:$0x3FFE];
	_ =	sdelay $0x1  }
0x8a: {  	s1 =	srdreg.scid  }
0x8b: {  	s0 =	sand.u32 $0x1, s1  }
0x8c: {  	s17 =	sshll.u32 s0, $0xA;
	s2 =	sadd.s32 s3, s2  }
0x8d: {  	s2 =	sadd.s32 s2, s17  }
0x8e: {  	[smem:$0x3FC6] =	sst s2  }
0x8f: {  	_ = 	snop  }
0x90: {  	s2 =	sld [smem:$0x3FC9];
	(tm) =	ssettm $0x1  }
0x91: {  	s18 =	sld [smem:$0x3FFB];
	_ =	sdelay $0x3  }
0x92: {  	_ =	strace s18  }
0x93: {  	s3 =	sld [smem:$0x3FFC];
	_ =	sdelay $0x3  }
0x94: {  	_ =	strace s3  }
0x95: {  	s3 =	sld [smem:$0x3FFD];
	_ =	sdelay $0x3  }
0x96: {  	_ =	strace s3  }
0x97: {  	_ =	strace $0x8FFFFFFF  }
0x98: {  	s19 =	sld [smem:$0x3FDB];
	_ =	sdelay $0x1  }
0x99: {  	s4 =	simm.s32 $_scs_section_size  }
0x9a: {  	s5 =	simm.s32 $_size__tile_overlayer_lowered;
	s6 =	simm.s32 $_tile_overlayer_lowered  }
0x9b: {  	s22 =	simm.s32 $0x1BFF;
	s21 =	sshll.u32 s6, $0x1;
	s3 =	sadd.s32 s4, s19  }
0x9c: {  	s7 =	simm.s32 $0x0;
	s20 =	sshll.u32 s5, $0x1;
	s5 =	sadd.s32 s21, s3  }
0x9d: {  	[timem:s7], [sflag:s22] =	dma.local [hbm:s5], s20  }
0x9e: {  	_ =	swait.ge [sflag:s22], s20  }
0x9f: {  	s4 =	ssub.s32 $0x0, s20;
	[sflag:s22] =	ssyncset.done $0x0  }
0xa0: {  	[sflag:s22] =	ssyncadd.s32 s4;
	_ =	sdelay $0x1  }
0xa1: {  	s23 =	simm.s32 $0x1B8B  }
0xa2: {  	_ =	swait.ge [sflag:s23], $0x1  }
0xa3: {  	[sflag:s23] =	ssyncset.done $0x0  }
0xa4: {  	s25 =	simm.s32 $0x1B8E;
	s24 =	sld [smem:$0x3FFE];
	[sflag:s23] =	ssyncadd.s32 $0xFFFFFFFF  }
0xa5: {  	s26 =	simm.s32 $execute0_lowered;
	[smem:$0x3FD2] =	sst s25  }
0xa6: {  	s5 =	sshll.u32 s26, $0x1;
	_ =	strace $0x80000046;
	[dreg:$0x1] =	wrdreg $0xFFFFFFFF  }
0xa7: {  	s28 =	simm.s32 $_size_execute0_lowered;
	s3 =	sadd.s32 s3, s5;
	[dreg:$0x0] =	wrdreg $0x0  }
0xa8: {  	s5 =	sshll.u32 s28, $0x1;
	[dreg:$0x2] =	wrdreg s3  }
0xa9: {  	[dreg:$0x3] =	wrdreg s5  }
0xaa: {  	[dreg:$0x4] =	wrdreg $0xC0  }
0xab: {  	_ =	task [dreg:s7], $0x5FFFF  }
0xac: {  	[dreg:$0x1] =	wrdreg $0xFFFFFFFF  }
0xad: {  	[dreg:$0x0] =	wrdreg $0x60  }
0xae: {  	[dreg:$0x2] =	wrdreg s2  }
0xaf: {  	[dreg:$0x3] =	wrdreg s24  }
0xb0: {  	[dreg:$0x4] =	wrdreg $0x9  }
0xb1: {  	_ =	task.clear_ibuf [dreg:s7], $0x5FFFF;
	_ =	strace $0x90000046  }
0xb2: {  	s29 =	simm.s32 $0x9;
	_ =	strace $0x80000048  }
0xb3: {  	_ =	swait.ge [sflag:s29], $0x1  }
0xb4: {  	[sflag:s29] =	ssyncadd.s32 $0xFFFFFFFF  }
0xb5: {  	_ =	strace $0x90000048  }
0xb6: {  	_ =	sfence  }
0xb7: {  	s30 =	sld [smem:$0x0];
	_ =	sdelay $0x2  }
0xb8: {  	s31 =	sshll.u32 s1, $0xD;
	s1 =	sshrl.u32 s1, $0x2  }
0xb9: {  	s3 =	sand.u32 $0x4000, s31;
	s1 =	sadd.s32 s1, s30  }
0xba: {  	s0 =	sor.u32 s3, s0;
	s1 =	sshll.u32 s1, $0x11  }
0xbb: {  	s0 =	sor.u32 s1, s0  }
0xbc: {  	s0 =	sadd.s32 $0x8F2B, s0  }
0xbd: {  	[sflag:s0] =	ssyncadd.remote.s32 $0x1  }
0xbe: {  	_ =	sfence.sel $0xFFFF  }
0xbf: {  	[dreg:$0x0] =	wrdreg $0xFFFFFFFF;
	(pc) =	sbr.abs _section_cstart, $3  }
0xc0: {  	[dreg:$0x1] =	wrdreg $0xFFFFFFFF  }
0xc1: {  	_ =	task.clear_ibuf [dreg:s7], $0x2FFFF;
	_ =	strace $0x9FFFFFFF  }
0xc2: {  	(tm) =	ssettm $0x7FFFFFFF  }
0xc3: {  	_ =	shalt  }
tec
execute0_lowered:
.L_overlay_start_1:
0x0: {  	(tag) =	ssettag $0x1  }
0x1: {  	s0 =	rddreg [dreg:$0x0]  }
0x2: {  	s1 =	rddreg [dreg:$0x1]  }
0x3: {  	s2 =	simm.s32 $0x0;
	s3 =	srdreg.scid;
	s4 =	stileid.u32  }
0x4: {  	s28 =	simm.s32 $0x7000;
	s29 =	simm.s32 $0x1;
	s30 =	simm.s32 $0xE000  }
0x5: {  	[smem:$0x7FF] =	sst s2;
	s3 =	sand.u32 $0x1, s3;
	s4 =	sshll.u32 s4, $0x1  }
0x6: {  	s16 =	sadd.s32 $0x800, s1;
	s6 =	sadd.s32 $0xA00, s1;
	s18 =	sadd.s32 $0x810, s1  }
0x7: {  	s19 =	sadd.s32 $0x820, s1;
	_ =	strace $0x80000047;
	[dreg:$0x3] =	wrdreg s16  }
0x8: {  	s20 =	sadd.s32 $0x830, s1;
	s1 =	sadd.s32 $0x840, s1;
	[dreg:$0x4] =	wrdreg s18  }
0x9: {  	s5 =	ssub.s32 $0x2, s3;
	s3 =	sor.u32 s3, s4;
	[dreg:$0x5] =	wrdreg s19  }
0xa: {  	[dreg:$0x6] =	wrdreg s20;
	s17 =	sshrl.u32 s5, $0x1;
	s3 =	smul.u32 $0x2A000, s3  }
0xb: {  	s31 =	simm.s32 $0x2;
	[dreg:$0x7] =	wrdreg s1;
	s4 =	ssub.s32 s5, s17  }
0xc: {  	s1 =	simm.s32 $0x3;
	s3 =	sshrl.u32 s3, $0x3;
	s20 =	smax.u32 s4, $0x1  }
0xd: {  	s4 =	simm.s32 $0x0;
	s21 =	sadd.s32 s0, s3;
	s22 =	sadd.s32 $0xE00, s3  }
0xe: {  	s10 =	sadd.s32 s6, s3;
	s23 =	sadd.s32 $0x1C00, s3;
	s24 =	sadd.s32 $0x2A00, s3  }
0xf: {  	s25 =	sadd.s32 $0x3800, s3;
	s26 =	sadd.s32 $0x4600, s3;
	s3 =	simm.s32 $0x4  }
0x10: {  	[dreg:$0x8] =	wrdreg s21;
	s9 =	sadd.s32 s0, s22;
	s11 =	sadd.s32 s0, s23  }
0x11: {  	s12 =	sadd.s32 s6, s22;
	s13 =	sadd.s32 s0, s24;
	s14 =	sadd.s32 s6, s23  }
0x12: {  	s15 =	sadd.s32 s0, s25;
	s16 =	sadd.s32 s6, s24;
	s17 =	sadd.s32 s0, s26  }
0x13: {  	s18 =	sadd.s32 s6, s25;
	s19 =	sadd.s32 s6, s26;
	s21 =	simm.s32 $0x1C000  }
0x14: {  	s22 =	simm.s32 $0x5;
	s23 =	simm.s32 $0x1C080;
	s24 =	simm.s32 $0x1C100  }
0x15: {  	v0 =	vimm.s32 $0x0;
	s25 =	simm.s32 $0x1C180;
	s26 =	simm.s32 $0x1C200;
	s0 =	simm.s32 $0x15000  }
.LBB2_1:
0x16: {  	s5 =	rddreg [dreg:$0x3]  }
0x17: {  	[tilespmem:s21], [sflag:$0x5] =	stream.linear.gather [hbm4b:s5+s2], $0x80, $0x38;
	[tilespmem:$0x1C280] =	vst v63  }
0x18: {  	_ =	swait.ge [sflag:s22], $0x80  }
0x19: {  	[sflag:s22] =	ssyncset.done $0x0  }
0x1a: {  	s8 =	rddreg [dreg:$0x4];
	[sflag:s22] =	ssyncadd.s32 $0xFFFFFF80  }
0x1b: {  	[tilespmem:s23], [sflag:$0x5] =	stream.linear.gather [hbm4b:s8+s2], $0x80, $0x38;
	[tilespmem:$0x1C280] =	vst v63  }
0x1c: {  	_ =	swait.ge [sflag:s22], $0x80  }
0x1d: {  	[sflag:s22] =	ssyncset.done $0x0  }
0x1e: {  	s6 =	rddreg [dreg:$0x5];
	[sflag:s22] =	ssyncadd.s32 $0xFFFFFF80  }
0x1f: {  	[tilespmem:s24], [sflag:$0x5] =	stream.linear.gather [hbm4b:s6+s2], $0x80, $0x38;
	[tilespmem:$0x1C280] =	vst v63  }
0x20: {  	_ =	swait.ge [sflag:s22], $0x80  }
0x21: {  	[sflag:s22] =	ssyncset.done $0x0  }
0x22: {  	s7 =	rddreg [dreg:$0x6];
	[sflag:s22] =	ssyncadd.s32 $0xFFFFFF80  }
0x23: {  	[tilespmem:s25], [sflag:$0x5] =	stream.linear.gather [hbm4b:s7+s2], $0x80, $0x38;
	[tilespmem:$0x1C280] =	vst v63  }
0x24: {  	_ =	swait.ge [sflag:s22], $0x80  }
0x25: {  	[sflag:s22] =	ssyncset.done $0x0  }
0x26: {  	s8 =	rddreg [dreg:$0x7];
	[sflag:s22] =	ssyncadd.s32 $0xFFFFFF80  }
0x27: {  	[tilespmem:s26], [sflag:$0x5] =	stream.linear.gather [hbm4b:s8+s2], $0x80, $0x38;
	[tilespmem:$0x1C280] =	vst v63  }
0x28: {  	_ =	swait.ge [sflag:s22], $0x80  }
0x29: {  	[sflag:s22] =	ssyncset.done $0x0  }
0x2a: {  	s6 =	rddreg [dreg:$0x8];
	[sflag:s22] =	ssyncadd.s32 $0xFFFFFF80  }
0x2b: {  	[tilespmem:s2], [sflag:$0x1] =	stream.linear.gather [hbm4b:s6+s2], $0x7000, $0x38;
	[tilespmem:$0x1C280] =	vst v63  }
0x2c: {  	_ = 	snop  }
0x2d: {  	[tilespmem:s28], [sflag:$0x2] =	stream.linear.gather [hbm4b:s9+s2], $0x7000, $0x38;
	[tilespmem:$0x1C280] =	vst v63  }
0x2e: {  	_ =	swait.ge [sflag:s29], $0x7000  }
0x2f: {  	[sflag:s29] =	ssyncset.done $0x0  }
0x30: {  	s7 =	simm.s32 $0x40;
	[sflag:s29] =	ssyncadd.s32 $0xFFFF9000  }
0x31: {  	v1 =	vld [tilespmem:s7+$0x30];
	_ =	sdelay $0x4  }
0x32: {  	v1 =	vmax.f32 v1, $-1.000000000e+00  }
0x33: {  	v3 =	vld [tilespmem:s7+$0xFFFFFFE0];
	v7 =	vmin.f32 v1, $1.000000000e+00  }
0x34: {  	v4 =	vld [tilespmem:s7+$0xFFFFFFF0];
	v2 =	vadd.f32 $1.000000000e+00, v7  }
0x35: {  	v1 =	vld [tilespmem:s7+$0xFFFFFFD0]  }
0x36: {  	v9 =	vld [tilespmem:s7+$0x20];
	v2 =	vmul.f32 $4.500000000e+00, v2  }
0x37: {  	v5 =	vld [tilespmem:s7+$0xFFFFFFC0]  }
0x38: {  	v6 =	vld [tilespmem:s7+$0x0];
	v2 =	vadd.f32 $9.999999740e-06, v2  }
0x39: {  	v8 =	vld [tilespmem:s7+$0x10];
	v3 =	vmax.f32 v3, $-1.000000000e+00  }
0x3a: {  	v4 =	vmax.f32 v4, $-1.000000000e+00;
	v1 =	vmax.f32 v1, $-1.000000000e+00;
	v2 =	vtrunc.f32 v2  }
0x3b: {  	v9 =	vmax.f32 v9, $-1.000000000e+00;
	v1 =	vmin.f32 v1, $1.000000000e+00;
	v11 =	vcvt.f32.s32 v2  }
0x3c: {  	v10 =	vadd.f32 $1.000000000e+00, v1;
	v2 =	vmin.f32 v3, $1.000000000e+00;
	v3 =	vmin.f32 v4, $1.000000000e+00  }
0x3d: {  	v4 =	vmax.f32 v5, $-1.000000000e+00;
	v5 =	vmax.f32 v6, $-1.000000000e+00;
	vm0 =	vlt.s32 v11, $0x9  }
0x3e: {  	v14 =	vmin.f32 v4, $1.000000000e+00;
	v4 =	vmax.f32 v8, $-1.000000000e+00;
	v8 =	vnsel vm0, $0x9, v11  }
0x3f: {  	v5 =	vmin.f32 v5, $1.000000000e+00;
	v12 =	vadd.f32 $1.000000000e+00, v3;
	v6 =	vadd.f32 $1.000000000e+00, v14  }
0x40: {  	v10 =	vmul.f32 $4.500000000e+00, v10;
	v4 =	vmin.f32 v4, $1.000000000e+00;
	v11 =	vadd.f32 $1.000000000e+00, v2  }
0x41: {  	v15 =	vadd.f32 $1.000000000e+00, v4;
	v12 =	vmul.f32 $4.500000000e+00, v12;
	v13 =	vmul.f32 $4.500000000e+00, v6  }
0x42: {  	v10 =	vadd.f32 $9.999999740e-06, v10;
	v6 =	vmin.f32 v9, $1.000000000e+00;
	v9 =	vadd.f32 $1.000000000e+00, v5  }
0x43: {  	v11 =	vmul.f32 $4.500000000e+00, v11;
	v15 =	vmul.f32 $4.500000000e+00, v15;
	v13 =	vadd.f32 $9.999999740e-06, v13;
	v17 =	vld.idx.msk [tilespmem:v8+s26+$0x0], $0xffff  }
0x44: {  	v16 =	vadd.f32 $1.000000000e+00, v6;
	v10 =	vtrunc.f32 v10;
	v9 =	vmul.f32 $4.500000000e+00, v9  }
0x45: {  	v12 =	vadd.f32 $9.999999740e-06, v12;
	v10 =	vcvt.f32.s32 v10;
	v13 =	vtrunc.f32 v13  }
0x46: {  	v11 =	vadd.f32 $9.999999740e-06, v11;
	v16 =	vmul.f32 $4.500000000e+00, v16;
	v13 =	vcvt.f32.s32 v13  }
0x47: {  	v15 =	vadd.f32 $9.999999740e-06, v15;
	v12 =	vtrunc.f32 v12;
	v9 =	vadd.f32 $9.999999740e-06, v9  }
0x48: {  	v12 =	vcvt.f32.s32 v12;
	vm0 =	vlt.s32 v13, $0x9;
	vm1 =	vle.f32 v7, v17  }
0x49: {  	v11 =	vtrunc.f32 v11;
	v13 =	vnsel vm0, $0x9, v13;
	v17 =	vsel vm1, $0xFFFFFFFF, v0  }
0x4a: {  	v11 =	vcvt.f32.s32 v11;
	vm0 =	vlt.s32 v10, $0x9;
	v8 =	vadd.s32 v17, v8  }
0x4b: {  	v16 =	vadd.f32 $9.999999740e-06, v16;
	v10 =	vnsel vm0, $0x9, v10;
	vm0 =	vgt.s32 v8, $0x0  }
0x4c: {  	v9 =	vtrunc.f32 v9;
	vm1 =	vlt.s32 v11, $0x9;
	v8 =	vnsel vm0, $0x0, v8  }
0x4d: {  	v15 =	vtrunc.f32 v15;
	v9 =	vcvt.f32.s32 v9;
	v11 =	vnsel vm1, $0x9, v11  }
0x4e: {  	s8 =	simm.s32 $0xC0;
	v15 =	vcvt.f32.s32 v15;
	v17 =	vld.idx.msk [tilespmem:v13+s26+$0x0], $0xffff;
	vm0 =	vlt.s32 v12, $0x9  }
0x4f: {  	v27 =	vld [tilespmem:s8+$0x10];
	v16 =	vtrunc.f32 v16;
	vm1 =	vlt.s32 v9, $0x9;
	v12 =	vnsel vm0, $0x9, v12  }
0x50: {  	v16 =	vcvt.f32.s32 v16;
	v9 =	vnsel vm1, $0x9, v9;
	vm0 =	vlt.s32 v15, $0x9;
	v18 =	vld.idx.msk [tilespmem:v10+s26+$0x0], $0xffff  }
0x51: {  	v15 =	vnsel vm0, $0x9, v15;
	v19 =	vld.idx.msk [tilespmem:v8+s25+$0x0], $0xffff  }
0x52: {  	vm0 =	vlt.s32 v16, $0x9;
	v20 =	vld.idx.msk [tilespmem:v11+s26+$0x0], $0xffff  }
0x53: {  	v16 =	vnsel vm0, $0x9, v16;
	vm1 =	vle.f32 v14, v17;
	v17 =	vld.idx.msk [tilespmem:v8+s24+$0x0], $0xffff  }
0x54: {  	v21 =	vsel vm1, $0xFFFFFFFF, v0;
	v22 =	vld.idx.msk [tilespmem:v12+s26+$0x0], $0xffff  }
0x55: {  	v13 =	vadd.s32 v21, v13;
	v21 =	vld.idx.msk [tilespmem:v9+s26+$0x0], $0xffff  }
0x56: {  	vm1 =	vle.f32 v1, v18;
	v23 =	vld.idx.msk [tilespmem:v15+s26+$0x0], $0xffff;
	vm0 =	vgt.s32 v13, $0x0;
	v19 =	vmul.f32 v19, v7  }
0x57: {  	v27 =	vmax.f32 v27, $-1.000000000e+00;
	v24 =	vld.idx.msk [tilespmem:v8+s23+$0x0], $0xffff;
	v18 =	vnsel vm0, $0x0, v13;
	v13 =	vsel vm1, $0xFFFFFFFF, v0  }
0x58: {  	vm0 =	vle.f32 v2, v20;
	v10 =	vadd.s32 v13, v10;
	v13 =	vld.idx.msk [tilespmem:v16+s26+$0x0], $0xffff;
	v17 =	vadd.f32 v19, v17  }
0x59: {  	v20 =	vsel vm0, $0xFFFFFFFF, v0;
	vm0 =	vgt.s32 v10, $0x0;
	vm1 =	vle.f32 v3, v22  }
0x5a: {  	v19 =	vsel vm1, $0xFFFFFFFF, v0;
	vm1 =	vle.f32 v5, v21;
	v17 =	vmul.f32 v17, v7  }
0x5b: {  	v12 =	vadd.s32 v19, v12;
	v19 =	vsel vm1, $0xFFFFFFFF, v0;
	vm1 =	vle.f32 v4, v23;
	v23 =	vld [tilespmem:s8+$0x30]  }
0x5c: {  	v11 =	vadd.s32 v20, v11;
	v20 =	vld.idx.msk [tilespmem:v18+s25+$0x0], $0xffff;
	v9 =	vadd.s32 v19, v9;
	v17 =	vadd.f32 v17, v24  }
0x5d: {  	v19 =	vsel vm1, $0xFFFFFFFF, v0;
	vm1 =	vgt.s32 v11, $0x0;
	vm2 =	vle.f32 v6, v13;
	v13 =	vld [tilespmem:s8+$0xFFFFFFD0]  }
0x5e: {  	v15 =	vadd.s32 v19, v15;
	v19 =	vsel vm2, $0xFFFFFFFF, v0;
	v24 =	vmul.f32 v17, v7;
	v7 =	vld [tilespmem:s8+$0xFFFFFFE0]  }
0x5f: {  	v26 =	vnsel vm1, $0x0, v11;
	vm2 =	vgt.s32 v9, $0x0;
	v17 =	vadd.s32 v19, v16;
	v19 =	vld [tilespmem:s8+$0xFFFFFFF0]  }
0x60: {  	vm4 =	vgt.s32 v15, $0x0;
	v22 =	vnsel vm2, $0x0, v9;
	v9 =	vmax.f32 v23, $-1.000000000e+00;
	v23 =	vld [tilespmem:s8+$0xFFFFFFC0]  }
0x61: {  	v25 =	vnsel vm0, $0x0, v10;
	v10 =	vld [tilespmem:s8+$0x0];
	vm3 =	vgt.s32 v12, $0x0;
	v15 =	vnsel vm4, $0x0, v15  }
0x62: {  	v16 =	vnsel vm3, $0x0, v12;
	vm0 =	vgt.s32 v17, $0x0;
	v20 =	vmul.f32 v20, v14  }
0x63: {  	v21 =	vnsel vm0, $0x0, v17;
	v11 =	vmax.f32 v13, $-1.000000000e+00;
	v13 =	vld [tilespmem:s8+$0x20];
	v17 =	vmin.f32 v9, $1.000000000e+00  }
0x64: {  	v35 =	vld.idx.msk [tilespmem:v26+s25+$0x0], $0xffff;
	v11 =	vmin.f32 v11, $1.000000000e+00;
	v28 =	vadd.f32 $1.000000000e+00, v17;
	v7 =	vmax.f32 v7, $-1.000000000e+00  }
0x65: {  	v9 =	vmax.f32 v19, $-1.000000000e+00;
	v19 =	vadd.f32 $1.000000000e+00, v11;
	v23 =	vmax.f32 v23, $-1.000000000e+00  }
0x66: {  	v12 =	vmin.f32 v7, $1.000000000e+00;
	v9 =	vmin.f32 v9, $1.000000000e+00;
	v7 =	vmax.f32 v10, $-1.000000000e+00  }
0x67: {  	v10 =	vmul.f32 $4.500000000e+00, v28;
	v28 =	vld.idx.msk [tilespmem:v8+s21+$0x0], $0xffff;
	v29 =	vadd.f32 $1.000000000e+00, v12;
	v8 =	vmin.f32 v7, $1.000000000e+00  }
0x68: {  	v40 =	vld.idx.msk [tilespmem:v15+s25+$0x0], $0xffff;
	v7 =	vmin.f32 v27, $1.000000000e+00;
	v13 =	vmax.f32 v13, $-1.000000000e+00;
	v32 =	vadd.f32 $1.000000000e+00, v9  }
0x69: {  	v31 =	vld.idx.msk [tilespmem:v18+s23+$0x0], $0xffff;
	v19 =	vmul.f32 $4.500000000e+00, v19;
	v58 =	vmul.f32 v35, v2;
	v30 =	vadd.f32 $9.999999740e-06, v10  }
0x6a: {  	v42 =	vld.idx.msk [tilespmem:v25+s24+$0x0], $0xffff;
	v10 =	vmin.f32 v13, $1.000000000e+00;
	v13 =	vmin.f32 v23, $1.000000000e+00;
	v33 =	vadd.f32 $1.000000000e+00, v8  }
0x6b: {  	v46 =	vld.idx.msk [tilespmem:v25+s23+$0x0], $0xffff;
	v36 =	vadd.f32 $1.000000000e+00, v7;
	v34 =	vadd.f32 $1.000000000e+00, v13;
	v30 =	vtrunc.f32 v30  }
0x6c: {  	v37 =	vld.idx.msk [tilespmem:v16+s25+$0x0], $0xffff;
	v29 =	vmul.f32 $4.500000000e+00, v29;
	v38 =	vadd.f32 $1.000000000e+00, v10;
	v30 =	vcvt.f32.s32 v30  }
0x6d: {  	v43 =	vld.idx.msk [tilespmem:v26+s24+$0x0], $0xffff;
	v32 =	vmul.f32 $4.500000000e+00, v32;
	v19 =	vadd.f32 $9.999999740e-06, v19;
	v60 =	vmul.f32 v40, v4  }
0x6e: {  	v27 =	vld.idx.msk [tilespmem:v18+s24+$0x0], $0xffff;
	v33 =	vmul.f32 $4.500000000e+00, v33;
	v36 =	vmul.f32 $4.500000000e+00, v36;
	vm0 =	vlt.s32 v30, $0x9  }
0x6f: {  	v44 =	vld.idx.msk [tilespmem:v16+s24+$0x0], $0xffff;
	v34 =	vmul.f32 $4.500000000e+00, v34;
	v29 =	vadd.f32 $9.999999740e-06, v29;
	v30 =	vnsel vm0, $0x9, v30  }
0x70: {  	v47 =	vld.idx.msk [tilespmem:v26+s23+$0x0], $0xffff;
	v38 =	vmul.f32 $4.500000000e+00, v38;
	v32 =	vadd.f32 $9.999999740e-06, v32;
	v45 =	vadd.f32 v24, v28  }
0x71: {  	v41 =	vld.idx.msk [tilespmem:v21+s25+$0x0], $0xffff;
	v59 =	vmul.f32 v37, v3;
	v33 =	vadd.f32 $9.999999740e-06, v33;
	v34 =	vadd.f32 $9.999999740e-06, v34  }
0x72: {  	v23 =	vld.idx.msk [tilespmem:v25+s25+$0x0], $0xffff;
	v19 =	vtrunc.f32 v19;
	v36 =	vadd.f32 $9.999999740e-06, v36;
	v38 =	vadd.f32 $9.999999740e-06, v38  }
0x73: {  	v39 =	vld.idx.msk [tilespmem:v22+s25+$0x0], $0xffff;
	v27 =	vadd.f32 v20, v27;
	v19 =	vcvt.f32.s32 v19;
	v34 =	vtrunc.f32 v34  }
0x74: {  	v61 =	vadd.f32 v59, v44;
	v56 =	vtrunc.f32 v38;
	v34 =	vcvt.f32.s32 v34;
	v20 =	vld.idx.msk [tilespmem:v30+s26+$0x0], $0xffff  }
0x75: {  	v49 =	vld.idx.msk [tilespmem:v22+s23+$0x0], $0xffff;
	v55 =	vtrunc.f32 v36;
	vm1 =	vlt.s32 v19, $0x9;
	v36 =	vcvt.f32.s32 v56  }
0x76: {  	v52 =	vld.idx.msk [tilespmem:v15+s23+$0x0], $0xffff;
	v62 =	vmul.f32 v41, v6;
	v51 =	vnsel vm1, $0x9, v19;
	vm0 =	vlt.s32 v34, $0x9  }
0x77: {  	v48 =	vld.idx.msk [tilespmem:v16+s23+$0x0], $0xffff;
	v23 =	vmul.f32 v23, v1;
	vm7 =	vlt.s32 v36, $0x9;
	v50 =	vnsel vm0, $0x9, v34  }
0x78: {  	v57 =	vld.idx.msk [tilespmem:v21+s24+$0x0], $0xffff;
	v28 =	vtrunc.f32 v33;
	v33 =	vcvt.f32.s32 v55;
	v55 =	vnsel vm7, $0x9, v36  }
0x79: {  	v24 =	vld.idx.msk [tilespmem:v22+s24+$0x0], $0xffff;
	v29 =	vtrunc.f32 v29;
	v32 =	vtrunc.f32 v32;
	vm5 =	vle.f32 v17, v20  }
0x7a: {  	v29 =	vcvt.f32.s32 v29;
	v32 =	vcvt.f32.s32 v32;
	v38 =	vld.idx.msk [tilespmem:v15+s24+$0x0], $0xffff;
	v20 =	vsel vm5, $0xFFFFFFFF, v0  }
0x7b: {  	v27 =	vmul.f32 v27, v14;
	v23 =	vadd.f32 v23, v42;
	v44 =	vld.idx.msk [tilespmem:v51+s26+$0x0], $0xffff;
	v19 =	vadd.s32 v20, v30  }
0x7c: {  	v28 =	vcvt.f32.s32 v28;
	vm2 =	vlt.s32 v29, $0x9;
	v63 =	vld.idx.msk [tilespmem:v50+s26+$0x0], $0xffff;
	vm0 =	vgt.s32 v19, $0x0  }
0x7d: {  	vm3 =	vlt.s32 v32, $0x9;
	v34 =	vadd.f32 v62, v57;
	v62 =	vld.idx.msk [tilespmem:v55+s26+$0x0], $0xffff;
	v54 =	vnsel vm0, $0x0, v19  }
0x7e: {  	v27 =	vadd.f32 v27, v31;
	vm4 =	vlt.s32 v28, $0x9;
	v30 =	vnsel vm2, $0x9, v29;
	v20 =	vld.idx.msk [tilespmem:v18+s21+$0x0], $0xffff  }
0x7f: {  	vm6 =	vlt.s32 v33, $0x9;
	v53 =	vnsel vm3, $0x9, v32;
	v19 =	vld.idx.msk [tilespmem:v25+s21+$0x0], $0xffff;
	v25 =	vmul.f32 v39, v5  }
0x80: {  	v23 =	vmul.f32 v23, v1;
	v32 =	vmul.f32 v61, v3;
	v18 =	vld.idx.msk [tilespmem:v26+s21+$0x0], $0xffff;
	v26 =	vadd.f32 v58, v43  }
0x81: {  	v28 =	vnsel vm4, $0x9, v28;
	v29 =	vld.idx.msk [tilespmem:v21+s23+$0x0], $0xffff;
	v24 =	vadd.f32 v25, v24;
	v25 =	vadd.f32 v60, v38  }
0x82: {  	v33 =	vnsel vm6, $0x9, v33;
	v31 =	vadd.f32 v23, v46;
	v26 =	vmul.f32 v26, v2;
	v56 =	vld.idx.msk [tilespmem:v54+s25+$0x0], $0xffff  }
0x83: {  	v36 =	vadd.f32 v32, v48;
	v57 =	vld.idx.msk [tilespmem:v30+s26+$0x0], $0xffff;
	v24 =	vmul.f32 v24, v5;
	v23 =	vmul.f32 v25, v4  }
0x84: {  	vm0 =	vle.f32 v13, v63;
	v35 =	vadd.f32 v26, v47;
	v25 =	vmul.f32 v34, v6;
	v58 =	vld.idx.msk [tilespmem:v54+s24+$0x0], $0xffff  }
0x85: {  	v34 =	vmul.f32 v27, v14;
	v14 =	vld.idx.msk [tilespmem:v53+s26+$0x0], $0xffff;
	v32 =	vadd.f32 v24, v49;
	v26 =	vadd.f32 v23, v52  }
0x86: {  	v27 =	vld.idx.msk [tilespmem:v28+s26+$0x0], $0xffff;
	v23 =	vsel vm0, $0xFFFFFFFF, v0;
	vm0 =	vle.f32 v11, v44;
	v29 =	vadd.f32 v25, v29  }
0x87: {  	v59 =	vld.idx.msk [tilespmem:v33+s26+$0x0], $0xffff;
	v23 =	vadd.s32 v23, v50;
	v24 =	vsel vm0, $0xFFFFFFFF, v0;
	v25 =	vmul.f32 v56, v17  }
0x88: {  	vm3 =	vle.f32 v10, v62;
	v60 =	vld.idx.msk [tilespmem:v54+s23+$0x0], $0xffff;
	vm0 =	vgt.s32 v23, $0x0;
	v61 =	vadd.s32 v24, v51  }
0x89: {  	vm1 =	vle.f32 v12, v57;
	vm2 =	vgt.s32 v61, $0x0;
	v41 =	vadd.f32 v25, v58  }
0x8a: {  	v24 =	vld.idx.msk [tilespmem:v16+s21+$0x0], $0xffff;
	v40 =	vsel vm1, $0xFFFFFFFF, v0;
	v16 =	vnsel vm0, $0x0, v23;
	vm0 =	vle.f32 v9, v14  }
0x8b: {  	v23 =	vld.idx.msk [tilespmem:v22+s21+$0x0], $0xffff;
	v14 =	vsel vm0, $0xFFFFFFFF, v0;
	vm0 =	vle.f32 v8, v27;
	v22 =	vmul.f32 v41, v17  }
0x8c: {  	v27 =	vadd.s32 v14, v53;
	v14 =	vsel vm0, $0xFFFFFFFF, v0;
	v25 =	vadd.s32 v40, v30;
	v30 =	vld.idx.msk [tilespmem:v54+s21+$0x0], $0xffff  }
0x8d: {  	v15 =	vld.idx.msk [tilespmem:v15+s21+$0x0], $0xffff;
	vm0 =	vle.f32 v7, v59;
	v28 =	vadd.s32 v14, v28;
	v22 =	vadd.f32 v22, v60  }
0x8e: {  	v37 =	vsel vm0, $0xFFFFFFFF, v0;
	v14 =	vld.idx.msk [tilespmem:v21+s21+$0x0], $0xffff;
	vm1 =	vgt.s32 v27, $0x0;
	v21 =	vsel vm3, $0xFFFFFFFF, v0  }
0x8f: {  	vm0 =	vgt.s32 v25, $0x0;
	v38 =	vadd.s32 v37, v33;
	v37 =	vld.idx.msk [tilespmem:v16+s25+$0x0], $0xffff;
	v63 =	vmul.f32 v22, v17  }
0x90: {  	s6 =	simm.s32 $0xE040;
	vm4 =	vgt.s32 v28, $0x0;
	v39 =	vadd.s32 v21, v55;
	v21 =	vnsel vm2, $0x0, v61;
	v22 =	vld.idx.msk [tilespmem:v16+s24+$0x0], $0xffff  }
0x91: {  	s5 =	simm.s32 $0xE040;
	s7 =	simm.s32 $0x80;
	s8 =	simm.s32 $0x140;
	[tilespmem:s6+$0x30] =	vst v45;
	vm3 =	vgt.s32 v38, $0x0;
	vm2 =	vgt.s32 v39, $0x0;
	v17 =	vld.idx.msk [tilespmem:v16+s23+$0x0], $0xffff;
	v40 =	vadd.f32 v63, v30  }
.LBB2_2:
0x92: {  	v41 =	vld [tilespmem:s8+$0x30];
	s7 =	sadd.s32 $0x80, s7;
	v33 =	vnsel vm0, $0x0, v25;
	v30 =	vnsel vm1, $0x0, v27;
	v27 =	vnsel vm4, $0x0, v28;
	s6 =	sadd.s32 $0x80, s6  }
0x93: {  	v28 =	vnsel vm3, $0x0, v38;
	v25 =	vnsel vm2, $0x0, v39;
	v31 =	vmul.f32 v31, v1;
	v1 =	vmovc v11;
	v42 =	vld [tilespmem:s8+$0xFFFFFFD0];
	p0 =	slt.u32 s7, $0x6F80;
	[tilespmem:s6+$0x30] =	vst v40  }
0x94: {  	v11 =	vadd.f32 v34, v20;
	v20 =	vmul.f32 v35, v2;
	v34 =	vmul.f32 v36, v3;
	v2 =	vmovc v12;
	v38 =	vld [tilespmem:s8+$0xFFFFFFE0]  }
0x95: {  	v3 =	vmovc v9;
	v12 =	vmul.f32 v37, v13;
	v19 =	vadd.f32 v31, v19;
	v31 =	vmul.f32 v32, v5;
	v35 =	vld [tilespmem:s8+$0xFFFFFFF0]  }
0x96: {  	v9 =	vadd.f32 v20, v18;
	v18 =	vmul.f32 v26, v4;
	v20 =	vmul.f32 v29, v6;
	v32 =	vld [tilespmem:s8+$0x0];
	[tilespmem:s5+$0xFFFFFFC0] =	vst v11  }
0x97: {  	v5 =	vmovc v8;
	v26 =	vadd.f32 v12, v22;
	v12 =	vadd.f32 v34, v24;
	v29 =	vld [tilespmem:s8+$0x10];
	v11 =	vmax.f32 v41, $-1.000000000e+00;
	[tilespmem:s5+$0xFFFFFFD0] =	vst v19  }
0x98: {  	v4 =	vmovc v7;
	v6 =	vmovc v10;
	v8 =	vmax.f32 v42, $-1.000000000e+00;
	v19 =	vld [tilespmem:s8+$0x20];
	v22 =	vmin.f32 v11, $1.000000000e+00;
	[tilespmem:s5+$0xFFFFFFE0] =	vst v9;
	v9 =	vadd.f32 v31, v23  }
0x99: {  	v10 =	vld [tilespmem:s8+$0xFFFFFFC0];
	v11 =	vmin.f32 v8, $1.000000000e+00;
	v7 =	vmax.f32 v38, $-1.000000000e+00;
	v8 =	vadd.f32 $1.000000000e+00, v22;
	[tilespmem:s5+$0xFFFFFFF0] =	vst v12  }
0x9a: {  	v23 =	vadd.f32 $1.000000000e+00, v11;
	v12 =	vmin.f32 v7, $1.000000000e+00;
	v7 =	vmax.f32 v35, $-1.000000000e+00;
	v24 =	vld.idx.msk [tilespmem:v21+s25+$0x0], $0xffff;
	[tilespmem:s5+$0x0] =	vst v9  }
0x9b: {  	v9 =	vmin.f32 v7, $1.000000000e+00;
	v7 =	vmax.f32 v32, $-1.000000000e+00;
	v31 =	vmul.f32 $4.500000000e+00, v8;
	v32 =	vld.idx.msk [tilespmem:v33+s25+$0x0], $0xffff  }
0x9c: {  	v34 =	vadd.f32 $1.000000000e+00, v12;
	v8 =	vmin.f32 v7, $1.000000000e+00;
	v7 =	vmax.f32 v29, $-1.000000000e+00;
	v29 =	vld.idx.msk [tilespmem:v30+s25+$0x0], $0xffff  }
0x9d: {  	v7 =	vmin.f32 v7, $1.000000000e+00;
	v19 =	vmax.f32 v19, $-1.000000000e+00;
	v31 =	vadd.f32 $9.999999740e-06, v31;
	v35 =	vld.idx.msk [tilespmem:v27+s25+$0x0], $0xffff  }
0x9e: {  	v38 =	vadd.f32 $1.000000000e+00, v9;
	v36 =	vmax.f32 v10, $-1.000000000e+00;
	v10 =	vmin.f32 v19, $1.000000000e+00;
	v39 =	vld.idx.msk [tilespmem:v28+s25+$0x0], $0xffff  }
0x9f: {  	v19 =	vadd.f32 $1.000000000e+00, v8;
	v37 =	vmin.f32 v36, $1.000000000e+00;
	v31 =	vtrunc.f32 v31;
	v36 =	vld.idx.msk [tilespmem:v25+s25+$0x0], $0xffff  }
0xa0: {  	v41 =	vadd.f32 $1.000000000e+00, v7;
	v40 =	vadd.f32 $1.000000000e+00, v37;
	v31 =	vcvt.f32.s32 v31;
	v42 =	vld.idx.msk [tilespmem:v21+s24+$0x0], $0xffff  }
0xa1: {  	v23 =	vmul.f32 $4.500000000e+00, v23;
	v34 =	vmul.f32 $4.500000000e+00, v34;
	v43 =	vadd.f32 $1.000000000e+00, v10;
	v44 =	vld.idx.msk [tilespmem:v33+s24+$0x0], $0xffff  }
0xa2: {  	v38 =	vmul.f32 $4.500000000e+00, v38;
	v40 =	vmul.f32 $4.500000000e+00, v40;
	vm0 =	vlt.s32 v31, $0x9;
	v45 =	vld.idx.msk [tilespmem:v30+s24+$0x0], $0xffff  }
0xa3: {  	v19 =	vmul.f32 $4.500000000e+00, v19;
	v41 =	vmul.f32 $4.500000000e+00, v41;
	v31 =	vnsel vm0, $0x9, v31;
	v46 =	vld.idx.msk [tilespmem:v27+s24+$0x0], $0xffff  }
0xa4: {  	v23 =	vadd.f32 $9.999999740e-06, v23;
	v43 =	vmul.f32 $4.500000000e+00, v43;
	v40 =	vadd.f32 $9.999999740e-06, v40;
	v47 =	vld.idx.msk [tilespmem:v28+s24+$0x0], $0xffff  }
0xa5: {  	v34 =	vadd.f32 $9.999999740e-06, v34;
	v24 =	vmul.f32 v24, v1;
	v38 =	vadd.f32 $9.999999740e-06, v38;
	v48 =	vld.idx.msk [tilespmem:v25+s24+$0x0], $0xffff  }
0xa6: {  	v19 =	vadd.f32 $9.999999740e-06, v19;
	v41 =	vadd.f32 $9.999999740e-06, v41;
	v40 =	vtrunc.f32 v40;
	v49 =	vld.idx.msk [tilespmem:v21+s23+$0x0], $0xffff  }
0xa7: {  	v23 =	vtrunc.f32 v23;
	v34 =	vtrunc.f32 v34;
	v43 =	vadd.f32 $9.999999740e-06, v43;
	v50 =	vld.idx.msk [tilespmem:v33+s23+$0x0], $0xffff  }
0xa8: {  	v38 =	vtrunc.f32 v38;
	v19 =	vtrunc.f32 v19;
	v42 =	vadd.f32 v24, v42;
	v51 =	vld.idx.msk [tilespmem:v31+s26+$0x0], $0xffff  }
0xa9: {  	v15 =	vadd.f32 v18, v15;
	v24 =	vtrunc.f32 v41;
	v41 =	vtrunc.f32 v43;
	v43 =	vld.idx.msk [tilespmem:v30+s23+$0x0], $0xffff  }
0xaa: {  	v14 =	vadd.f32 v20, v14;
	v23 =	vcvt.f32.s32 v23;
	v40 =	vcvt.f32.s32 v40;
	v52 =	vld.idx.msk [tilespmem:v27+s23+$0x0], $0xffff  }
0xab: {  	v34 =	vcvt.f32.s32 v34;
	v38 =	vcvt.f32.s32 v38;
	v53 =	vld.idx.msk [tilespmem:v28+s23+$0x0], $0xffff;
	[tilespmem:s5+$0x10] =	vst v15  }
0xac: {  	v54 =	vcvt.f32.s32 v24;
	vm0 =	vlt.s32 v40, $0x9;
	v15 =	vcvt.f32.s32 v19;
	v55 =	vld.idx.msk [tilespmem:v25+s23+$0x0], $0xffff;
	[tilespmem:s5+$0x20] =	vst v14;
	s5 =	smov.u32 s6  }
0xad: {  	vm1 =	vlt.s32 v23, $0x9;
	vm2 =	vlt.s32 v34, $0x9;
	v14 =	vcvt.f32.s32 v41;
	v20 =	vld.idx.msk [tilespmem:v16+s21+$0x0], $0xffff  }
0xae: {  	vm3 =	vlt.s32 v38, $0x9;
	vm4 =	vlt.s32 v15, $0x9;
	vm5 =	vle.f32 v22, v51;
	v19 =	vld.idx.msk [tilespmem:v21+s21+$0x0], $0xffff  }
0xaf: {  	vm6 =	vlt.s32 v54, $0x9;
	vm7 =	vlt.s32 v14, $0x9;
	v16 =	vsel vm5, $0xFFFFFFFF, v0;
	v18 =	vld.idx.msk [tilespmem:v33+s21+$0x0], $0xffff  }
0xb0: {  	v21 =	vnsel vm0, $0x9, v40;
	v33 =	vnsel vm1, $0x9, v23;
	v16 =	vadd.s32 v16, v31;
	v24 =	vld.idx.msk [tilespmem:v30+s21+$0x0], $0xffff  }
0xb1: {  	v38 =	vnsel vm3, $0x9, v38;
	v30 =	vnsel vm2, $0x9, v34;
	vm0 =	vgt.s32 v16, $0x0;
	v23 =	vld.idx.msk [tilespmem:v27+s21+$0x0], $0xffff  }
0xb2: {  	v41 =	vnsel vm6, $0x9, v54;
	v40 =	vnsel vm4, $0x9, v15;
	v27 =	vnsel vm0, $0x0, v16;
	v15 =	vld.idx.msk [tilespmem:v28+s21+$0x0], $0xffff  }
0xb3: {  	v51 =	vnsel vm7, $0x9, v14;
	v16 =	vmul.f32 v32, v2;
	v28 =	vmul.f32 v29, v3;
	v14 =	vld.idx.msk [tilespmem:v25+s21+$0x0], $0xffff  }
0xb4: {  	v29 =	vmul.f32 v39, v4;
	v25 =	vmul.f32 v35, v5  }
0xb5: {  	v31 =	vmul.f32 v36, v6;
	v16 =	vadd.f32 v16, v44;
	v28 =	vadd.f32 v28, v45;
	v32 =	vld.idx.msk [tilespmem:v21+s26+$0x0], $0xffff  }
0xb6: {  	v26 =	vmul.f32 v26, v13;
	v29 =	vadd.f32 v29, v47;
	v25 =	vadd.f32 v25, v46;
	v39 =	vld.idx.msk [tilespmem:v33+s26+$0x0], $0xffff  }
0xb7: {  	v34 =	vmul.f32 v42, v1;
	v35 =	vadd.f32 v31, v48;
	v16 =	vmul.f32 v16, v2;
	v44 =	vld.idx.msk [tilespmem:v27+s25+$0x0], $0xffff  }
0xb8: {  	v17 =	vadd.f32 v26, v17;
	v26 =	vmul.f32 v28, v3;
	v25 =	vmul.f32 v25, v5;
	v42 =	vld.idx.msk [tilespmem:v30+s26+$0x0], $0xffff  }
0xb9: {  	v31 =	vadd.f32 v34, v49;
	v45 =	vmul.f32 v35, v6;
	v29 =	vmul.f32 v29, v4;
	v28 =	vld.idx.msk [tilespmem:v27+s24+$0x0], $0xffff  }
0xba: {  	v34 =	vmul.f32 v17, v13;
	v35 =	vadd.f32 v16, v50;
	v36 =	vadd.f32 v26, v43;
	v46 =	vld.idx.msk [tilespmem:v38+s26+$0x0], $0xffff  }
0xbb: {  	v26 =	vadd.f32 v29, v53;
	vm0 =	vle.f32 v37, v32;
	v32 =	vadd.f32 v25, v52;
	v17 =	vld.idx.msk [tilespmem:v40+s26+$0x0], $0xffff  }
0xbc: {  	v13 =	vmovc v37;
	v29 =	vadd.f32 v45, v55;
	v16 =	vsel vm0, $0xFFFFFFFF, v0;
	vm0 =	vle.f32 v11, v39;
	v39 =	vld.idx.msk [tilespmem:v41+s26+$0x0], $0xffff  }
0xbd: {  	v16 =	vadd.s32 v16, v21;
	v21 =	vsel vm0, $0xFFFFFFFF, v0;
	v25 =	vmul.f32 v44, v22;
	v37 =	vld.idx.msk [tilespmem:v27+s23+$0x0], $0xffff  }
0xbe: {  	vm0 =	vgt.s32 v16, $0x0;
	v21 =	vadd.s32 v21, v33;
	vm1 =	vle.f32 v12, v42;
	v33 =	vld.idx.msk [tilespmem:v51+s26+$0x0], $0xffff  }
0xbf: {  	vm2 =	vgt.s32 v21, $0x0;
	v42 =	vsel vm1, $0xFFFFFFFF, v0;
	v28 =	vadd.f32 v25, v28  }
0xc0: {  	v16 =	vnsel vm0, $0x0, v16;
	v25 =	vadd.s32 v42, v30;
	vm0 =	vle.f32 v9, v46  }
0xc1: {  	v30 =	vsel vm0, $0xFFFFFFFF, v0;
	vm0 =	vle.f32 v8, v17;
	v17 =	vmul.f32 v28, v22;
	v42 =	vld.idx.msk [tilespmem:v27+s21+$0x0], $0xffff  }
0xc2: {  	v27 =	vadd.s32 v30, v38;
	v28 =	vsel vm0, $0xFFFFFFFF, v0;
	vm0 =	vle.f32 v7, v39  }
.Ltmp0:
0xc3: {  	v28 =	vadd.s32 v28, v40;
	v30 =	vsel vm0, $0xFFFFFFFF, v0;
	v17 =	vadd.f32 v17, v37;
	(pc) =	sbr.rel @p0 .LBB2_2-.Ltmp0, $4  }
0xc4: {  	vm0 =	vgt.s32 v25, $0x0;
	v38 =	vadd.s32 v30, v41;
	vm3 =	vle.f32 v10, v33  }
0xc5: {  	vm1 =	vgt.s32 v27, $0x0;
	v30 =	vsel vm3, $0xFFFFFFFF, v0;
	v33 =	vmul.f32 v17, v22;
	v37 =	vld.idx.msk [tilespmem:v16+s25+$0x0], $0xffff  }
0xc6: {  	vm4 =	vgt.s32 v28, $0x0;
	vm3 =	vgt.s32 v38, $0x0;
	v39 =	vadd.s32 v30, v51;
	v22 =	vld.idx.msk [tilespmem:v16+s24+$0x0], $0xffff  }
0xc7: {  	s8 =	sadd.s32 $0x80, s8;
	v21 =	vnsel vm2, $0x0, v21;
	vm2 =	vgt.s32 v39, $0x0;
	v40 =	vadd.f32 v33, v42;
	v17 =	vld.idx.msk [tilespmem:v16+s23+$0x0], $0xffff  }
0xc8: {  	_ =	sdelay $0x2  }
0xc9: {  	v1 =	vmul.f32 v31, v1  }
0xca: {  	v25 =	vnsel vm0, $0x0, v25;
	v51 =	vld.idx.msk [tilespmem:v21+s25+$0x0], $0xffff  }
0xcb: {  	v27 =	vnsel vm1, $0x0, v27;
	v45 =	vld.idx.msk [tilespmem:v21+s24+$0x0], $0xffff;
	v3 =	vmul.f32 v36, v3;
	v1 =	vadd.f32 v1, v19  }
0xcc: {  	v28 =	vnsel vm4, $0x0, v28;
	v16 =	vld.idx.msk [tilespmem:v16+s21+$0x0], $0xffff  }
0xcd: {  	v30 =	vnsel vm3, $0x0, v38;
	[tilespmem:s5+$0xFFFFFFD0] =	vst v1;
	v1 =	vadd.f32 v3, v24;
	v3 =	vld.idx.msk [tilespmem:v21+s23+$0x0], $0xffff  }
0xce: {  	v33 =	vnsel vm2, $0x0, v39;
	v21 =	vld.idx.msk [tilespmem:v21+s21+$0x0], $0xffff  }
0xcf: {  	v52 =	vld.idx.msk [tilespmem:v25+s25+$0x0], $0xffff  }
0xd0: {  	v41 =	vld.idx.msk [tilespmem:v27+s25+$0x0], $0xffff  }
0xd1: {  	v42 =	vld.idx.msk [tilespmem:v28+s25+$0x0], $0xffff  }
0xd2: {  	v2 =	vmul.f32 v35, v2;
	v43 =	vld.idx.msk [tilespmem:v30+s25+$0x0], $0xffff  }
0xd3: {  	s6 =	sadd.s32 $0x80, s6;
	v20 =	vadd.f32 v34, v20;
	v44 =	vld.idx.msk [tilespmem:v33+s25+$0x0], $0xffff  }
0xd4: {  	v4 =	vmul.f32 v26, v4;
	[tilespmem:s6+$0x30] =	vst v40;
	v2 =	vadd.f32 v2, v18;
	v46 =	vld.idx.msk [tilespmem:v25+s24+$0x0], $0xffff  }
0xd5: {  	v5 =	vmul.f32 v32, v5;
	v54 =	vmul.f32 v37, v13;
	[tilespmem:s5+$0xFFFFFFC0] =	vst v20;
	v31 =	vld.idx.msk [tilespmem:v27+s24+$0x0], $0xffff  }
0xd6: {  	v6 =	vmul.f32 v29, v6;
	v4 =	vadd.f32 v4, v15;
	[tilespmem:s5+$0xFFFFFFE0] =	vst v2;
	v53 =	vld.idx.msk [tilespmem:v28+s24+$0x0], $0xffff  }
0xd7: {  	v2 =	vadd.f32 v5, v23;
	v22 =	vadd.f32 v54, v22;
	v19 =	vld.idx.msk [tilespmem:v30+s24+$0x0], $0xffff;
	v5 =	vmul.f32 v51, v11  }
0xd8: {  	v6 =	vadd.f32 v6, v14;
	[tilespmem:s5+$0x10] =	vst v4;
	v18 =	vld.idx.msk [tilespmem:v33+s24+$0x0], $0xffff  }
0xd9: {  	v20 =	vld.idx.msk [tilespmem:v25+s23+$0x0], $0xffff;
	[tilespmem:s5+$0x0] =	vst v2;
	v22 =	vmul.f32 v22, v13;
	v2 =	vadd.f32 v5, v45  }
0xda: {  	[tilespmem:s5+$0x20] =	vst v6;
	v14 =	vld.idx.msk [tilespmem:v30+s23+$0x0], $0xffff;
	v15 =	vmul.f32 v52, v12  }
0xdb: {  	[tilespmem:s5+$0xFFFFFFF0] =	vst v1;
	v17 =	vadd.f32 v22, v17;
	v2 =	vmul.f32 v2, v11;
	v4 =	vmul.f32 v41, v9  }
0xdc: {  	v1 =	vld.idx.msk [tilespmem:v27+s23+$0x0], $0xffff;
	v24 =	vmul.f32 v42, v8;
	v26 =	vmul.f32 v43, v7;
	v15 =	vadd.f32 v15, v46  }
0xdd: {  	v5 =	vld.idx.msk [tilespmem:v28+s23+$0x0], $0xffff;
	v6 =	vmul.f32 v44, v10;
	v13 =	vmul.f32 v17, v13;
	v4 =	vadd.f32 v4, v31  }
0xde: {  	v23 =	vld.idx.msk [tilespmem:v33+s23+$0x0], $0xffff;
	v2 =	vadd.f32 v2, v3;
	v24 =	vadd.f32 v24, v53;
	v15 =	vmul.f32 v15, v12  }
0xdf: {  	v19 =	vadd.f32 v26, v19;
	v6 =	vadd.f32 v6, v18;
	v18 =	vld.idx.msk [tilespmem:v25+s21+$0x0], $0xffff;
	v4 =	vmul.f32 v4, v9  }
0xe0: {  	v3 =	vld.idx.msk [tilespmem:v27+s21+$0x0], $0xffff;
	v2 =	vmul.f32 v2, v11;
	v22 =	vmul.f32 v24, v8;
	v15 =	vadd.f32 v15, v20  }
0xe1: {  	v17 =	vld.idx.msk [tilespmem:v28+s21+$0x0], $0xffff;
	v11 =	vadd.f32 v13, v16;
	v6 =	vmul.f32 v6, v10;
	v1 =	vadd.f32 v4, v1  }
0xe2: {  	v13 =	vld.idx.msk [tilespmem:v33+s21+$0x0], $0xffff;
	v19 =	vmul.f32 v19, v7;
	v5 =	vadd.f32 v22, v5;
	v12 =	vmul.f32 v15, v12  }
0xe3: {  	v2 =	vadd.f32 v2, v21;
	v4 =	vld.idx.msk [tilespmem:v30+s21+$0x0], $0xffff;
	v6 =	vadd.f32 v6, v23;
	v1 =	vmul.f32 v1, v9  }
0xe4: {  	[tilespmem:s6+$0xFFFFFFC0] =	vst v11;
	v14 =	vadd.f32 v19, v14;
	v5 =	vmul.f32 v5, v8;
	v8 =	vadd.f32 v12, v18  }
0xe5: {  	[tilespmem:s6+$0xFFFFFFD0] =	vst v2;
	v2 =	vmul.f32 v6, v10;
	v1 =	vadd.f32 v1, v3  }
0xe6: {  	v7 =	vmul.f32 v14, v7;
	v3 =	vadd.f32 v5, v17;
	[tilespmem:s6+$0xFFFFFFE0] =	vst v8  }
0xe7: {  	v2 =	vadd.f32 v2, v13;
	[tilespmem:s6+$0xFFFFFFF0] =	vst v1  }
0xe8: {  	v1 =	vadd.f32 v7, v4;
	[tilespmem:s6+$0x0] =	vst v3  }
0xe9: {  	[tilespmem:s6+$0x20] =	vst v2  }
0xea: {  	[tilespmem:s6+$0x10] =	vst v1  }
0xeb: {  	[hbm4b:s10+s2] =	stream.linear.scatter [tilespmem:s30], [sflag:$0x3], $0x7000, $0x38;
	[tilespmem:$0x1C280] =	vst v63  }
0xec: {  	_ = 	snop  }
0xed: {  	[tilespmem:s2], [sflag:$0x1] =	stream.linear.gather [hbm4b:s11+s2], $0x7000, $0x38;
	[tilespmem:$0x1C280] =	vst v63  }
0xee: {  	_ =	swait.ge [sflag:s31], $0x7000  }
0xef: {  	[sflag:s31] =	ssyncset.done $0x0  }
0xf0: {  	s7 =	simm.s32 $0x7040;
	[sflag:s31] =	ssyncadd.s32 $0xFFFF9000  }
0xf1: {  	v1 =	vld [tilespmem:s7+$0x30];
	_ =	sdelay $0x4  }
0xf2: {  	v1 =	vmax.f32 v1, $-1.000000000e+00  }
0xf3: {  	v3 =	vld [tilespmem:s7+$0xFFFFFFE0];
	v7 =	vmin.f32 v1, $1.000000000e+00  }
0xf4: {  	v4 =	vld [tilespmem:s7+$0xFFFFFFF0];
	v2 =	vadd.f32 $1.000000000e+00, v7  }
0xf5: {  	v1 =	vld [tilespmem:s7+$0xFFFFFFD0]  }
0xf6: {  	v9 =	vld [tilespmem:s7+$0x20];
	v2 =	vmul.f32 $4.500000000e+00, v2  }
0xf7: {  	v5 =	vld [tilespmem:s7+$0xFFFFFFC0]  }
0xf8: {  	v6 =	vld [tilespmem:s7+$0x0];
	v2 =	vadd.f32 $9.999999740e-06, v2  }
0xf9: {  	v8 =	vld [tilespmem:s7+$0x10];
	v3 =	vmax.f32 v3, $-1.000000000e+00  }
0xfa: {  	v4 =	vmax.f32 v4, $-1.000000000e+00;
	v1 =	vmax.f32 v1, $-1.000000000e+00;
	v2 =	vtrunc.f32 v2  }
0xfb: {  	v9 =	vmax.f32 v9, $-1.000000000e+00;
	v1 =	vmin.f32 v1, $1.000000000e+00;
	v11 =	vcvt.f32.s32 v2  }
0xfc: {  	v10 =	vadd.f32 $1.000000000e+00, v1;
	v2 =	vmin.f32 v3, $1.000000000e+00;
	v3 =	vmin.f32 v4, $1.000000000e+00  }
0xfd: {  	v4 =	vmax.f32 v5, $-1.000000000e+00;
	v5 =	vmax.f32 v6, $-1.000000000e+00;
	vm0 =	vlt.s32 v11, $0x9  }
0xfe: {  	v14 =	vmin.f32 v4, $1.000000000e+00;
	v4 =	vmax.f32 v8, $-1.000000000e+00;
	v8 =	vnsel vm0, $0x9, v11  }
0xff: {  	v5 =	vmin.f32 v5, $1.000000000e+00;
	v12 =	vadd.f32 $1.000000000e+00, v3;
	v6 =	vadd.f32 $1.000000000e+00, v14  }
0x100: {  	v10 =	vmul.f32 $4.500000000e+00, v10;
	v4 =	vmin.f32 v4, $1.000000000e+00;
	v11 =	vadd.f32 $1.000000000e+00, v2  }
0x101: {  	v15 =	vadd.f32 $1.000000000e+00, v4;
	v12 =	vmul.f32 $4.500000000e+00, v12;
	v13 =	vmul.f32 $4.500000000e+00, v6  }
0x102: {  	v10 =	vadd.f32 $9.999999740e-06, v10;
	v6 =	vmin.f32 v9, $1.000000000e+00;
	v9 =	vadd.f32 $1.000000000e+00, v5  }
0x103: {  	v11 =	vmul.f32 $4.500000000e+00, v11;
	v15 =	vmul.f32 $4.500000000e+00, v15;
	v13 =	vadd.f32 $9.999999740e-06, v13;
	v17 =	vld.idx.msk [tilespmem:v8+s26+$0x0], $0xffff  }
0x104: {  	v16 =	vadd.f32 $1.000000000e+00, v6;
	v10 =	vtrunc.f32 v10;
	v9 =	vmul.f32 $4.500000000e+00, v9  }
0x105: {  	v12 =	vadd.f32 $9.999999740e-06, v12;
	v10 =	vcvt.f32.s32 v10;
	v13 =	vtrunc.f32 v13  }
0x106: {  	v11 =	vadd.f32 $9.999999740e-06, v11;
	v16 =	vmul.f32 $4.500000000e+00, v16;
	v13 =	vcvt.f32.s32 v13  }
0x107: {  	v15 =	vadd.f32 $9.999999740e-06, v15;
	v12 =	vtrunc.f32 v12;
	v9 =	vadd.f32 $9.999999740e-06, v9  }
0x108: {  	v12 =	vcvt.f32.s32 v12;
	vm0 =	vlt.s32 v13, $0x9;
	vm1 =	vle.f32 v7, v17  }
0x109: {  	v11 =	vtrunc.f32 v11;
	v13 =	vnsel vm0, $0x9, v13;
	v17 =	vsel vm1, $0xFFFFFFFF, v0  }
0x10a: {  	v11 =	vcvt.f32.s32 v11;
	vm0 =	vlt.s32 v10, $0x9;
	v8 =	vadd.s32 v17, v8  }
0x10b: {  	v16 =	vadd.f32 $9.999999740e-06, v16;
	v10 =	vnsel vm0, $0x9, v10;
	vm0 =	vgt.s32 v8, $0x0  }
0x10c: {  	v9 =	vtrunc.f32 v9;
	vm1 =	vlt.s32 v11, $0x9;
	v8 =	vnsel vm0, $0x0, v8  }
0x10d: {  	v15 =	vtrunc.f32 v15;
	v9 =	vcvt.f32.s32 v9;
	v11 =	vnsel vm1, $0x9, v11  }
0x10e: {  	s8 =	simm.s32 $0x70C0;
	v15 =	vcvt.f32.s32 v15;
	v17 =	vld.idx.msk [tilespmem:v13+s26+$0x0], $0xffff;
	vm0 =	vlt.s32 v12, $0x9  }
0x10f: {  	v27 =	vld [tilespmem:s8+$0x10];
	v16 =	vtrunc.f32 v16;
	vm1 =	vlt.s32 v9, $0x9;
	v12 =	vnsel vm0, $0x9, v12  }
0x110: {  	v16 =	vcvt.f32.s32 v16;
	v9 =	vnsel vm1, $0x9, v9;
	vm0 =	vlt.s32 v15, $0x9;
	v18 =	vld.idx.msk [tilespmem:v10+s26+$0x0], $0xffff  }
0x111: {  	v15 =	vnsel vm0, $0x9, v15;
	v19 =	vld.idx.msk [tilespmem:v8+s25+$0x0], $0xffff  }
0x112: {  	vm0 =	vlt.s32 v16, $0x9;
	v20 =	vld.idx.msk [tilespmem:v11+s26+$0x0], $0xffff  }
0x113: {  	v16 =	vnsel vm0, $0x9, v16;
	vm1 =	vle.f32 v14, v17;
	v17 =	vld.idx.msk [tilespmem:v8+s24+$0x0], $0xffff  }
0x114: {  	v21 =	vsel vm1, $0xFFFFFFFF, v0;
	v22 =	vld.idx.msk [tilespmem:v12+s26+$0x0], $0xffff  }
0x115: {  	v13 =	vadd.s32 v21, v13;
	v21 =	vld.idx.msk [tilespmem:v9+s26+$0x0], $0xffff  }
0x116: {  	vm1 =	vle.f32 v1, v18;
	v23 =	vld.idx.msk [tilespmem:v15+s26+$0x0], $0xffff;
	vm0 =	vgt.s32 v13, $0x0;
	v19 =	vmul.f32 v19, v7  }
0x117: {  	v27 =	vmax.f32 v27, $-1.000000000e+00;
	v24 =	vld.idx.msk [tilespmem:v8+s23+$0x0], $0xffff;
	v18 =	vnsel vm0, $0x0, v13;
	v13 =	vsel vm1, $0xFFFFFFFF, v0  }
0x118: {  	vm0 =	vle.f32 v2, v20;
	v10 =	vadd.s32 v13, v10;
	v13 =	vld.idx.msk [tilespmem:v16+s26+$0x0], $0xffff;
	v17 =	vadd.f32 v19, v17  }
0x119: {  	v20 =	vsel vm0, $0xFFFFFFFF, v0;
	vm0 =	vgt.s32 v10, $0x0;
	vm1 =	vle.f32 v3, v22  }
0x11a: {  	v19 =	vsel vm1, $0xFFFFFFFF, v0;
	vm1 =	vle.f32 v5, v21;
	v17 =	vmul.f32 v17, v7  }
0x11b: {  	v12 =	vadd.s32 v19, v12;
	v19 =	vsel vm1, $0xFFFFFFFF, v0;
	vm1 =	vle.f32 v4, v23;
	v23 =	vld [tilespmem:s8+$0x30]  }
0x11c: {  	v11 =	vadd.s32 v20, v11;
	v25 =	vnsel vm0, $0x0, v10;
	v20 =	vld.idx.msk [tilespmem:v18+s25+$0x0], $0xffff;
	v17 =	vadd.f32 v17, v24  }
0x11d: {  	v9 =	vadd.s32 v19, v9;
	v19 =	vsel vm1, $0xFFFFFFFF, v0;
	vm2 =	vle.f32 v6, v13;
	v13 =	vld [tilespmem:s8+$0xFFFFFFD0]  }
0x11e: {  	v15 =	vadd.s32 v19, v15;
	v19 =	vsel vm2, $0xFFFFFFFF, v0;
	v24 =	vmul.f32 v17, v7;
	v7 =	vld [tilespmem:s8+$0xFFFFFFE0]  }
0x11f: {  	vm1 =	vgt.s32 v11, $0x0;
	vm2 =	vgt.s32 v9, $0x0;
	v17 =	vadd.s32 v19, v16;
	v19 =	vld [tilespmem:s8+$0xFFFFFFF0]  }
0x120: {  	vm4 =	vgt.s32 v15, $0x0;
	v22 =	vnsel vm2, $0x0, v9;
	v9 =	vmax.f32 v23, $-1.000000000e+00;
	v23 =	vld [tilespmem:s8+$0xFFFFFFC0]  }
0x121: {  	v10 =	vld [tilespmem:s8+$0x0];
	vm3 =	vgt.s32 v12, $0x0;
	v26 =	vnsel vm1, $0x0, v11;
	v15 =	vnsel vm4, $0x0, v15  }
0x122: {  	v16 =	vnsel vm3, $0x0, v12;
	vm0 =	vgt.s32 v17, $0x0;
	v20 =	vmul.f32 v20, v14  }
0x123: {  	v21 =	vnsel vm0, $0x0, v17;
	v11 =	vmax.f32 v13, $-1.000000000e+00;
	v13 =	vld [tilespmem:s8+$0x20];
	v17 =	vmin.f32 v9, $1.000000000e+00  }
0x124: {  	v11 =	vmin.f32 v11, $1.000000000e+00;
	v28 =	vadd.f32 $1.000000000e+00, v17;
	v7 =	vmax.f32 v7, $-1.000000000e+00  }
0x125: {  	v9 =	vmax.f32 v19, $-1.000000000e+00;
	v19 =	vadd.f32 $1.000000000e+00, v11;
	v23 =	vmax.f32 v23, $-1.000000000e+00  }
0x126: {  	v31 =	vld.idx.msk [tilespmem:v18+s23+$0x0], $0xffff;
	v12 =	vmin.f32 v7, $1.000000000e+00;
	v9 =	vmin.f32 v9, $1.000000000e+00;
	v7 =	vmax.f32 v10, $-1.000000000e+00  }
0x127: {  	v10 =	vmul.f32 $4.500000000e+00, v28;
	v28 =	vld.idx.msk [tilespmem:v8+s21+$0x0], $0xffff;
	v29 =	vadd.f32 $1.000000000e+00, v12;
	v8 =	vmin.f32 v7, $1.000000000e+00  }
0x128: {  	v60 =	vld.idx.msk [tilespmem:v15+s25+$0x0], $0xffff;
	v7 =	vmin.f32 v27, $1.000000000e+00;
	v13 =	vmax.f32 v13, $-1.000000000e+00;
	v55 =	vadd.f32 $1.000000000e+00, v9  }
0x129: {  	v35 =	vld.idx.msk [tilespmem:v26+s25+$0x0], $0xffff;
	v19 =	vmul.f32 $4.500000000e+00, v19;
	v30 =	vadd.f32 $9.999999740e-06, v10;
	v10 =	vmin.f32 v13, $1.000000000e+00  }
0x12a: {  	v61 =	vld.idx.msk [tilespmem:v25+s24+$0x0], $0xffff;
	v13 =	vmin.f32 v23, $1.000000000e+00;
	v56 =	vadd.f32 $1.000000000e+00, v8;
	v58 =	vadd.f32 $1.000000000e+00, v7  }
0x12b: {  	v46 =	vld.idx.msk [tilespmem:v25+s23+$0x0], $0xffff;
	v57 =	vadd.f32 $1.000000000e+00, v13;
	v29 =	vmul.f32 $4.500000000e+00, v29;
	v30 =	vtrunc.f32 v30  }
0x12c: {  	v37 =	vld.idx.msk [tilespmem:v16+s25+$0x0], $0xffff;
	v59 =	vadd.f32 $1.000000000e+00, v10;
	v32 =	vmul.f32 $4.500000000e+00, v55;
	v30 =	vcvt.f32.s32 v30  }
0x12d: {  	v27 =	vld.idx.msk [tilespmem:v18+s24+$0x0], $0xffff;
	v19 =	vadd.f32 $9.999999740e-06, v19;
	v60 =	vmul.f32 v60, v4;
	v33 =	vmul.f32 $4.500000000e+00, v56  }
0x12e: {  	v23 =	vld.idx.msk [tilespmem:v25+s25+$0x0], $0xffff;
	v36 =	vmul.f32 $4.500000000e+00, v58;
	v58 =	vmul.f32 v35, v2;
	vm0 =	vlt.s32 v30, $0x9  }
0x12f: {  	v62 =	vld.idx.msk [tilespmem:v26+s24+$0x0], $0xffff;
	v34 =	vmul.f32 $4.500000000e+00, v57;
	v38 =	vmul.f32 $4.500000000e+00, v59;
	v30 =	vnsel vm0, $0x9, v30  }
0x130: {  	v47 =	vld.idx.msk [tilespmem:v26+s23+$0x0], $0xffff;
	v29 =	vadd.f32 $9.999999740e-06, v29;
	v32 =	vadd.f32 $9.999999740e-06, v32;
	v19 =	vtrunc.f32 v19  }
0x131: {  	v39 =	vld.idx.msk [tilespmem:v22+s25+$0x0], $0xffff;
	v45 =	vadd.f32 v24, v28;
	v59 =	vmul.f32 v37, v3;
	v34 =	vadd.f32 $9.999999740e-06, v34  }
0x132: {  	v49 =	vld.idx.msk [tilespmem:v22+s23+$0x0], $0xffff;
	v33 =	vadd.f32 $9.999999740e-06, v33;
	v36 =	vadd.f32 $9.999999740e-06, v36;
	v19 =	vcvt.f32.s32 v19  }
0x133: {  	v52 =	vld.idx.msk [tilespmem:v15+s23+$0x0], $0xffff;
	v27 =	vadd.f32 v20, v27;
	v23 =	vmul.f32 v23, v1;
	v34 =	vtrunc.f32 v34  }
0x134: {  	v29 =	vtrunc.f32 v29;
	v38 =	vadd.f32 $9.999999740e-06, v38;
	v34 =	vcvt.f32.s32 v34;
	v20 =	vld.idx.msk [tilespmem:v30+s26+$0x0], $0xffff  }
0x135: {  	v63 =	vld.idx.msk [tilespmem:v16+s24+$0x0], $0xffff;
	v32 =	vtrunc.f32 v32;
	v28 =	vtrunc.f32 v33;
	vm1 =	vlt.s32 v19, $0x9  }
0x136: {  	v48 =	vld.idx.msk [tilespmem:v16+s23+$0x0], $0xffff;
	v55 =	vtrunc.f32 v36;
	v51 =	vnsel vm1, $0x9, v19;
	vm0 =	vlt.s32 v34, $0x9  }
0x137: {  	v41 =	vld.idx.msk [tilespmem:v21+s25+$0x0], $0xffff;
	v29 =	vcvt.f32.s32 v29;
	v32 =	vcvt.f32.s32 v32;
	v50 =	vnsel vm0, $0x9, v34  }
0x138: {  	v24 =	vld.idx.msk [tilespmem:v22+s24+$0x0], $0xffff;
	v27 =	vmul.f32 v27, v14;
	v56 =	vtrunc.f32 v38;
	v23 =	vadd.f32 v23, v61  }
0x139: {  	v57 =	vld.idx.msk [tilespmem:v21+s24+$0x0], $0xffff;
	v28 =	vcvt.f32.s32 v28;
	v36 =	vcvt.f32.s32 v56;
	vm5 =	vle.f32 v17, v20  }
0x13a: {  	v38 =	vld.idx.msk [tilespmem:v15+s24+$0x0], $0xffff;
	v33 =	vcvt.f32.s32 v55;
	v61 =	vadd.f32 v59, v63;
	v20 =	vsel vm5, $0xFFFFFFFF, v0  }
0x13b: {  	vm2 =	vlt.s32 v29, $0x9;
	vm7 =	vlt.s32 v36, $0x9;
	v44 =	vld.idx.msk [tilespmem:v51+s26+$0x0], $0xffff;
	v19 =	vadd.s32 v20, v30  }
0x13c: {  	vm3 =	vlt.s32 v32, $0x9;
	v55 =	vnsel vm7, $0x9, v36;
	v63 =	vld.idx.msk [tilespmem:v50+s26+$0x0], $0xffff;
	vm0 =	vgt.s32 v19, $0x0  }
0x13d: {  	v27 =	vadd.f32 v27, v31;
	vm4 =	vlt.s32 v28, $0x9;
	v20 =	vld.idx.msk [tilespmem:v18+s21+$0x0], $0xffff;
	v54 =	vnsel vm0, $0x0, v19  }
0x13e: {  	v30 =	vnsel vm2, $0x9, v29;
	v18 =	vld.idx.msk [tilespmem:v26+s21+$0x0], $0xffff;
	v26 =	vadd.f32 v58, v62;
	v62 =	vmul.f32 v41, v6  }
0x13f: {  	vm6 =	vlt.s32 v33, $0x9;
	v53 =	vnsel vm3, $0x9, v32;
	v19 =	vld.idx.msk [tilespmem:v25+s21+$0x0], $0xffff;
	v25 =	vmul.f32 v39, v5  }
0x140: {  	v23 =	vmul.f32 v23, v1;
	v32 =	vmul.f32 v61, v3;
	v29 =	vld.idx.msk [tilespmem:v21+s23+$0x0], $0xffff;
	v34 =	vadd.f32 v62, v57  }
0x141: {  	v28 =	vnsel vm4, $0x9, v28;
	v62 =	vld.idx.msk [tilespmem:v55+s26+$0x0], $0xffff;
	v24 =	vadd.f32 v25, v24;
	v25 =	vadd.f32 v60, v38  }
0x142: {  	v33 =	vnsel vm6, $0x9, v33;
	v31 =	vadd.f32 v23, v46;
	v26 =	vmul.f32 v26, v2;
	v56 =	vld.idx.msk [tilespmem:v54+s25+$0x0], $0xffff  }
0x143: {  	v36 =	vadd.f32 v32, v48;
	v57 =	vld.idx.msk [tilespmem:v30+s26+$0x0], $0xffff;
	v24 =	vmul.f32 v24, v5;
	v23 =	vmul.f32 v25, v4  }
0x144: {  	vm0 =	vle.f32 v13, v63;
	v35 =	vadd.f32 v26, v47;
	v25 =	vmul.f32 v34, v6;
	v58 =	vld.idx.msk [tilespmem:v54+s24+$0x0], $0xffff  }
0x145: {  	v34 =	vmul.f32 v27, v14;
	v14 =	vld.idx.msk [tilespmem:v53+s26+$0x0], $0xffff;
	v32 =	vadd.f32 v24, v49;
	v26 =	vadd.f32 v23, v52  }
0x146: {  	v27 =	vld.idx.msk [tilespmem:v28+s26+$0x0], $0xffff;
	v23 =	vsel vm0, $0xFFFFFFFF, v0;
	vm0 =	vle.f32 v11, v44;
	v29 =	vadd.f32 v25, v29  }
0x147: {  	v59 =	vld.idx.msk [tilespmem:v33+s26+$0x0], $0xffff;
	v23 =	vadd.s32 v23, v50;
	v24 =	vsel vm0, $0xFFFFFFFF, v0;
	v25 =	vmul.f32 v56, v17  }
0x148: {  	v60 =	vld.idx.msk [tilespmem:v54+s23+$0x0], $0xffff;
	vm3 =	vle.f32 v10, v62;
	vm0 =	vgt.s32 v23, $0x0;
	v61 =	vadd.s32 v24, v51  }
0x149: {  	vm1 =	vle.f32 v12, v57;
	vm2 =	vgt.s32 v61, $0x0;
	v41 =	vadd.f32 v25, v58  }
0x14a: {  	v24 =	vld.idx.msk [tilespmem:v16+s21+$0x0], $0xffff;
	v40 =	vsel vm1, $0xFFFFFFFF, v0;
	v16 =	vnsel vm0, $0x0, v23;
	vm0 =	vle.f32 v9, v14  }
0x14b: {  	v23 =	vld.idx.msk [tilespmem:v22+s21+$0x0], $0xffff;
	v14 =	vsel vm0, $0xFFFFFFFF, v0;
	vm0 =	vle.f32 v8, v27;
	v22 =	vmul.f32 v41, v17  }
0x14c: {  	v27 =	vadd.s32 v14, v53;
	v14 =	vsel vm0, $0xFFFFFFFF, v0;
	v25 =	vadd.s32 v40, v30;
	v30 =	vld.idx.msk [tilespmem:v54+s21+$0x0], $0xffff  }
0x14d: {  	v15 =	vld.idx.msk [tilespmem:v15+s21+$0x0], $0xffff;
	vm0 =	vle.f32 v7, v59;
	v28 =	vadd.s32 v14, v28;
	v22 =	vadd.f32 v22, v60  }
0x14e: {  	v37 =	vsel vm0, $0xFFFFFFFF, v0;
	v14 =	vld.idx.msk [tilespmem:v21+s21+$0x0], $0xffff;
	vm1 =	vgt.s32 v27, $0x0;
	v21 =	vsel vm3, $0xFFFFFFFF, v0  }
0x14f: {  	vm0 =	vgt.s32 v25, $0x0;
	v38 =	vadd.s32 v37, v33;
	v37 =	vld.idx.msk [tilespmem:v16+s25+$0x0], $0xffff;
	v63 =	vmul.f32 v22, v17  }
0x150: {  	s6 =	simm.s32 $0x15040;
	vm4 =	vgt.s32 v28, $0x0;
	v39 =	vadd.s32 v21, v55;
	v21 =	vnsel vm2, $0x0, v61;
	v22 =	vld.idx.msk [tilespmem:v16+s24+$0x0], $0xffff  }
0x151: {  	s5 =	simm.s32 $0x15040;
	s7 =	simm.s32 $0x80;
	s8 =	simm.s32 $0x7140;
	[tilespmem:s6+$0x30] =	vst v45;
	vm3 =	vgt.s32 v38, $0x0;
	vm2 =	vgt.s32 v39, $0x0;
	v17 =	vld.idx.msk [tilespmem:v16+s23+$0x0], $0xffff;
	v40 =	vadd.f32 v63, v30  }
.LBB2_4:
0x152: {  	v41 =	vld [tilespmem:s8+$0x30];
	s7 =	sadd.s32 $0x80, s7;
	v33 =	vnsel vm0, $0x0, v25;
	v30 =	vnsel vm1, $0x0, v27;
	v27 =	vnsel vm4, $0x0, v28;
	s6 =	sadd.s32 $0x80, s6  }
0x153: {  	v28 =	vnsel vm3, $0x0, v38;
	v25 =	vnsel vm2, $0x0, v39;
	v31 =	vmul.f32 v31, v1;
	v1 =	vmovc v11;
	v42 =	vld [tilespmem:s8+$0xFFFFFFD0];
	p0 =	slt.u32 s7, $0x6F80;
	[tilespmem:s6+$0x30] =	vst v40  }
0x154: {  	v11 =	vadd.f32 v34, v20;
	v20 =	vmul.f32 v35, v2;
	v34 =	vmul.f32 v36, v3;
	v2 =	vmovc v12;
	v38 =	vld [tilespmem:s8+$0xFFFFFFE0]  }
0x155: {  	v3 =	vmovc v9;
	v12 =	vmul.f32 v37, v13;
	v19 =	vadd.f32 v31, v19;
	v31 =	vmul.f32 v32, v5;
	v35 =	vld [tilespmem:s8+$0xFFFFFFF0]  }
0x156: {  	v9 =	vadd.f32 v20, v18;
	v18 =	vmul.f32 v26, v4;
	v20 =	vmul.f32 v29, v6;
	v32 =	vld [tilespmem:s8+$0x0];
	[tilespmem:s5+$0xFFFFFFC0] =	vst v11  }
0x157: {  	v5 =	vmovc v8;
	v26 =	vadd.f32 v12, v22;
	v12 =	vadd.f32 v34, v24;
	v29 =	vld [tilespmem:s8+$0x10];
	v11 =	vmax.f32 v41, $-1.000000000e+00;
	[tilespmem:s5+$0xFFFFFFD0] =	vst v19  }
0x158: {  	v4 =	vmovc v7;
	v6 =	vmovc v10;
	v8 =	vmax.f32 v42, $-1.000000000e+00;
	v19 =	vld [tilespmem:s8+$0x20];
	v22 =	vmin.f32 v11, $1.000000000e+00;
	[tilespmem:s5+$0xFFFFFFE0] =	vst v9;
	v9 =	vadd.f32 v31, v23  }
0x159: {  	v10 =	vld [tilespmem:s8+$0xFFFFFFC0];
	v11 =	vmin.f32 v8, $1.000000000e+00;
	v7 =	vmax.f32 v38, $-1.000000000e+00;
	v8 =	vadd.f32 $1.000000000e+00, v22;
	[tilespmem:s5+$0xFFFFFFF0] =	vst v12  }
0x15a: {  	v23 =	vadd.f32 $1.000000000e+00, v11;
	v12 =	vmin.f32 v7, $1.000000000e+00;
	v7 =	vmax.f32 v35, $-1.000000000e+00;
	v24 =	vld.idx.msk [tilespmem:v21+s25+$0x0], $0xffff;
	[tilespmem:s5+$0x0] =	vst v9  }
0x15b: {  	v9 =	vmin.f32 v7, $1.000000000e+00;
	v7 =	vmax.f32 v32, $-1.000000000e+00;
	v31 =	vmul.f32 $4.500000000e+00, v8;
	v32 =	vld.idx.msk [tilespmem:v33+s25+$0x0], $0xffff  }
0x15c: {  	v34 =	vadd.f32 $1.000000000e+00, v12;
	v8 =	vmin.f32 v7, $1.000000000e+00;
	v7 =	vmax.f32 v29, $-1.000000000e+00;
	v29 =	vld.idx.msk [tilespmem:v30+s25+$0x0], $0xffff  }
0x15d: {  	v7 =	vmin.f32 v7, $1.000000000e+00;
	v19 =	vmax.f32 v19, $-1.000000000e+00;
	v31 =	vadd.f32 $9.999999740e-06, v31;
	v35 =	vld.idx.msk [tilespmem:v27+s25+$0x0], $0xffff  }
0x15e: {  	v38 =	vadd.f32 $1.000000000e+00, v9;
	v36 =	vmax.f32 v10, $-1.000000000e+00;
	v10 =	vmin.f32 v19, $1.000000000e+00;
	v39 =	vld.idx.msk [tilespmem:v28+s25+$0x0], $0xffff  }
0x15f: {  	v19 =	vadd.f32 $1.000000000e+00, v8;
	v37 =	vmin.f32 v36, $1.000000000e+00;
	v31 =	vtrunc.f32 v31;
	v36 =	vld.idx.msk [tilespmem:v25+s25+$0x0], $0xffff  }
0x160: {  	v41 =	vadd.f32 $1.000000000e+00, v7;
	v40 =	vadd.f32 $1.000000000e+00, v37;
	v31 =	vcvt.f32.s32 v31;
	v42 =	vld.idx.msk [tilespmem:v21+s24+$0x0], $0xffff  }
0x161: {  	v23 =	vmul.f32 $4.500000000e+00, v23;
	v34 =	vmul.f32 $4.500000000e+00, v34;
	v43 =	vadd.f32 $1.000000000e+00, v10;
	v44 =	vld.idx.msk [tilespmem:v33+s24+$0x0], $0xffff  }
0x162: {  	v38 =	vmul.f32 $4.500000000e+00, v38;
	v40 =	vmul.f32 $4.500000000e+00, v40;
	vm0 =	vlt.s32 v31, $0x9;
	v45 =	vld.idx.msk [tilespmem:v30+s24+$0x0], $0xffff  }
0x163: {  	v19 =	vmul.f32 $4.500000000e+00, v19;
	v41 =	vmul.f32 $4.500000000e+00, v41;
	v31 =	vnsel vm0, $0x9, v31;
	v46 =	vld.idx.msk [tilespmem:v27+s24+$0x0], $0xffff  }
0x164: {  	v23 =	vadd.f32 $9.999999740e-06, v23;
	v43 =	vmul.f32 $4.500000000e+00, v43;
	v40 =	vadd.f32 $9.999999740e-06, v40;
	v47 =	vld.idx.msk [tilespmem:v28+s24+$0x0], $0xffff  }
0x165: {  	v34 =	vadd.f32 $9.999999740e-06, v34;
	v24 =	vmul.f32 v24, v1;
	v38 =	vadd.f32 $9.999999740e-06, v38;
	v48 =	vld.idx.msk [tilespmem:v25+s24+$0x0], $0xffff  }
0x166: {  	v19 =	vadd.f32 $9.999999740e-06, v19;
	v41 =	vadd.f32 $9.999999740e-06, v41;
	v40 =	vtrunc.f32 v40;
	v49 =	vld.idx.msk [tilespmem:v21+s23+$0x0], $0xffff  }
0x167: {  	v23 =	vtrunc.f32 v23;
	v34 =	vtrunc.f32 v34;
	v43 =	vadd.f32 $9.999999740e-06, v43;
	v50 =	vld.idx.msk [tilespmem:v33+s23+$0x0], $0xffff  }
0x168: {  	v38 =	vtrunc.f32 v38;
	v19 =	vtrunc.f32 v19;
	v42 =	vadd.f32 v24, v42;
	v51 =	vld.idx.msk [tilespmem:v31+s26+$0x0], $0xffff  }
0x169: {  	v15 =	vadd.f32 v18, v15;
	v24 =	vtrunc.f32 v41;
	v41 =	vtrunc.f32 v43;
	v43 =	vld.idx.msk [tilespmem:v30+s23+$0x0], $0xffff  }
0x16a: {  	v14 =	vadd.f32 v20, v14;
	v23 =	vcvt.f32.s32 v23;
	v40 =	vcvt.f32.s32 v40;
	v52 =	vld.idx.msk [tilespmem:v27+s23+$0x0], $0xffff  }
0x16b: {  	v34 =	vcvt.f32.s32 v34;
	v38 =	vcvt.f32.s32 v38;
	v53 =	vld.idx.msk [tilespmem:v28+s23+$0x0], $0xffff;
	[tilespmem:s5+$0x10] =	vst v15  }
0x16c: {  	v54 =	vcvt.f32.s32 v24;
	vm0 =	vlt.s32 v40, $0x9;
	v15 =	vcvt.f32.s32 v19;
	v55 =	vld.idx.msk [tilespmem:v25+s23+$0x0], $0xffff;
	[tilespmem:s5+$0x20] =	vst v14;
	s5 =	smov.u32 s6  }
0x16d: {  	vm1 =	vlt.s32 v23, $0x9;
	vm2 =	vlt.s32 v34, $0x9;
	v14 =	vcvt.f32.s32 v41;
	v20 =	vld.idx.msk [tilespmem:v16+s21+$0x0], $0xffff  }
0x16e: {  	vm3 =	vlt.s32 v38, $0x9;
	vm4 =	vlt.s32 v15, $0x9;
	vm5 =	vle.f32 v22, v51;
	v19 =	vld.idx.msk [tilespmem:v21+s21+$0x0], $0xffff  }
0x16f: {  	vm6 =	vlt.s32 v54, $0x9;
	vm7 =	vlt.s32 v14, $0x9;
	v16 =	vsel vm5, $0xFFFFFFFF, v0;
	v18 =	vld.idx.msk [tilespmem:v33+s21+$0x0], $0xffff  }
0x170: {  	v21 =	vnsel vm0, $0x9, v40;
	v33 =	vnsel vm1, $0x9, v23;
	v16 =	vadd.s32 v16, v31;
	v24 =	vld.idx.msk [tilespmem:v30+s21+$0x0], $0xffff  }
0x171: {  	v38 =	vnsel vm3, $0x9, v38;
	v30 =	vnsel vm2, $0x9, v34;
	vm0 =	vgt.s32 v16, $0x0;
	v23 =	vld.idx.msk [tilespmem:v27+s21+$0x0], $0xffff  }
0x172: {  	v41 =	vnsel vm6, $0x9, v54;
	v40 =	vnsel vm4, $0x9, v15;
	v27 =	vnsel vm0, $0x0, v16;
	v15 =	vld.idx.msk [tilespmem:v28+s21+$0x0], $0xffff  }
0x173: {  	v51 =	vnsel vm7, $0x9, v14;
	v16 =	vmul.f32 v32, v2;
	v28 =	vmul.f32 v29, v3;
	v14 =	vld.idx.msk [tilespmem:v25+s21+$0x0], $0xffff  }
0x174: {  	v29 =	vmul.f32 v39, v4;
	v25 =	vmul.f32 v35, v5  }
0x175: {  	v31 =	vmul.f32 v36, v6;
	v16 =	vadd.f32 v16, v44;
	v28 =	vadd.f32 v28, v45;
	v32 =	vld.idx.msk [tilespmem:v21+s26+$0x0], $0xffff  }
0x176: {  	v26 =	vmul.f32 v26, v13;
	v29 =	vadd.f32 v29, v47;
	v25 =	vadd.f32 v25, v46;
	v39 =	vld.idx.msk [tilespmem:v33+s26+$0x0], $0xffff  }
0x177: {  	v34 =	vmul.f32 v42, v1;
	v35 =	vadd.f32 v31, v48;
	v16 =	vmul.f32 v16, v2;
	v44 =	vld.idx.msk [tilespmem:v27+s25+$0x0], $0xffff  }
0x178: {  	v17 =	vadd.f32 v26, v17;
	v26 =	vmul.f32 v28, v3;
	v25 =	vmul.f32 v25, v5;
	v42 =	vld.idx.msk [tilespmem:v30+s26+$0x0], $0xffff  }
0x179: {  	v31 =	vadd.f32 v34, v49;
	v45 =	vmul.f32 v35, v6;
	v29 =	vmul.f32 v29, v4;
	v28 =	vld.idx.msk [tilespmem:v27+s24+$0x0], $0xffff  }
0x17a: {  	v34 =	vmul.f32 v17, v13;
	v35 =	vadd.f32 v16, v50;
	v36 =	vadd.f32 v26, v43;
	v46 =	vld.idx.msk [tilespmem:v38+s26+$0x0], $0xffff  }
0x17b: {  	v26 =	vadd.f32 v29, v53;
	vm0 =	vle.f32 v37, v32;
	v32 =	vadd.f32 v25, v52;
	v17 =	vld.idx.msk [tilespmem:v40+s26+$0x0], $0xffff  }
0x17c: {  	v13 =	vmovc v37;
	v29 =	vadd.f32 v45, v55;
	v16 =	vsel vm0, $0xFFFFFFFF, v0;
	vm0 =	vle.f32 v11, v39;
	v39 =	vld.idx.msk [tilespmem:v41+s26+$0x0], $0xffff  }
0x17d: {  	v16 =	vadd.s32 v16, v21;
	v21 =	vsel vm0, $0xFFFFFFFF, v0;
	v25 =	vmul.f32 v44, v22;
	v37 =	vld.idx.msk [tilespmem:v27+s23+$0x0], $0xffff  }
0x17e: {  	vm0 =	vgt.s32 v16, $0x0;
	v21 =	vadd.s32 v21, v33;
	vm1 =	vle.f32 v12, v42;
	v33 =	vld.idx.msk [tilespmem:v51+s26+$0x0], $0xffff  }
0x17f: {  	vm2 =	vgt.s32 v21, $0x0;
	v42 =	vsel vm1, $0xFFFFFFFF, v0;
	v28 =	vadd.f32 v25, v28  }
0x180: {  	v16 =	vnsel vm0, $0x0, v16;
	v25 =	vadd.s32 v42, v30;
	vm0 =	vle.f32 v9, v46  }
0x181: {  	v30 =	vsel vm0, $0xFFFFFFFF, v0;
	vm0 =	vle.f32 v8, v17;
	v17 =	vmul.f32 v28, v22;
	v42 =	vld.idx.msk [tilespmem:v27+s21+$0x0], $0xffff  }
0x182: {  	v27 =	vadd.s32 v30, v38;
	v28 =	vsel vm0, $0xFFFFFFFF, v0;
	vm0 =	vle.f32 v7, v39  }
.Ltmp1:
0x183: {  	v28 =	vadd.s32 v28, v40;
	v30 =	vsel vm0, $0xFFFFFFFF, v0;
	v17 =	vadd.f32 v17, v37;
	(pc) =	sbr.rel @p0 .LBB2_4-.Ltmp1, $4  }
0x184: {  	vm0 =	vgt.s32 v25, $0x0;
	v38 =	vadd.s32 v30, v41;
	vm3 =	vle.f32 v10, v33  }
0x185: {  	vm1 =	vgt.s32 v27, $0x0;
	v30 =	vsel vm3, $0xFFFFFFFF, v0;
	v33 =	vmul.f32 v17, v22;
	v37 =	vld.idx.msk [tilespmem:v16+s25+$0x0], $0xffff  }
0x186: {  	vm4 =	vgt.s32 v28, $0x0;
	vm3 =	vgt.s32 v38, $0x0;
	v39 =	vadd.s32 v30, v51;
	v22 =	vld.idx.msk [tilespmem:v16+s24+$0x0], $0xffff  }
0x187: {  	s8 =	sadd.s32 $0x80, s8;
	v21 =	vnsel vm2, $0x0, v21;
	vm2 =	vgt.s32 v39, $0x0;
	v40 =	vadd.f32 v33, v42;
	v17 =	vld.idx.msk [tilespmem:v16+s23+$0x0], $0xffff  }
0x188: {  	_ =	sdelay $0x2  }
0x189: {  	v1 =	vmul.f32 v31, v1  }
0x18a: {  	v25 =	vnsel vm0, $0x0, v25;
	v51 =	vld.idx.msk [tilespmem:v21+s25+$0x0], $0xffff  }
0x18b: {  	v27 =	vnsel vm1, $0x0, v27;
	v45 =	vld.idx.msk [tilespmem:v21+s24+$0x0], $0xffff;
	v3 =	vmul.f32 v36, v3;
	v1 =	vadd.f32 v1, v19  }
0x18c: {  	v28 =	vnsel vm4, $0x0, v28;
	v16 =	vld.idx.msk [tilespmem:v16+s21+$0x0], $0xffff  }
0x18d: {  	v30 =	vnsel vm3, $0x0, v38;
	[tilespmem:s5+$0xFFFFFFD0] =	vst v1;
	v1 =	vadd.f32 v3, v24;
	v3 =	vld.idx.msk [tilespmem:v21+s23+$0x0], $0xffff  }
0x18e: {  	v33 =	vnsel vm2, $0x0, v39;
	v21 =	vld.idx.msk [tilespmem:v21+s21+$0x0], $0xffff  }
0x18f: {  	v52 =	vld.idx.msk [tilespmem:v25+s25+$0x0], $0xffff  }
0x190: {  	v41 =	vld.idx.msk [tilespmem:v27+s25+$0x0], $0xffff  }
0x191: {  	v42 =	vld.idx.msk [tilespmem:v28+s25+$0x0], $0xffff  }
0x192: {  	v2 =	vmul.f32 v35, v2;
	v43 =	vld.idx.msk [tilespmem:v30+s25+$0x0], $0xffff  }
0x193: {  	s6 =	sadd.s32 $0x80, s6;
	v20 =	vadd.f32 v34, v20;
	v44 =	vld.idx.msk [tilespmem:v33+s25+$0x0], $0xffff  }
0x194: {  	v4 =	vmul.f32 v26, v4;
	[tilespmem:s6+$0x30] =	vst v40;
	v2 =	vadd.f32 v2, v18;
	v46 =	vld.idx.msk [tilespmem:v25+s24+$0x0], $0xffff  }
0x195: {  	v5 =	vmul.f32 v32, v5;
	v54 =	vmul.f32 v37, v13;
	[tilespmem:s5+$0xFFFFFFC0] =	vst v20;
	v31 =	vld.idx.msk [tilespmem:v27+s24+$0x0], $0xffff  }
0x196: {  	v6 =	vmul.f32 v29, v6;
	v4 =	vadd.f32 v4, v15;
	[tilespmem:s5+$0xFFFFFFE0] =	vst v2;
	v53 =	vld.idx.msk [tilespmem:v28+s24+$0x0], $0xffff  }
0x197: {  	v2 =	vadd.f32 v5, v23;
	v22 =	vadd.f32 v54, v22;
	v19 =	vld.idx.msk [tilespmem:v30+s24+$0x0], $0xffff;
	v5 =	vmul.f32 v51, v11  }
0x198: {  	v6 =	vadd.f32 v6, v14;
	[tilespmem:s5+$0x10] =	vst v4;
	v18 =	vld.idx.msk [tilespmem:v33+s24+$0x0], $0xffff  }
0x199: {  	v20 =	vld.idx.msk [tilespmem:v25+s23+$0x0], $0xffff;
	[tilespmem:s5+$0x0] =	vst v2;
	v22 =	vmul.f32 v22, v13;
	v2 =	vadd.f32 v5, v45  }
0x19a: {  	[tilespmem:s5+$0x20] =	vst v6;
	v14 =	vld.idx.msk [tilespmem:v30+s23+$0x0], $0xffff;
	v15 =	vmul.f32 v52, v12  }
0x19b: {  	[tilespmem:s5+$0xFFFFFFF0] =	vst v1;
	v17 =	vadd.f32 v22, v17;
	v2 =	vmul.f32 v2, v11;
	v4 =	vmul.f32 v41, v9  }
0x19c: {  	v1 =	vld.idx.msk [tilespmem:v27+s23+$0x0], $0xffff;
	v24 =	vmul.f32 v42, v8;
	v26 =	vmul.f32 v43, v7;
	v15 =	vadd.f32 v15, v46  }
0x19d: {  	v5 =	vld.idx.msk [tilespmem:v28+s23+$0x0], $0xffff;
	v6 =	vmul.f32 v44, v10;
	v13 =	vmul.f32 v17, v13;
	v4 =	vadd.f32 v4, v31  }
0x19e: {  	v23 =	vld.idx.msk [tilespmem:v33+s23+$0x0], $0xffff;
	v2 =	vadd.f32 v2, v3;
	v24 =	vadd.f32 v24, v53;
	v15 =	vmul.f32 v15, v12  }
0x19f: {  	v19 =	vadd.f32 v26, v19;
	v6 =	vadd.f32 v6, v18;
	v18 =	vld.idx.msk [tilespmem:v25+s21+$0x0], $0xffff;
	v4 =	vmul.f32 v4, v9  }
0x1a0: {  	v3 =	vld.idx.msk [tilespmem:v27+s21+$0x0], $0xffff;
	v2 =	vmul.f32 v2, v11;
	v22 =	vmul.f32 v24, v8;
	v15 =	vadd.f32 v15, v20  }
0x1a1: {  	v17 =	vld.idx.msk [tilespmem:v28+s21+$0x0], $0xffff;
	v11 =	vadd.f32 v13, v16;
	v6 =	vmul.f32 v6, v10;
	v1 =	vadd.f32 v4, v1  }
0x1a2: {  	v13 =	vld.idx.msk [tilespmem:v33+s21+$0x0], $0xffff;
	v19 =	vmul.f32 v19, v7;
	v5 =	vadd.f32 v22, v5;
	v12 =	vmul.f32 v15, v12  }
0x1a3: {  	v2 =	vadd.f32 v2, v21;
	v4 =	vld.idx.msk [tilespmem:v30+s21+$0x0], $0xffff;
	v6 =	vadd.f32 v6, v23;
	v1 =	vmul.f32 v1, v9  }
0x1a4: {  	[tilespmem:s6+$0xFFFFFFC0] =	vst v11;
	v14 =	vadd.f32 v19, v14;
	v5 =	vmul.f32 v5, v8;
	v8 =	vadd.f32 v12, v18  }
0x1a5: {  	[tilespmem:s6+$0xFFFFFFD0] =	vst v2;
	v2 =	vmul.f32 v6, v10;
	v1 =	vadd.f32 v1, v3  }
0x1a6: {  	v7 =	vmul.f32 v14, v7;
	v3 =	vadd.f32 v5, v17;
	[tilespmem:s6+$0xFFFFFFE0] =	vst v8  }
0x1a7: {  	v2 =	vadd.f32 v2, v13;
	[tilespmem:s6+$0xFFFFFFF0] =	vst v1  }
0x1a8: {  	v1 =	vadd.f32 v7, v4;
	[tilespmem:s6+$0x0] =	vst v3  }
0x1a9: {  	[tilespmem:s6+$0x20] =	vst v2  }
0x1aa: {  	[tilespmem:s6+$0x10] =	vst v1  }
0x1ab: {  	[hbm4b:s12+s2] =	stream.linear.scatter [tilespmem:s0], [sflag:$0x4], $0x7000, $0x38;
	[tilespmem:$0x1C280] =	vst v63  }
0x1ac: {  	_ = 	snop  }
0x1ad: {  	[tilespmem:s28], [sflag:$0x2] =	stream.linear.gather [hbm4b:s13+s2], $0x7000, $0x38;
	[tilespmem:$0x1C280] =	vst v63  }
0x1ae: {  	_ =	swait.ge [sflag:s29], $0x7000  }
0x1af: {  	[sflag:s29] =	ssyncset.done $0x0  }
0x1b0: {  	[sflag:s29] =	ssyncadd.s32 $0xFFFF9000  }
0x1b1: {  	_ =	swait.ge [sflag:s1], $0x7000  }
0x1b2: {  	[sflag:s1] =	ssyncset.done $0x0  }
0x1b3: {  	s7 =	simm.s32 $0x40;
	[sflag:s1] =	ssyncadd.s32 $0xFFFF9000  }
0x1b4: {  	v1 =	vld [tilespmem:s7+$0x30];
	_ =	sdelay $0x4  }
0x1b5: {  	v1 =	vmax.f32 v1, $-1.000000000e+00  }
0x1b6: {  	v3 =	vld [tilespmem:s7+$0xFFFFFFE0];
	v7 =	vmin.f32 v1, $1.000000000e+00  }
0x1b7: {  	v4 =	vld [tilespmem:s7+$0xFFFFFFF0];
	v2 =	vadd.f32 $1.000000000e+00, v7  }
0x1b8: {  	v1 =	vld [tilespmem:s7+$0xFFFFFFD0]  }
0x1b9: {  	v9 =	vld [tilespmem:s7+$0x20];
	v2 =	vmul.f32 $4.500000000e+00, v2  }
0x1ba: {  	v5 =	vld [tilespmem:s7+$0xFFFFFFC0]  }
0x1bb: {  	v6 =	vld [tilespmem:s7+$0x0];
	v2 =	vadd.f32 $9.999999740e-06, v2  }
0x1bc: {  	v8 =	vld [tilespmem:s7+$0x10];
	v3 =	vmax.f32 v3, $-1.000000000e+00  }
0x1bd: {  	v4 =	vmax.f32 v4, $-1.000000000e+00;
	v1 =	vmax.f32 v1, $-1.000000000e+00;
	v2 =	vtrunc.f32 v2  }
0x1be: {  	v9 =	vmax.f32 v9, $-1.000000000e+00;
	v1 =	vmin.f32 v1, $1.000000000e+00;
	v11 =	vcvt.f32.s32 v2  }
0x1bf: {  	v10 =	vadd.f32 $1.000000000e+00, v1;
	v2 =	vmin.f32 v3, $1.000000000e+00;
	v3 =	vmin.f32 v4, $1.000000000e+00  }
0x1c0: {  	v4 =	vmax.f32 v5, $-1.000000000e+00;
	v5 =	vmax.f32 v6, $-1.000000000e+00;
	vm0 =	vlt.s32 v11, $0x9  }
0x1c1: {  	v14 =	vmin.f32 v4, $1.000000000e+00;
	v4 =	vmax.f32 v8, $-1.000000000e+00;
	v8 =	vnsel vm0, $0x9, v11  }
0x1c2: {  	v5 =	vmin.f32 v5, $1.000000000e+00;
	v12 =	vadd.f32 $1.000000000e+00, v3;
	v6 =	vadd.f32 $1.000000000e+00, v14  }
0x1c3: {  	v10 =	vmul.f32 $4.500000000e+00, v10;
	v4 =	vmin.f32 v4, $1.000000000e+00;
	v11 =	vadd.f32 $1.000000000e+00, v2  }
0x1c4: {  	v15 =	vadd.f32 $1.000000000e+00, v4;
	v12 =	vmul.f32 $4.500000000e+00, v12;
	v13 =	vmul.f32 $4.500000000e+00, v6  }
0x1c5: {  	v10 =	vadd.f32 $9.999999740e-06, v10;
	v6 =	vmin.f32 v9, $1.000000000e+00;
	v9 =	vadd.f32 $1.000000000e+00, v5  }
0x1c6: {  	v11 =	vmul.f32 $4.500000000e+00, v11;
	v15 =	vmul.f32 $4.500000000e+00, v15;
	v13 =	vadd.f32 $9.999999740e-06, v13;
	v17 =	vld.idx.msk [tilespmem:v8+s26+$0x0], $0xffff  }
0x1c7: {  	v16 =	vadd.f32 $1.000000000e+00, v6;
	v10 =	vtrunc.f32 v10;
	v9 =	vmul.f32 $4.500000000e+00, v9  }
0x1c8: {  	v12 =	vadd.f32 $9.999999740e-06, v12;
	v10 =	vcvt.f32.s32 v10;
	v13 =	vtrunc.f32 v13  }
0x1c9: {  	v11 =	vadd.f32 $9.999999740e-06, v11;
	v16 =	vmul.f32 $4.500000000e+00, v16;
	v13 =	vcvt.f32.s32 v13  }
0x1ca: {  	v15 =	vadd.f32 $9.999999740e-06, v15;
	v12 =	vtrunc.f32 v12;
	v9 =	vadd.f32 $9.999999740e-06, v9  }
0x1cb: {  	v12 =	vcvt.f32.s32 v12;
	vm0 =	vlt.s32 v13, $0x9;
	vm1 =	vle.f32 v7, v17  }
0x1cc: {  	v11 =	vtrunc.f32 v11;
	v13 =	vnsel vm0, $0x9, v13;
	v17 =	vsel vm1, $0xFFFFFFFF, v0  }
0x1cd: {  	v11 =	vcvt.f32.s32 v11;
	vm0 =	vlt.s32 v10, $0x9;
	v8 =	vadd.s32 v17, v8  }
0x1ce: {  	v16 =	vadd.f32 $9.999999740e-06, v16;
	v10 =	vnsel vm0, $0x9, v10;
	vm0 =	vgt.s32 v8, $0x0  }
0x1cf: {  	v9 =	vtrunc.f32 v9;
	vm1 =	vlt.s32 v11, $0x9;
	v8 =	vnsel vm0, $0x0, v8  }
0x1d0: {  	v15 =	vtrunc.f32 v15;
	v9 =	vcvt.f32.s32 v9;
	v11 =	vnsel vm1, $0x9, v11  }
0x1d1: {  	s8 =	simm.s32 $0xC0;
	v15 =	vcvt.f32.s32 v15;
	v17 =	vld.idx.msk [tilespmem:v13+s26+$0x0], $0xffff;
	vm0 =	vlt.s32 v12, $0x9  }
0x1d2: {  	v27 =	vld [tilespmem:s8+$0x10];
	v16 =	vtrunc.f32 v16;
	vm1 =	vlt.s32 v9, $0x9;
	v12 =	vnsel vm0, $0x9, v12  }
0x1d3: {  	v16 =	vcvt.f32.s32 v16;
	v9 =	vnsel vm1, $0x9, v9;
	vm0 =	vlt.s32 v15, $0x9;
	v18 =	vld.idx.msk [tilespmem:v10+s26+$0x0], $0xffff  }
0x1d4: {  	v15 =	vnsel vm0, $0x9, v15;
	v19 =	vld.idx.msk [tilespmem:v8+s25+$0x0], $0xffff  }
0x1d5: {  	vm0 =	vlt.s32 v16, $0x9;
	v20 =	vld.idx.msk [tilespmem:v11+s26+$0x0], $0xffff  }
0x1d6: {  	v16 =	vnsel vm0, $0x9, v16;
	vm1 =	vle.f32 v14, v17;
	v17 =	vld.idx.msk [tilespmem:v8+s24+$0x0], $0xffff  }
0x1d7: {  	v21 =	vsel vm1, $0xFFFFFFFF, v0;
	v22 =	vld.idx.msk [tilespmem:v12+s26+$0x0], $0xffff  }
0x1d8: {  	v13 =	vadd.s32 v21, v13;
	v21 =	vld.idx.msk [tilespmem:v9+s26+$0x0], $0xffff  }
0x1d9: {  	vm1 =	vle.f32 v1, v18;
	v23 =	vld.idx.msk [tilespmem:v15+s26+$0x0], $0xffff;
	vm0 =	vgt.s32 v13, $0x0;
	v19 =	vmul.f32 v19, v7  }
0x1da: {  	v27 =	vmax.f32 v27, $-1.000000000e+00;
	v24 =	vld.idx.msk [tilespmem:v8+s23+$0x0], $0xffff;
	v18 =	vnsel vm0, $0x0, v13;
	v13 =	vsel vm1, $0xFFFFFFFF, v0  }
0x1db: {  	vm0 =	vle.f32 v2, v20;
	v10 =	vadd.s32 v13, v10;
	v13 =	vld.idx.msk [tilespmem:v16+s26+$0x0], $0xffff;
	v17 =	vadd.f32 v19, v17  }
0x1dc: {  	v20 =	vsel vm0, $0xFFFFFFFF, v0;
	vm0 =	vgt.s32 v10, $0x0;
	vm1 =	vle.f32 v3, v22  }
0x1dd: {  	v19 =	vsel vm1, $0xFFFFFFFF, v0;
	vm1 =	vle.f32 v5, v21;
	v17 =	vmul.f32 v17, v7  }
0x1de: {  	v12 =	vadd.s32 v19, v12;
	v19 =	vsel vm1, $0xFFFFFFFF, v0;
	vm1 =	vle.f32 v4, v23;
	v23 =	vld [tilespmem:s8+$0x30]  }
0x1df: {  	v11 =	vadd.s32 v20, v11;
	v25 =	vnsel vm0, $0x0, v10;
	v20 =	vld.idx.msk [tilespmem:v18+s25+$0x0], $0xffff;
	v17 =	vadd.f32 v17, v24  }
0x1e0: {  	v9 =	vadd.s32 v19, v9;
	v19 =	vsel vm1, $0xFFFFFFFF, v0;
	vm2 =	vle.f32 v6, v13;
	v13 =	vld [tilespmem:s8+$0xFFFFFFD0]  }
0x1e1: {  	v15 =	vadd.s32 v19, v15;
	v19 =	vsel vm2, $0xFFFFFFFF, v0;
	v24 =	vmul.f32 v17, v7;
	v7 =	vld [tilespmem:s8+$0xFFFFFFE0]  }
0x1e2: {  	vm1 =	vgt.s32 v11, $0x0;
	vm2 =	vgt.s32 v9, $0x0;
	v17 =	vadd.s32 v19, v16;
	v19 =	vld [tilespmem:s8+$0xFFFFFFF0]  }
0x1e3: {  	vm4 =	vgt.s32 v15, $0x0;
	v22 =	vnsel vm2, $0x0, v9;
	v9 =	vmax.f32 v23, $-1.000000000e+00;
	v23 =	vld [tilespmem:s8+$0xFFFFFFC0]  }
0x1e4: {  	v10 =	vld [tilespmem:s8+$0x0];
	vm3 =	vgt.s32 v12, $0x0;
	v26 =	vnsel vm1, $0x0, v11;
	v15 =	vnsel vm4, $0x0, v15  }
0x1e5: {  	v16 =	vnsel vm3, $0x0, v12;
	vm0 =	vgt.s32 v17, $0x0;
	v20 =	vmul.f32 v20, v14  }
0x1e6: {  	v21 =	vnsel vm0, $0x0, v17;
	v11 =	vmax.f32 v13, $-1.000000000e+00;
	v13 =	vld [tilespmem:s8+$0x20];
	v17 =	vmin.f32 v9, $1.000000000e+00  }
0x1e7: {  	v11 =	vmin.f32 v11, $1.000000000e+00;
	v28 =	vadd.f32 $1.000000000e+00, v17;
	v7 =	vmax.f32 v7, $-1.000000000e+00  }
0x1e8: {  	v9 =	vmax.f32 v19, $-1.000000000e+00;
	v19 =	vadd.f32 $1.000000000e+00, v11;
	v23 =	vmax.f32 v23, $-1.000000000e+00  }
0x1e9: {  	v31 =	vld.idx.msk [tilespmem:v18+s23+$0x0], $0xffff;
	v12 =	vmin.f32 v7, $1.000000000e+00;
	v9 =	vmin.f32 v9, $1.000000000e+00;
	v7 =	vmax.f32 v10, $-1.000000000e+00  }
0x1ea: {  	v10 =	vmul.f32 $4.500000000e+00, v28;
	v28 =	vld.idx.msk [tilespmem:v8+s21+$0x0], $0xffff;
	v29 =	vadd.f32 $1.000000000e+00, v12;
	v8 =	vmin.f32 v7, $1.000000000e+00  }
0x1eb: {  	v60 =	vld.idx.msk [tilespmem:v15+s25+$0x0], $0xffff;
	v7 =	vmin.f32 v27, $1.000000000e+00;
	v13 =	vmax.f32 v13, $-1.000000000e+00;
	v55 =	vadd.f32 $1.000000000e+00, v9  }
0x1ec: {  	v35 =	vld.idx.msk [tilespmem:v26+s25+$0x0], $0xffff;
	v19 =	vmul.f32 $4.500000000e+00, v19;
	v30 =	vadd.f32 $9.999999740e-06, v10;
	v10 =	vmin.f32 v13, $1.000000000e+00  }
0x1ed: {  	v61 =	vld.idx.msk [tilespmem:v25+s24+$0x0], $0xffff;
	v13 =	vmin.f32 v23, $1.000000000e+00;
	v56 =	vadd.f32 $1.000000000e+00, v8;
	v58 =	vadd.f32 $1.000000000e+00, v7  }
0x1ee: {  	v46 =	vld.idx.msk [tilespmem:v25+s23+$0x0], $0xffff;
	v57 =	vadd.f32 $1.000000000e+00, v13;
	v29 =	vmul.f32 $4.500000000e+00, v29;
	v30 =	vtrunc.f32 v30  }
0x1ef: {  	v37 =	vld.idx.msk [tilespmem:v16+s25+$0x0], $0xffff;
	v59 =	vadd.f32 $1.000000000e+00, v10;
	v32 =	vmul.f32 $4.500000000e+00, v55;
	v30 =	vcvt.f32.s32 v30  }
0x1f0: {  	v27 =	vld.idx.msk [tilespmem:v18+s24+$0x0], $0xffff;
	v19 =	vadd.f32 $9.999999740e-06, v19;
	v60 =	vmul.f32 v60, v4;
	v33 =	vmul.f32 $4.500000000e+00, v56  }
0x1f1: {  	v23 =	vld.idx.msk [tilespmem:v25+s25+$0x0], $0xffff;
	v36 =	vmul.f32 $4.500000000e+00, v58;
	v58 =	vmul.f32 v35, v2;
	vm0 =	vlt.s32 v30, $0x9  }
0x1f2: {  	v62 =	vld.idx.msk [tilespmem:v26+s24+$0x0], $0xffff;
	v34 =	vmul.f32 $4.500000000e+00, v57;
	v38 =	vmul.f32 $4.500000000e+00, v59;
	v30 =	vnsel vm0, $0x9, v30  }
0x1f3: {  	v47 =	vld.idx.msk [tilespmem:v26+s23+$0x0], $0xffff;
	v29 =	vadd.f32 $9.999999740e-06, v29;
	v32 =	vadd.f32 $9.999999740e-06, v32;
	v19 =	vtrunc.f32 v19  }
0x1f4: {  	v39 =	vld.idx.msk [tilespmem:v22+s25+$0x0], $0xffff;
	v45 =	vadd.f32 v24, v28;
	v59 =	vmul.f32 v37, v3;
	v34 =	vadd.f32 $9.999999740e-06, v34  }
0x1f5: {  	v49 =	vld.idx.msk [tilespmem:v22+s23+$0x0], $0xffff;
	v33 =	vadd.f32 $9.999999740e-06, v33;
	v36 =	vadd.f32 $9.999999740e-06, v36;
	v19 =	vcvt.f32.s32 v19  }
0x1f6: {  	v52 =	vld.idx.msk [tilespmem:v15+s23+$0x0], $0xffff;
	v27 =	vadd.f32 v20, v27;
	v23 =	vmul.f32 v23, v1;
	v34 =	vtrunc.f32 v34  }
0x1f7: {  	v29 =	vtrunc.f32 v29;
	v38 =	vadd.f32 $9.999999740e-06, v38;
	v34 =	vcvt.f32.s32 v34;
	v20 =	vld.idx.msk [tilespmem:v30+s26+$0x0], $0xffff  }
0x1f8: {  	v63 =	vld.idx.msk [tilespmem:v16+s24+$0x0], $0xffff;
	v32 =	vtrunc.f32 v32;
	v28 =	vtrunc.f32 v33;
	vm1 =	vlt.s32 v19, $0x9  }
0x1f9: {  	v48 =	vld.idx.msk [tilespmem:v16+s23+$0x0], $0xffff;
	v55 =	vtrunc.f32 v36;
	v51 =	vnsel vm1, $0x9, v19;
	vm0 =	vlt.s32 v34, $0x9  }
0x1fa: {  	v41 =	vld.idx.msk [tilespmem:v21+s25+$0x0], $0xffff;
	v29 =	vcvt.f32.s32 v29;
	v32 =	vcvt.f32.s32 v32;
	v50 =	vnsel vm0, $0x9, v34  }
0x1fb: {  	v24 =	vld.idx.msk [tilespmem:v22+s24+$0x0], $0xffff;
	v27 =	vmul.f32 v27, v14;
	v56 =	vtrunc.f32 v38;
	v23 =	vadd.f32 v23, v61  }
0x1fc: {  	v57 =	vld.idx.msk [tilespmem:v21+s24+$0x0], $0xffff;
	v28 =	vcvt.f32.s32 v28;
	v36 =	vcvt.f32.s32 v56;
	vm5 =	vle.f32 v17, v20  }
0x1fd: {  	v38 =	vld.idx.msk [tilespmem:v15+s24+$0x0], $0xffff;
	v33 =	vcvt.f32.s32 v55;
	v61 =	vadd.f32 v59, v63;
	v20 =	vsel vm5, $0xFFFFFFFF, v0  }
0x1fe: {  	vm2 =	vlt.s32 v29, $0x9;
	vm7 =	vlt.s32 v36, $0x9;
	v44 =	vld.idx.msk [tilespmem:v51+s26+$0x0], $0xffff;
	v19 =	vadd.s32 v20, v30  }
0x1ff: {  	vm3 =	vlt.s32 v32, $0x9;
	v55 =	vnsel vm7, $0x9, v36;
	v63 =	vld.idx.msk [tilespmem:v50+s26+$0x0], $0xffff;
	vm0 =	vgt.s32 v19, $0x0  }
0x200: {  	v27 =	vadd.f32 v27, v31;
	vm4 =	vlt.s32 v28, $0x9;
	v20 =	vld.idx.msk [tilespmem:v18+s21+$0x0], $0xffff;
	v54 =	vnsel vm0, $0x0, v19  }
0x201: {  	v30 =	vnsel vm2, $0x9, v29;
	v18 =	vld.idx.msk [tilespmem:v26+s21+$0x0], $0xffff;
	v26 =	vadd.f32 v58, v62;
	v62 =	vmul.f32 v41, v6  }
0x202: {  	vm6 =	vlt.s32 v33, $0x9;
	v53 =	vnsel vm3, $0x9, v32;
	v19 =	vld.idx.msk [tilespmem:v25+s21+$0x0], $0xffff;
	v25 =	vmul.f32 v39, v5  }
0x203: {  	v23 =	vmul.f32 v23, v1;
	v32 =	vmul.f32 v61, v3;
	v29 =	vld.idx.msk [tilespmem:v21+s23+$0x0], $0xffff;
	v34 =	vadd.f32 v62, v57  }
0x204: {  	v28 =	vnsel vm4, $0x9, v28;
	v62 =	vld.idx.msk [tilespmem:v55+s26+$0x0], $0xffff;
	v24 =	vadd.f32 v25, v24;
	v25 =	vadd.f32 v60, v38  }
0x205: {  	v33 =	vnsel vm6, $0x9, v33;
	v31 =	vadd.f32 v23, v46;
	v26 =	vmul.f32 v26, v2;
	v56 =	vld.idx.msk [tilespmem:v54+s25+$0x0], $0xffff  }
0x206: {  	v36 =	vadd.f32 v32, v48;
	v57 =	vld.idx.msk [tilespmem:v30+s26+$0x0], $0xffff;
	v24 =	vmul.f32 v24, v5;
	v23 =	vmul.f32 v25, v4  }
0x207: {  	vm0 =	vle.f32 v13, v63;
	v35 =	vadd.f32 v26, v47;
	v25 =	vmul.f32 v34, v6;
	v58 =	vld.idx.msk [tilespmem:v54+s24+$0x0], $0xffff  }
0x208: {  	v34 =	vmul.f32 v27, v14;
	v14 =	vld.idx.msk [tilespmem:v53+s26+$0x0], $0xffff;
	v32 =	vadd.f32 v24, v49;
	v26 =	vadd.f32 v23, v52  }
0x209: {  	v27 =	vld.idx.msk [tilespmem:v28+s26+$0x0], $0xffff;
	v23 =	vsel vm0, $0xFFFFFFFF, v0;
	vm0 =	vle.f32 v11, v44;
	v29 =	vadd.f32 v25, v29  }
0x20a: {  	v59 =	vld.idx.msk [tilespmem:v33+s26+$0x0], $0xffff;
	v23 =	vadd.s32 v23, v50;
	v24 =	vsel vm0, $0xFFFFFFFF, v0;
	v25 =	vmul.f32 v56, v17  }
0x20b: {  	v60 =	vld.idx.msk [tilespmem:v54+s23+$0x0], $0xffff;
	vm3 =	vle.f32 v10, v62;
	vm0 =	vgt.s32 v23, $0x0;
	v61 =	vadd.s32 v24, v51  }
0x20c: {  	vm1 =	vle.f32 v12, v57;
	vm2 =	vgt.s32 v61, $0x0;
	v41 =	vadd.f32 v25, v58  }
0x20d: {  	v24 =	vld.idx.msk [tilespmem:v16+s21+$0x0], $0xffff;
	v40 =	vsel vm1, $0xFFFFFFFF, v0;
	v16 =	vnsel vm0, $0x0, v23;
	vm0 =	vle.f32 v9, v14  }
0x20e: {  	v23 =	vld.idx.msk [tilespmem:v22+s21+$0x0], $0xffff;
	v14 =	vsel vm0, $0xFFFFFFFF, v0;
	vm0 =	vle.f32 v8, v27;
	v22 =	vmul.f32 v41, v17  }
0x20f: {  	v27 =	vadd.s32 v14, v53;
	v14 =	vsel vm0, $0xFFFFFFFF, v0;
	v25 =	vadd.s32 v40, v30;
	v30 =	vld.idx.msk [tilespmem:v54+s21+$0x0], $0xffff  }
0x210: {  	v15 =	vld.idx.msk [tilespmem:v15+s21+$0x0], $0xffff;
	vm0 =	vle.f32 v7, v59;
	v28 =	vadd.s32 v14, v28;
	v22 =	vadd.f32 v22, v60  }
0x211: {  	v37 =	vsel vm0, $0xFFFFFFFF, v0;
	v14 =	vld.idx.msk [tilespmem:v21+s21+$0x0], $0xffff;
	vm1 =	vgt.s32 v27, $0x0;
	v21 =	vsel vm3, $0xFFFFFFFF, v0  }
0x212: {  	vm0 =	vgt.s32 v25, $0x0;
	v38 =	vadd.s32 v37, v33;
	v37 =	vld.idx.msk [tilespmem:v16+s25+$0x0], $0xffff;
	v63 =	vmul.f32 v22, v17  }
0x213: {  	s6 =	simm.s32 $0xE040;
	vm4 =	vgt.s32 v28, $0x0;
	v39 =	vadd.s32 v21, v55;
	v21 =	vnsel vm2, $0x0, v61;
	v22 =	vld.idx.msk [tilespmem:v16+s24+$0x0], $0xffff  }
0x214: {  	s5 =	simm.s32 $0xE040;
	s7 =	simm.s32 $0x80;
	s8 =	simm.s32 $0x140;
	[tilespmem:s6+$0x30] =	vst v45;
	vm3 =	vgt.s32 v38, $0x0;
	vm2 =	vgt.s32 v39, $0x0;
	v17 =	vld.idx.msk [tilespmem:v16+s23+$0x0], $0xffff;
	v40 =	vadd.f32 v63, v30  }
.LBB2_6:
0x215: {  	v41 =	vld [tilespmem:s8+$0x30];
	s7 =	sadd.s32 $0x80, s7;
	v33 =	vnsel vm0, $0x0, v25;
	v30 =	vnsel vm1, $0x0, v27;
	v27 =	vnsel vm4, $0x0, v28;
	s6 =	sadd.s32 $0x80, s6  }
0x216: {  	v28 =	vnsel vm3, $0x0, v38;
	v25 =	vnsel vm2, $0x0, v39;
	v31 =	vmul.f32 v31, v1;
	v1 =	vmovc v11;
	v42 =	vld [tilespmem:s8+$0xFFFFFFD0];
	p0 =	slt.u32 s7, $0x6F80;
	[tilespmem:s6+$0x30] =	vst v40  }
0x217: {  	v11 =	vadd.f32 v34, v20;
	v20 =	vmul.f32 v35, v2;
	v34 =	vmul.f32 v36, v3;
	v2 =	vmovc v12;
	v38 =	vld [tilespmem:s8+$0xFFFFFFE0]  }
0x218: {  	v3 =	vmovc v9;
	v12 =	vmul.f32 v37, v13;
	v19 =	vadd.f32 v31, v19;
	v31 =	vmul.f32 v32, v5;
	v35 =	vld [tilespmem:s8+$0xFFFFFFF0]  }
0x219: {  	v9 =	vadd.f32 v20, v18;
	v18 =	vmul.f32 v26, v4;
	v20 =	vmul.f32 v29, v6;
	v32 =	vld [tilespmem:s8+$0x0];
	[tilespmem:s5+$0xFFFFFFC0] =	vst v11  }
0x21a: {  	v5 =	vmovc v8;
	v26 =	vadd.f32 v12, v22;
	v12 =	vadd.f32 v34, v24;
	v29 =	vld [tilespmem:s8+$0x10];
	v11 =	vmax.f32 v41, $-1.000000000e+00;
	[tilespmem:s5+$0xFFFFFFD0] =	vst v19  }
0x21b: {  	v4 =	vmovc v7;
	v6 =	vmovc v10;
	v8 =	vmax.f32 v42, $-1.000000000e+00;
	v19 =	vld [tilespmem:s8+$0x20];
	v22 =	vmin.f32 v11, $1.000000000e+00;
	[tilespmem:s5+$0xFFFFFFE0] =	vst v9;
	v9 =	vadd.f32 v31, v23  }
0x21c: {  	v10 =	vld [tilespmem:s8+$0xFFFFFFC0];
	v11 =	vmin.f32 v8, $1.000000000e+00;
	v7 =	vmax.f32 v38, $-1.000000000e+00;
	v8 =	vadd.f32 $1.000000000e+00, v22;
	[tilespmem:s5+$0xFFFFFFF0] =	vst v12  }
0x21d: {  	v23 =	vadd.f32 $1.000000000e+00, v11;
	v12 =	vmin.f32 v7, $1.000000000e+00;
	v7 =	vmax.f32 v35, $-1.000000000e+00;
	v24 =	vld.idx.msk [tilespmem:v21+s25+$0x0], $0xffff;
	[tilespmem:s5+$0x0] =	vst v9  }
0x21e: {  	v9 =	vmin.f32 v7, $1.000000000e+00;
	v7 =	vmax.f32 v32, $-1.000000000e+00;
	v31 =	vmul.f32 $4.500000000e+00, v8;
	v32 =	vld.idx.msk [tilespmem:v33+s25+$0x0], $0xffff  }
0x21f: {  	v34 =	vadd.f32 $1.000000000e+00, v12;
	v8 =	vmin.f32 v7, $1.000000000e+00;
	v7 =	vmax.f32 v29, $-1.000000000e+00;
	v29 =	vld.idx.msk [tilespmem:v30+s25+$0x0], $0xffff  }
0x220: {  	v7 =	vmin.f32 v7, $1.000000000e+00;
	v19 =	vmax.f32 v19, $-1.000000000e+00;
	v31 =	vadd.f32 $9.999999740e-06, v31;
	v35 =	vld.idx.msk [tilespmem:v27+s25+$0x0], $0xffff  }
0x221: {  	v38 =	vadd.f32 $1.000000000e+00, v9;
	v36 =	vmax.f32 v10, $-1.000000000e+00;
	v10 =	vmin.f32 v19, $1.000000000e+00;
	v39 =	vld.idx.msk [tilespmem:v28+s25+$0x0], $0xffff  }
0x222: {  	v19 =	vadd.f32 $1.000000000e+00, v8;
	v37 =	vmin.f32 v36, $1.000000000e+00;
	v31 =	vtrunc.f32 v31;
	v36 =	vld.idx.msk [tilespmem:v25+s25+$0x0], $0xffff  }
0x223: {  	v41 =	vadd.f32 $1.000000000e+00, v7;
	v40 =	vadd.f32 $1.000000000e+00, v37;
	v31 =	vcvt.f32.s32 v31;
	v42 =	vld.idx.msk [tilespmem:v21+s24+$0x0], $0xffff  }
0x224: {  	v23 =	vmul.f32 $4.500000000e+00, v23;
	v34 =	vmul.f32 $4.500000000e+00, v34;
	v43 =	vadd.f32 $1.000000000e+00, v10;
	v44 =	vld.idx.msk [tilespmem:v33+s24+$0x0], $0xffff  }
0x225: {  	v38 =	vmul.f32 $4.500000000e+00, v38;
	v40 =	vmul.f32 $4.500000000e+00, v40;
	vm0 =	vlt.s32 v31, $0x9;
	v45 =	vld.idx.msk [tilespmem:v30+s24+$0x0], $0xffff  }
0x226: {  	v19 =	vmul.f32 $4.500000000e+00, v19;
	v41 =	vmul.f32 $4.500000000e+00, v41;
	v31 =	vnsel vm0, $0x9, v31;
	v46 =	vld.idx.msk [tilespmem:v27+s24+$0x0], $0xffff  }
0x227: {  	v23 =	vadd.f32 $9.999999740e-06, v23;
	v43 =	vmul.f32 $4.500000000e+00, v43;
	v40 =	vadd.f32 $9.999999740e-06, v40;
	v47 =	vld.idx.msk [tilespmem:v28+s24+$0x0], $0xffff  }
0x228: {  	v34 =	vadd.f32 $9.999999740e-06, v34;
	v24 =	vmul.f32 v24, v1;
	v38 =	vadd.f32 $9.999999740e-06, v38;
	v48 =	vld.idx.msk [tilespmem:v25+s24+$0x0], $0xffff  }
0x229: {  	v19 =	vadd.f32 $9.999999740e-06, v19;
	v41 =	vadd.f32 $9.999999740e-06, v41;
	v40 =	vtrunc.f32 v40;
	v49 =	vld.idx.msk [tilespmem:v21+s23+$0x0], $0xffff  }
0x22a: {  	v23 =	vtrunc.f32 v23;
	v34 =	vtrunc.f32 v34;
	v43 =	vadd.f32 $9.999999740e-06, v43;
	v50 =	vld.idx.msk [tilespmem:v33+s23+$0x0], $0xffff  }
0x22b: {  	v38 =	vtrunc.f32 v38;
	v19 =	vtrunc.f32 v19;
	v42 =	vadd.f32 v24, v42;
	v51 =	vld.idx.msk [tilespmem:v31+s26+$0x0], $0xffff  }
0x22c: {  	v15 =	vadd.f32 v18, v15;
	v24 =	vtrunc.f32 v41;
	v41 =	vtrunc.f32 v43;
	v43 =	vld.idx.msk [tilespmem:v30+s23+$0x0], $0xffff  }
0x22d: {  	v14 =	vadd.f32 v20, v14;
	v23 =	vcvt.f32.s32 v23;
	v40 =	vcvt.f32.s32 v40;
	v52 =	vld.idx.msk [tilespmem:v27+s23+$0x0], $0xffff  }
0x22e: {  	v34 =	vcvt.f32.s32 v34;
	v38 =	vcvt.f32.s32 v38;
	v53 =	vld.idx.msk [tilespmem:v28+s23+$0x0], $0xffff;
	[tilespmem:s5+$0x10] =	vst v15  }
0x22f: {  	v54 =	vcvt.f32.s32 v24;
	vm0 =	vlt.s32 v40, $0x9;
	v15 =	vcvt.f32.s32 v19;
	v55 =	vld.idx.msk [tilespmem:v25+s23+$0x0], $0xffff;
	[tilespmem:s5+$0x20] =	vst v14;
	s5 =	smov.u32 s6  }
0x230: {  	vm1 =	vlt.s32 v23, $0x9;
	vm2 =	vlt.s32 v34, $0x9;
	v14 =	vcvt.f32.s32 v41;
	v20 =	vld.idx.msk [tilespmem:v16+s21+$0x0], $0xffff  }
0x231: {  	vm3 =	vlt.s32 v38, $0x9;
	vm4 =	vlt.s32 v15, $0x9;
	vm5 =	vle.f32 v22, v51;
	v19 =	vld.idx.msk [tilespmem:v21+s21+$0x0], $0xffff  }
0x232: {  	vm6 =	vlt.s32 v54, $0x9;
	vm7 =	vlt.s32 v14, $0x9;
	v16 =	vsel vm5, $0xFFFFFFFF, v0;
	v18 =	vld.idx.msk [tilespmem:v33+s21+$0x0], $0xffff  }
0x233: {  	v21 =	vnsel vm0, $0x9, v40;
	v33 =	vnsel vm1, $0x9, v23;
	v16 =	vadd.s32 v16, v31;
	v24 =	vld.idx.msk [tilespmem:v30+s21+$0x0], $0xffff  }
0x234: {  	v38 =	vnsel vm3, $0x9, v38;
	v30 =	vnsel vm2, $0x9, v34;
	vm0 =	vgt.s32 v16, $0x0;
	v23 =	vld.idx.msk [tilespmem:v27+s21+$0x0], $0xffff  }
0x235: {  	v41 =	vnsel vm6, $0x9, v54;
	v40 =	vnsel vm4, $0x9, v15;
	v27 =	vnsel vm0, $0x0, v16;
	v15 =	vld.idx.msk [tilespmem:v28+s21+$0x0], $0xffff  }
0x236: {  	v51 =	vnsel vm7, $0x9, v14;
	v16 =	vmul.f32 v32, v2;
	v28 =	vmul.f32 v29, v3;
	v14 =	vld.idx.msk [tilespmem:v25+s21+$0x0], $0xffff  }
0x237: {  	v29 =	vmul.f32 v39, v4;
	v25 =	vmul.f32 v35, v5  }
0x238: {  	v31 =	vmul.f32 v36, v6;
	v16 =	vadd.f32 v16, v44;
	v28 =	vadd.f32 v28, v45;
	v32 =	vld.idx.msk [tilespmem:v21+s26+$0x0], $0xffff  }
0x239: {  	v26 =	vmul.f32 v26, v13;
	v29 =	vadd.f32 v29, v47;
	v25 =	vadd.f32 v25, v46;
	v39 =	vld.idx.msk [tilespmem:v33+s26+$0x0], $0xffff  }
0x23a: {  	v34 =	vmul.f32 v42, v1;
	v35 =	vadd.f32 v31, v48;
	v16 =	vmul.f32 v16, v2;
	v44 =	vld.idx.msk [tilespmem:v27+s25+$0x0], $0xffff  }
0x23b: {  	v17 =	vadd.f32 v26, v17;
	v26 =	vmul.f32 v28, v3;
	v25 =	vmul.f32 v25, v5;
	v42 =	vld.idx.msk [tilespmem:v30+s26+$0x0], $0xffff  }
0x23c: {  	v31 =	vadd.f32 v34, v49;
	v45 =	vmul.f32 v35, v6;
	v29 =	vmul.f32 v29, v4;
	v28 =	vld.idx.msk [tilespmem:v27+s24+$0x0], $0xffff  }
0x23d: {  	v34 =	vmul.f32 v17, v13;
	v35 =	vadd.f32 v16, v50;
	v36 =	vadd.f32 v26, v43;
	v46 =	vld.idx.msk [tilespmem:v38+s26+$0x0], $0xffff  }
0x23e: {  	v26 =	vadd.f32 v29, v53;
	vm0 =	vle.f32 v37, v32;
	v32 =	vadd.f32 v25, v52;
	v17 =	vld.idx.msk [tilespmem:v40+s26+$0x0], $0xffff  }
0x23f: {  	v13 =	vmovc v37;
	v29 =	vadd.f32 v45, v55;
	v16 =	vsel vm0, $0xFFFFFFFF, v0;
	vm0 =	vle.f32 v11, v39;
	v39 =	vld.idx.msk [tilespmem:v41+s26+$0x0], $0xffff  }
0x240: {  	v16 =	vadd.s32 v16, v21;
	v21 =	vsel vm0, $0xFFFFFFFF, v0;
	v25 =	vmul.f32 v44, v22;
	v37 =	vld.idx.msk [tilespmem:v27+s23+$0x0], $0xffff  }
0x241: {  	vm0 =	vgt.s32 v16, $0x0;
	v21 =	vadd.s32 v21, v33;
	vm1 =	vle.f32 v12, v42;
	v33 =	vld.idx.msk [tilespmem:v51+s26+$0x0], $0xffff  }
0x242: {  	vm2 =	vgt.s32 v21, $0x0;
	v42 =	vsel vm1, $0xFFFFFFFF, v0;
	v28 =	vadd.f32 v25, v28  }
0x243: {  	v16 =	vnsel vm0, $0x0, v16;
	v25 =	vadd.s32 v42, v30;
	vm0 =	vle.f32 v9, v46  }
0x244: {  	v30 =	vsel vm0, $0xFFFFFFFF, v0;
	vm0 =	vle.f32 v8, v17;
	v17 =	vmul.f32 v28, v22;
	v42 =	vld.idx.msk [tilespmem:v27+s21+$0x0], $0xffff  }
0x245: {  	v27 =	vadd.s32 v30, v38;
	v28 =	vsel vm0, $0xFFFFFFFF, v0;
	vm0 =	vle.f32 v7, v39  }
.Ltmp2:
0x246: {  	v28 =	vadd.s32 v28, v40;
	v30 =	vsel vm0, $0xFFFFFFFF, v0;
	v17 =	vadd.f32 v17, v37;
	(pc) =	sbr.rel @p0 .LBB2_6-.Ltmp2, $4  }
0x247: {  	vm0 =	vgt.s32 v25, $0x0;
	v38 =	vadd.s32 v30, v41;
	vm3 =	vle.f32 v10, v33  }
0x248: {  	vm1 =	vgt.s32 v27, $0x0;
	v30 =	vsel vm3, $0xFFFFFFFF, v0;
	v33 =	vmul.f32 v17, v22;
	v37 =	vld.idx.msk [tilespmem:v16+s25+$0x0], $0xffff  }
0x249: {  	vm4 =	vgt.s32 v28, $0x0;
	vm3 =	vgt.s32 v38, $0x0;
	v39 =	vadd.s32 v30, v51;
	v22 =	vld.idx.msk [tilespmem:v16+s24+$0x0], $0xffff  }
0x24a: {  	s8 =	sadd.s32 $0x80, s8;
	v21 =	vnsel vm2, $0x0, v21;
	vm2 =	vgt.s32 v39, $0x0;
	v40 =	vadd.f32 v33, v42;
	v17 =	vld.idx.msk [tilespmem:v16+s23+$0x0], $0xffff  }
0x24b: {  	_ =	sdelay $0x2  }
0x24c: {  	v1 =	vmul.f32 v31, v1  }
0x24d: {  	v25 =	vnsel vm0, $0x0, v25;
	v51 =	vld.idx.msk [tilespmem:v21+s25+$0x0], $0xffff  }
0x24e: {  	v27 =	vnsel vm1, $0x0, v27;
	v45 =	vld.idx.msk [tilespmem:v21+s24+$0x0], $0xffff;
	v3 =	vmul.f32 v36, v3;
	v1 =	vadd.f32 v1, v19  }
0x24f: {  	v28 =	vnsel vm4, $0x0, v28;
	v16 =	vld.idx.msk [tilespmem:v16+s21+$0x0], $0xffff  }
0x250: {  	v30 =	vnsel vm3, $0x0, v38;
	[tilespmem:s5+$0xFFFFFFD0] =	vst v1;
	v1 =	vadd.f32 v3, v24;
	v3 =	vld.idx.msk [tilespmem:v21+s23+$0x0], $0xffff  }
0x251: {  	v33 =	vnsel vm2, $0x0, v39;
	v21 =	vld.idx.msk [tilespmem:v21+s21+$0x0], $0xffff  }
0x252: {  	v52 =	vld.idx.msk [tilespmem:v25+s25+$0x0], $0xffff  }
0x253: {  	v41 =	vld.idx.msk [tilespmem:v27+s25+$0x0], $0xffff  }
0x254: {  	v42 =	vld.idx.msk [tilespmem:v28+s25+$0x0], $0xffff  }
0x255: {  	v2 =	vmul.f32 v35, v2;
	v43 =	vld.idx.msk [tilespmem:v30+s25+$0x0], $0xffff  }
0x256: {  	s6 =	sadd.s32 $0x80, s6;
	v20 =	vadd.f32 v34, v20;
	v44 =	vld.idx.msk [tilespmem:v33+s25+$0x0], $0xffff  }
0x257: {  	v4 =	vmul.f32 v26, v4;
	[tilespmem:s6+$0x30] =	vst v40;
	v2 =	vadd.f32 v2, v18;
	v46 =	vld.idx.msk [tilespmem:v25+s24+$0x0], $0xffff  }
0x258: {  	v5 =	vmul.f32 v32, v5;
	v54 =	vmul.f32 v37, v13;
	[tilespmem:s5+$0xFFFFFFC0] =	vst v20;
	v31 =	vld.idx.msk [tilespmem:v27+s24+$0x0], $0xffff  }
0x259: {  	v6 =	vmul.f32 v29, v6;
	v4 =	vadd.f32 v4, v15;
	[tilespmem:s5+$0xFFFFFFE0] =	vst v2;
	v53 =	vld.idx.msk [tilespmem:v28+s24+$0x0], $0xffff  }
0x25a: {  	v2 =	vadd.f32 v5, v23;
	v22 =	vadd.f32 v54, v22;
	v19 =	vld.idx.msk [tilespmem:v30+s24+$0x0], $0xffff;
	v5 =	vmul.f32 v51, v11  }
0x25b: {  	v6 =	vadd.f32 v6, v14;
	[tilespmem:s5+$0x10] =	vst v4;
	v18 =	vld.idx.msk [tilespmem:v33+s24+$0x0], $0xffff  }
0x25c: {  	v20 =	vld.idx.msk [tilespmem:v25+s23+$0x0], $0xffff;
	[tilespmem:s5+$0x0] =	vst v2;
	v22 =	vmul.f32 v22, v13;
	v2 =	vadd.f32 v5, v45  }
0x25d: {  	[tilespmem:s5+$0x20] =	vst v6;
	v14 =	vld.idx.msk [tilespmem:v30+s23+$0x0], $0xffff;
	v15 =	vmul.f32 v52, v12  }
0x25e: {  	[tilespmem:s5+$0xFFFFFFF0] =	vst v1;
	v17 =	vadd.f32 v22, v17;
	v2 =	vmul.f32 v2, v11;
	v4 =	vmul.f32 v41, v9  }
0x25f: {  	v1 =	vld.idx.msk [tilespmem:v27+s23+$0x0], $0xffff;
	v24 =	vmul.f32 v42, v8;
	v26 =	vmul.f32 v43, v7;
	v15 =	vadd.f32 v15, v46  }
0x260: {  	v5 =	vld.idx.msk [tilespmem:v28+s23+$0x0], $0xffff;
	v6 =	vmul.f32 v44, v10;
	v13 =	vmul.f32 v17, v13;
	v4 =	vadd.f32 v4, v31  }
0x261: {  	v23 =	vld.idx.msk [tilespmem:v33+s23+$0x0], $0xffff;
	v2 =	vadd.f32 v2, v3;
	v24 =	vadd.f32 v24, v53;
	v15 =	vmul.f32 v15, v12  }
0x262: {  	v19 =	vadd.f32 v26, v19;
	v6 =	vadd.f32 v6, v18;
	v18 =	vld.idx.msk [tilespmem:v25+s21+$0x0], $0xffff;
	v4 =	vmul.f32 v4, v9  }
0x263: {  	v3 =	vld.idx.msk [tilespmem:v27+s21+$0x0], $0xffff;
	v2 =	vmul.f32 v2, v11;
	v22 =	vmul.f32 v24, v8;
	v15 =	vadd.f32 v15, v20  }
0x264: {  	v17 =	vld.idx.msk [tilespmem:v28+s21+$0x0], $0xffff;
	v11 =	vadd.f32 v13, v16;
	v6 =	vmul.f32 v6, v10;
	v1 =	vadd.f32 v4, v1  }
0x265: {  	v13 =	vld.idx.msk [tilespmem:v33+s21+$0x0], $0xffff;
	v19 =	vmul.f32 v19, v7;
	v5 =	vadd.f32 v22, v5;
	v12 =	vmul.f32 v15, v12  }
0x266: {  	v2 =	vadd.f32 v2, v21;
	v4 =	vld.idx.msk [tilespmem:v30+s21+$0x0], $0xffff;
	v6 =	vadd.f32 v6, v23;
	v1 =	vmul.f32 v1, v9  }
0x267: {  	[tilespmem:s6+$0xFFFFFFC0] =	vst v11;
	v14 =	vadd.f32 v19, v14;
	v5 =	vmul.f32 v5, v8;
	v8 =	vadd.f32 v12, v18  }
0x268: {  	[tilespmem:s6+$0xFFFFFFD0] =	vst v2;
	v2 =	vmul.f32 v6, v10;
	v1 =	vadd.f32 v1, v3  }
0x269: {  	v7 =	vmul.f32 v14, v7;
	v3 =	vadd.f32 v5, v17;
	[tilespmem:s6+$0xFFFFFFE0] =	vst v8  }
0x26a: {  	v2 =	vadd.f32 v2, v13;
	[tilespmem:s6+$0xFFFFFFF0] =	vst v1  }
0x26b: {  	v1 =	vadd.f32 v7, v4;
	[tilespmem:s6+$0x0] =	vst v3  }
0x26c: {  	[tilespmem:s6+$0x20] =	vst v2  }
0x26d: {  	[tilespmem:s6+$0x10] =	vst v1  }
0x26e: {  	[hbm4b:s14+s2] =	stream.linear.scatter [tilespmem:s30], [sflag:$0x3], $0x7000, $0x38;
	[tilespmem:$0x1C280] =	vst v63  }
0x26f: {  	_ = 	snop  }
0x270: {  	[tilespmem:s2], [sflag:$0x1] =	stream.linear.gather [hbm4b:s15+s2], $0x7000, $0x38;
	[tilespmem:$0x1C280] =	vst v63  }
0x271: {  	_ =	swait.ge [sflag:s31], $0x7000  }
0x272: {  	[sflag:s31] =	ssyncset.done $0x0  }
0x273: {  	[sflag:s31] =	ssyncadd.s32 $0xFFFF9000  }
0x274: {  	_ =	swait.ge [sflag:s3], $0x7000  }
0x275: {  	[sflag:s3] =	ssyncset.done $0x0  }
0x276: {  	s7 =	simm.s32 $0x7040;
	[sflag:s3] =	ssyncadd.s32 $0xFFFF9000  }
0x277: {  	v1 =	vld [tilespmem:s7+$0x30];
	_ =	sdelay $0x4  }
0x278: {  	v1 =	vmax.f32 v1, $-1.000000000e+00  }
0x279: {  	v3 =	vld [tilespmem:s7+$0xFFFFFFE0];
	v7 =	vmin.f32 v1, $1.000000000e+00  }
0x27a: {  	v4 =	vld [tilespmem:s7+$0xFFFFFFF0];
	v2 =	vadd.f32 $1.000000000e+00, v7  }
0x27b: {  	v1 =	vld [tilespmem:s7+$0xFFFFFFD0]  }
0x27c: {  	v9 =	vld [tilespmem:s7+$0x20];
	v2 =	vmul.f32 $4.500000000e+00, v2  }
0x27d: {  	v5 =	vld [tilespmem:s7+$0xFFFFFFC0]  }
0x27e: {  	v6 =	vld [tilespmem:s7+$0x0];
	v2 =	vadd.f32 $9.999999740e-06, v2  }
0x27f: {  	v8 =	vld [tilespmem:s7+$0x10];
	v3 =	vmax.f32 v3, $-1.000000000e+00  }
0x280: {  	v4 =	vmax.f32 v4, $-1.000000000e+00;
	v1 =	vmax.f32 v1, $-1.000000000e+00;
	v2 =	vtrunc.f32 v2  }
0x281: {  	v9 =	vmax.f32 v9, $-1.000000000e+00;
	v1 =	vmin.f32 v1, $1.000000000e+00;
	v11 =	vcvt.f32.s32 v2  }
0x282: {  	v10 =	vadd.f32 $1.000000000e+00, v1;
	v2 =	vmin.f32 v3, $1.000000000e+00;
	v3 =	vmin.f32 v4, $1.000000000e+00  }
0x283: {  	v4 =	vmax.f32 v5, $-1.000000000e+00;
	v5 =	vmax.f32 v6, $-1.000000000e+00;
	vm0 =	vlt.s32 v11, $0x9  }
0x284: {  	v14 =	vmin.f32 v4, $1.000000000e+00;
	v4 =	vmax.f32 v8, $-1.000000000e+00;
	v8 =	vnsel vm0, $0x9, v11  }
0x285: {  	v5 =	vmin.f32 v5, $1.000000000e+00;
	v12 =	vadd.f32 $1.000000000e+00, v3;
	v6 =	vadd.f32 $1.000000000e+00, v14  }
0x286: {  	v10 =	vmul.f32 $4.500000000e+00, v10;
	v4 =	vmin.f32 v4, $1.000000000e+00;
	v11 =	vadd.f32 $1.000000000e+00, v2  }
0x287: {  	v15 =	vadd.f32 $1.000000000e+00, v4;
	v12 =	vmul.f32 $4.500000000e+00, v12;
	v13 =	vmul.f32 $4.500000000e+00, v6  }
0x288: {  	v10 =	vadd.f32 $9.999999740e-06, v10;
	v6 =	vmin.f32 v9, $1.000000000e+00;
	v9 =	vadd.f32 $1.000000000e+00, v5  }
0x289: {  	v11 =	vmul.f32 $4.500000000e+00, v11;
	v15 =	vmul.f32 $4.500000000e+00, v15;
	v13 =	vadd.f32 $9.999999740e-06, v13;
	v17 =	vld.idx.msk [tilespmem:v8+s26+$0x0], $0xffff  }
0x28a: {  	v16 =	vadd.f32 $1.000000000e+00, v6;
	v10 =	vtrunc.f32 v10;
	v9 =	vmul.f32 $4.500000000e+00, v9  }
0x28b: {  	v12 =	vadd.f32 $9.999999740e-06, v12;
	v10 =	vcvt.f32.s32 v10;
	v13 =	vtrunc.f32 v13  }
0x28c: {  	v11 =	vadd.f32 $9.999999740e-06, v11;
	v16 =	vmul.f32 $4.500000000e+00, v16;
	v13 =	vcvt.f32.s32 v13  }
0x28d: {  	v15 =	vadd.f32 $9.999999740e-06, v15;
	v12 =	vtrunc.f32 v12;
	v9 =	vadd.f32 $9.999999740e-06, v9  }
0x28e: {  	v12 =	vcvt.f32.s32 v12;
	vm0 =	vlt.s32 v13, $0x9;
	vm1 =	vle.f32 v7, v17  }
0x28f: {  	v11 =	vtrunc.f32 v11;
	v13 =	vnsel vm0, $0x9, v13;
	v17 =	vsel vm1, $0xFFFFFFFF, v0  }
0x290: {  	v11 =	vcvt.f32.s32 v11;
	vm0 =	vlt.s32 v10, $0x9;
	v8 =	vadd.s32 v17, v8  }
0x291: {  	v16 =	vadd.f32 $9.999999740e-06, v16;
	v10 =	vnsel vm0, $0x9, v10;
	vm0 =	vgt.s32 v8, $0x0  }
0x292: {  	v9 =	vtrunc.f32 v9;
	vm1 =	vlt.s32 v11, $0x9;
	v8 =	vnsel vm0, $0x0, v8  }
0x293: {  	v15 =	vtrunc.f32 v15;
	v9 =	vcvt.f32.s32 v9;
	v11 =	vnsel vm1, $0x9, v11  }
0x294: {  	s8 =	simm.s32 $0x70C0;
	v15 =	vcvt.f32.s32 v15;
	v17 =	vld.idx.msk [tilespmem:v13+s26+$0x0], $0xffff;
	vm0 =	vlt.s32 v12, $0x9  }
0x295: {  	v27 =	vld [tilespmem:s8+$0x10];
	v16 =	vtrunc.f32 v16;
	vm1 =	vlt.s32 v9, $0x9;
	v12 =	vnsel vm0, $0x9, v12  }
0x296: {  	v16 =	vcvt.f32.s32 v16;
	v9 =	vnsel vm1, $0x9, v9;
	vm0 =	vlt.s32 v15, $0x9;
	v18 =	vld.idx.msk [tilespmem:v10+s26+$0x0], $0xffff  }
0x297: {  	v15 =	vnsel vm0, $0x9, v15;
	v19 =	vld.idx.msk [tilespmem:v8+s25+$0x0], $0xffff  }
0x298: {  	vm0 =	vlt.s32 v16, $0x9;
	v20 =	vld.idx.msk [tilespmem:v11+s26+$0x0], $0xffff  }
0x299: {  	v16 =	vnsel vm0, $0x9, v16;
	vm1 =	vle.f32 v14, v17;
	v17 =	vld.idx.msk [tilespmem:v8+s24+$0x0], $0xffff  }
0x29a: {  	v21 =	vsel vm1, $0xFFFFFFFF, v0;
	v22 =	vld.idx.msk [tilespmem:v12+s26+$0x0], $0xffff  }
0x29b: {  	v13 =	vadd.s32 v21, v13;
	v21 =	vld.idx.msk [tilespmem:v9+s26+$0x0], $0xffff  }
0x29c: {  	vm1 =	vle.f32 v1, v18;
	v23 =	vld.idx.msk [tilespmem:v15+s26+$0x0], $0xffff;
	vm0 =	vgt.s32 v13, $0x0;
	v19 =	vmul.f32 v19, v7  }
0x29d: {  	v27 =	vmax.f32 v27, $-1.000000000e+00;
	v24 =	vld.idx.msk [tilespmem:v8+s23+$0x0], $0xffff;
	v18 =	vnsel vm0, $0x0, v13;
	v13 =	vsel vm1, $0xFFFFFFFF, v0  }
0x29e: {  	vm0 =	vle.f32 v2, v20;
	v10 =	vadd.s32 v13, v10;
	v13 =	vld.idx.msk [tilespmem:v16+s26+$0x0], $0xffff;
	v17 =	vadd.f32 v19, v17  }
0x29f: {  	v20 =	vsel vm0, $0xFFFFFFFF, v0;
	vm0 =	vgt.s32 v10, $0x0;
	vm1 =	vle.f32 v3, v22  }
0x2a0: {  	v19 =	vsel vm1, $0xFFFFFFFF, v0;
	vm1 =	vle.f32 v5, v21;
	v17 =	vmul.f32 v17, v7  }
0x2a1: {  	v12 =	vadd.s32 v19, v12;
	v19 =	vsel vm1, $0xFFFFFFFF, v0;
	vm1 =	vle.f32 v4, v23;
	v23 =	vld [tilespmem:s8+$0x30]  }
0x2a2: {  	v11 =	vadd.s32 v20, v11;
	v25 =	vnsel vm0, $0x0, v10;
	v20 =	vld.idx.msk [tilespmem:v18+s25+$0x0], $0xffff;
	v17 =	vadd.f32 v17, v24  }
0x2a3: {  	v9 =	vadd.s32 v19, v9;
	v19 =	vsel vm1, $0xFFFFFFFF, v0;
	vm2 =	vle.f32 v6, v13;
	v13 =	vld [tilespmem:s8+$0xFFFFFFD0]  }
0x2a4: {  	v15 =	vadd.s32 v19, v15;
	v19 =	vsel vm2, $0xFFFFFFFF, v0;
	v24 =	vmul.f32 v17, v7;
	v7 =	vld [tilespmem:s8+$0xFFFFFFE0]  }
0x2a5: {  	vm1 =	vgt.s32 v11, $0x0;
	vm2 =	vgt.s32 v9, $0x0;
	v17 =	vadd.s32 v19, v16;
	v19 =	vld [tilespmem:s8+$0xFFFFFFF0]  }
0x2a6: {  	vm4 =	vgt.s32 v15, $0x0;
	v22 =	vnsel vm2, $0x0, v9;
	v9 =	vmax.f32 v23, $-1.000000000e+00;
	v23 =	vld [tilespmem:s8+$0xFFFFFFC0]  }
0x2a7: {  	v10 =	vld [tilespmem:s8+$0x0];
	vm3 =	vgt.s32 v12, $0x0;
	v26 =	vnsel vm1, $0x0, v11;
	v15 =	vnsel vm4, $0x0, v15  }
0x2a8: {  	v16 =	vnsel vm3, $0x0, v12;
	vm0 =	vgt.s32 v17, $0x0;
	v20 =	vmul.f32 v20, v14  }
0x2a9: {  	v21 =	vnsel vm0, $0x0, v17;
	v11 =	vmax.f32 v13, $-1.000000000e+00;
	v13 =	vld [tilespmem:s8+$0x20];
	v17 =	vmin.f32 v9, $1.000000000e+00  }
0x2aa: {  	v11 =	vmin.f32 v11, $1.000000000e+00;
	v28 =	vadd.f32 $1.000000000e+00, v17;
	v7 =	vmax.f32 v7, $-1.000000000e+00  }
0x2ab: {  	v9 =	vmax.f32 v19, $-1.000000000e+00;
	v19 =	vadd.f32 $1.000000000e+00, v11;
	v23 =	vmax.f32 v23, $-1.000000000e+00  }
0x2ac: {  	v31 =	vld.idx.msk [tilespmem:v18+s23+$0x0], $0xffff;
	v12 =	vmin.f32 v7, $1.000000000e+00;
	v9 =	vmin.f32 v9, $1.000000000e+00;
	v7 =	vmax.f32 v10, $-1.000000000e+00  }
0x2ad: {  	v10 =	vmul.f32 $4.500000000e+00, v28;
	v28 =	vld.idx.msk [tilespmem:v8+s21+$0x0], $0xffff;
	v29 =	vadd.f32 $1.000000000e+00, v12;
	v8 =	vmin.f32 v7, $1.000000000e+00  }
0x2ae: {  	v60 =	vld.idx.msk [tilespmem:v15+s25+$0x0], $0xffff;
	v7 =	vmin.f32 v27, $1.000000000e+00;
	v13 =	vmax.f32 v13, $-1.000000000e+00;
	v55 =	vadd.f32 $1.000000000e+00, v9  }
0x2af: {  	v35 =	vld.idx.msk [tilespmem:v26+s25+$0x0], $0xffff;
	v19 =	vmul.f32 $4.500000000e+00, v19;
	v30 =	vadd.f32 $9.999999740e-06, v10;
	v10 =	vmin.f32 v13, $1.000000000e+00  }
0x2b0: {  	v61 =	vld.idx.msk [tilespmem:v25+s24+$0x0], $0xffff;
	v13 =	vmin.f32 v23, $1.000000000e+00;
	v56 =	vadd.f32 $1.000000000e+00, v8;
	v58 =	vadd.f32 $1.000000000e+00, v7  }
0x2b1: {  	v46 =	vld.idx.msk [tilespmem:v25+s23+$0x0], $0xffff;
	v57 =	vadd.f32 $1.000000000e+00, v13;
	v29 =	vmul.f32 $4.500000000e+00, v29;
	v30 =	vtrunc.f32 v30  }
0x2b2: {  	v37 =	vld.idx.msk [tilespmem:v16+s25+$0x0], $0xffff;
	v59 =	vadd.f32 $1.000000000e+00, v10;
	v32 =	vmul.f32 $4.500000000e+00, v55;
	v30 =	vcvt.f32.s32 v30  }
0x2b3: {  	v27 =	vld.idx.msk [tilespmem:v18+s24+$0x0], $0xffff;
	v19 =	vadd.f32 $9.999999740e-06, v19;
	v60 =	vmul.f32 v60, v4;
	v33 =	vmul.f32 $4.500000000e+00, v56  }
0x2b4: {  	v23 =	vld.idx.msk [tilespmem:v25+s25+$0x0], $0xffff;
	v36 =	vmul.f32 $4.500000000e+00, v58;
	v58 =	vmul.f32 v35, v2;
	vm0 =	vlt.s32 v30, $0x9  }
0x2b5: {  	v62 =	vld.idx.msk [tilespmem:v26+s24+$0x0], $0xffff;
	v34 =	vmul.f32 $4.500000000e+00, v57;
	v38 =	vmul.f32 $4.500000000e+00, v59;
	v30 =	vnsel vm0, $0x9, v30  }
0x2b6: {  	v47 =	vld.idx.msk [tilespmem:v26+s23+$0x0], $0xffff;
	v29 =	vadd.f32 $9.999999740e-06, v29;
	v32 =	vadd.f32 $9.999999740e-06, v32;
	v19 =	vtrunc.f32 v19  }
0x2b7: {  	v39 =	vld.idx.msk [tilespmem:v22+s25+$0x0], $0xffff;
	v45 =	vadd.f32 v24, v28;
	v59 =	vmul.f32 v37, v3;
	v34 =	vadd.f32 $9.999999740e-06, v34  }
0x2b8: {  	v49 =	vld.idx.msk [tilespmem:v22+s23+$0x0], $0xffff;
	v33 =	vadd.f32 $9.999999740e-06, v33;
	v36 =	vadd.f32 $9.999999740e-06, v36;
	v19 =	vcvt.f32.s32 v19  }
0x2b9: {  	v52 =	vld.idx.msk [tilespmem:v15+s23+$0x0], $0xffff;
	v27 =	vadd.f32 v20, v27;
	v23 =	vmul.f32 v23, v1;
	v34 =	vtrunc.f32 v34  }
0x2ba: {  	v29 =	vtrunc.f32 v29;
	v38 =	vadd.f32 $9.999999740e-06, v38;
	v34 =	vcvt.f32.s32 v34;
	v20 =	vld.idx.msk [tilespmem:v30+s26+$0x0], $0xffff  }
0x2bb: {  	v63 =	vld.idx.msk [tilespmem:v16+s24+$0x0], $0xffff;
	v32 =	vtrunc.f32 v32;
	v28 =	vtrunc.f32 v33;
	vm1 =	vlt.s32 v19, $0x9  }
0x2bc: {  	v48 =	vld.idx.msk [tilespmem:v16+s23+$0x0], $0xffff;
	v55 =	vtrunc.f32 v36;
	v51 =	vnsel vm1, $0x9, v19;
	vm0 =	vlt.s32 v34, $0x9  }
0x2bd: {  	v41 =	vld.idx.msk [tilespmem:v21+s25+$0x0], $0xffff;
	v29 =	vcvt.f32.s32 v29;
	v32 =	vcvt.f32.s32 v32;
	v50 =	vnsel vm0, $0x9, v34  }
0x2be: {  	v24 =	vld.idx.msk [tilespmem:v22+s24+$0x0], $0xffff;
	v27 =	vmul.f32 v27, v14;
	v56 =	vtrunc.f32 v38;
	v23 =	vadd.f32 v23, v61  }
0x2bf: {  	v57 =	vld.idx.msk [tilespmem:v21+s24+$0x0], $0xffff;
	v28 =	vcvt.f32.s32 v28;
	v36 =	vcvt.f32.s32 v56;
	vm5 =	vle.f32 v17, v20  }
0x2c0: {  	v38 =	vld.idx.msk [tilespmem:v15+s24+$0x0], $0xffff;
	v33 =	vcvt.f32.s32 v55;
	v61 =	vadd.f32 v59, v63;
	v20 =	vsel vm5, $0xFFFFFFFF, v0  }
0x2c1: {  	vm2 =	vlt.s32 v29, $0x9;
	vm7 =	vlt.s32 v36, $0x9;
	v44 =	vld.idx.msk [tilespmem:v51+s26+$0x0], $0xffff;
	v19 =	vadd.s32 v20, v30  }
0x2c2: {  	vm3 =	vlt.s32 v32, $0x9;
	v55 =	vnsel vm7, $0x9, v36;
	v63 =	vld.idx.msk [tilespmem:v50+s26+$0x0], $0xffff;
	vm0 =	vgt.s32 v19, $0x0  }
0x2c3: {  	v27 =	vadd.f32 v27, v31;
	vm4 =	vlt.s32 v28, $0x9;
	v20 =	vld.idx.msk [tilespmem:v18+s21+$0x0], $0xffff;
	v54 =	vnsel vm0, $0x0, v19  }
0x2c4: {  	v30 =	vnsel vm2, $0x9, v29;
	v18 =	vld.idx.msk [tilespmem:v26+s21+$0x0], $0xffff;
	v26 =	vadd.f32 v58, v62;
	v62 =	vmul.f32 v41, v6  }
0x2c5: {  	vm6 =	vlt.s32 v33, $0x9;
	v53 =	vnsel vm3, $0x9, v32;
	v19 =	vld.idx.msk [tilespmem:v25+s21+$0x0], $0xffff;
	v25 =	vmul.f32 v39, v5  }
0x2c6: {  	v23 =	vmul.f32 v23, v1;
	v32 =	vmul.f32 v61, v3;
	v29 =	vld.idx.msk [tilespmem:v21+s23+$0x0], $0xffff;
	v34 =	vadd.f32 v62, v57  }
0x2c7: {  	v28 =	vnsel vm4, $0x9, v28;
	v62 =	vld.idx.msk [tilespmem:v55+s26+$0x0], $0xffff;
	v24 =	vadd.f32 v25, v24;
	v25 =	vadd.f32 v60, v38  }
0x2c8: {  	v33 =	vnsel vm6, $0x9, v33;
	v31 =	vadd.f32 v23, v46;
	v26 =	vmul.f32 v26, v2;
	v56 =	vld.idx.msk [tilespmem:v54+s25+$0x0], $0xffff  }
0x2c9: {  	v36 =	vadd.f32 v32, v48;
	v57 =	vld.idx.msk [tilespmem:v30+s26+$0x0], $0xffff;
	v24 =	vmul.f32 v24, v5;
	v23 =	vmul.f32 v25, v4  }
0x2ca: {  	vm0 =	vle.f32 v13, v63;
	v35 =	vadd.f32 v26, v47;
	v25 =	vmul.f32 v34, v6;
	v58 =	vld.idx.msk [tilespmem:v54+s24+$0x0], $0xffff  }
0x2cb: {  	v34 =	vmul.f32 v27, v14;
	v14 =	vld.idx.msk [tilespmem:v53+s26+$0x0], $0xffff;
	v32 =	vadd.f32 v24, v49;
	v26 =	vadd.f32 v23, v52  }
0x2cc: {  	v27 =	vld.idx.msk [tilespmem:v28+s26+$0x0], $0xffff;
	v23 =	vsel vm0, $0xFFFFFFFF, v0;
	vm0 =	vle.f32 v11, v44;
	v29 =	vadd.f32 v25, v29  }
0x2cd: {  	v59 =	vld.idx.msk [tilespmem:v33+s26+$0x0], $0xffff;
	v23 =	vadd.s32 v23, v50;
	v24 =	vsel vm0, $0xFFFFFFFF, v0;
	v25 =	vmul.f32 v56, v17  }
0x2ce: {  	v60 =	vld.idx.msk [tilespmem:v54+s23+$0x0], $0xffff;
	vm3 =	vle.f32 v10, v62;
	vm0 =	vgt.s32 v23, $0x0;
	v61 =	vadd.s32 v24, v51  }
0x2cf: {  	vm1 =	vle.f32 v12, v57;
	vm2 =	vgt.s32 v61, $0x0;
	v41 =	vadd.f32 v25, v58  }
0x2d0: {  	v24 =	vld.idx.msk [tilespmem:v16+s21+$0x0], $0xffff;
	v40 =	vsel vm1, $0xFFFFFFFF, v0;
	v16 =	vnsel vm0, $0x0, v23;
	vm0 =	vle.f32 v9, v14  }
0x2d1: {  	v23 =	vld.idx.msk [tilespmem:v22+s21+$0x0], $0xffff;
	v14 =	vsel vm0, $0xFFFFFFFF, v0;
	vm0 =	vle.f32 v8, v27;
	v22 =	vmul.f32 v41, v17  }
0x2d2: {  	v27 =	vadd.s32 v14, v53;
	v14 =	vsel vm0, $0xFFFFFFFF, v0;
	v25 =	vadd.s32 v40, v30;
	v30 =	vld.idx.msk [tilespmem:v54+s21+$0x0], $0xffff  }
0x2d3: {  	v15 =	vld.idx.msk [tilespmem:v15+s21+$0x0], $0xffff;
	vm0 =	vle.f32 v7, v59;
	v28 =	vadd.s32 v14, v28;
	v22 =	vadd.f32 v22, v60  }
0x2d4: {  	v37 =	vsel vm0, $0xFFFFFFFF, v0;
	v14 =	vld.idx.msk [tilespmem:v21+s21+$0x0], $0xffff;
	vm1 =	vgt.s32 v27, $0x0;
	v21 =	vsel vm3, $0xFFFFFFFF, v0  }
0x2d5: {  	vm0 =	vgt.s32 v25, $0x0;
	v38 =	vadd.s32 v37, v33;
	v37 =	vld.idx.msk [tilespmem:v16+s25+$0x0], $0xffff;
	v63 =	vmul.f32 v22, v17  }
0x2d6: {  	s6 =	simm.s32 $0x15040;
	vm4 =	vgt.s32 v28, $0x0;
	v39 =	vadd.s32 v21, v55;
	v21 =	vnsel vm2, $0x0, v61;
	v22 =	vld.idx.msk [tilespmem:v16+s24+$0x0], $0xffff  }
0x2d7: {  	s5 =	simm.s32 $0x15040;
	s7 =	simm.s32 $0x80;
	s8 =	simm.s32 $0x7140;
	[tilespmem:s6+$0x30] =	vst v45;
	vm3 =	vgt.s32 v38, $0x0;
	vm2 =	vgt.s32 v39, $0x0;
	v17 =	vld.idx.msk [tilespmem:v16+s23+$0x0], $0xffff;
	v40 =	vadd.f32 v63, v30  }
.LBB2_8:
0x2d8: {  	v41 =	vld [tilespmem:s8+$0x30];
	s7 =	sadd.s32 $0x80, s7;
	v33 =	vnsel vm0, $0x0, v25;
	v30 =	vnsel vm1, $0x0, v27;
	v27 =	vnsel vm4, $0x0, v28;
	s6 =	sadd.s32 $0x80, s6  }
0x2d9: {  	v28 =	vnsel vm3, $0x0, v38;
	v25 =	vnsel vm2, $0x0, v39;
	v31 =	vmul.f32 v31, v1;
	v1 =	vmovc v11;
	v42 =	vld [tilespmem:s8+$0xFFFFFFD0];
	p0 =	slt.u32 s7, $0x6F80;
	[tilespmem:s6+$0x30] =	vst v40  }
0x2da: {  	v11 =	vadd.f32 v34, v20;
	v20 =	vmul.f32 v35, v2;
	v34 =	vmul.f32 v36, v3;
	v2 =	vmovc v12;
	v38 =	vld [tilespmem:s8+$0xFFFFFFE0]  }
0x2db: {  	v3 =	vmovc v9;
	v12 =	vmul.f32 v37, v13;
	v19 =	vadd.f32 v31, v19;
	v31 =	vmul.f32 v32, v5;
	v35 =	vld [tilespmem:s8+$0xFFFFFFF0]  }
0x2dc: {  	v9 =	vadd.f32 v20, v18;
	v18 =	vmul.f32 v26, v4;
	v20 =	vmul.f32 v29, v6;
	v32 =	vld [tilespmem:s8+$0x0];
	[tilespmem:s5+$0xFFFFFFC0] =	vst v11  }
0x2dd: {  	v5 =	vmovc v8;
	v26 =	vadd.f32 v12, v22;
	v12 =	vadd.f32 v34, v24;
	v29 =	vld [tilespmem:s8+$0x10];
	v11 =	vmax.f32 v41, $-1.000000000e+00;
	[tilespmem:s5+$0xFFFFFFD0] =	vst v19  }
0x2de: {  	v4 =	vmovc v7;
	v6 =	vmovc v10;
	v8 =	vmax.f32 v42, $-1.000000000e+00;
	v19 =	vld [tilespmem:s8+$0x20];
	v22 =	vmin.f32 v11, $1.000000000e+00;
	[tilespmem:s5+$0xFFFFFFE0] =	vst v9;
	v9 =	vadd.f32 v31, v23  }
0x2df: {  	v10 =	vld [tilespmem:s8+$0xFFFFFFC0];
	v11 =	vmin.f32 v8, $1.000000000e+00;
	v7 =	vmax.f32 v38, $-1.000000000e+00;
	v8 =	vadd.f32 $1.000000000e+00, v22;
	[tilespmem:s5+$0xFFFFFFF0] =	vst v12  }
0x2e0: {  	v23 =	vadd.f32 $1.000000000e+00, v11;
	v12 =	vmin.f32 v7, $1.000000000e+00;
	v7 =	vmax.f32 v35, $-1.000000000e+00;
	v24 =	vld.idx.msk [tilespmem:v21+s25+$0x0], $0xffff;
	[tilespmem:s5+$0x0] =	vst v9  }
0x2e1: {  	v9 =	vmin.f32 v7, $1.000000000e+00;
	v7 =	vmax.f32 v32, $-1.000000000e+00;
	v31 =	vmul.f32 $4.500000000e+00, v8;
	v32 =	vld.idx.msk [tilespmem:v33+s25+$0x0], $0xffff  }
0x2e2: {  	v34 =	vadd.f32 $1.000000000e+00, v12;
	v8 =	vmin.f32 v7, $1.000000000e+00;
	v7 =	vmax.f32 v29, $-1.000000000e+00;
	v29 =	vld.idx.msk [tilespmem:v30+s25+$0x0], $0xffff  }
0x2e3: {  	v7 =	vmin.f32 v7, $1.000000000e+00;
	v19 =	vmax.f32 v19, $-1.000000000e+00;
	v31 =	vadd.f32 $9.999999740e-06, v31;
	v35 =	vld.idx.msk [tilespmem:v27+s25+$0x0], $0xffff  }
0x2e4: {  	v38 =	vadd.f32 $1.000000000e+00, v9;
	v36 =	vmax.f32 v10, $-1.000000000e+00;
	v10 =	vmin.f32 v19, $1.000000000e+00;
	v39 =	vld.idx.msk [tilespmem:v28+s25+$0x0], $0xffff  }
0x2e5: {  	v19 =	vadd.f32 $1.000000000e+00, v8;
	v37 =	vmin.f32 v36, $1.000000000e+00;
	v31 =	vtrunc.f32 v31;
	v36 =	vld.idx.msk [tilespmem:v25+s25+$0x0], $0xffff  }
0x2e6: {  	v41 =	vadd.f32 $1.000000000e+00, v7;
	v40 =	vadd.f32 $1.000000000e+00, v37;
	v31 =	vcvt.f32.s32 v31;
	v42 =	vld.idx.msk [tilespmem:v21+s24+$0x0], $0xffff  }
0x2e7: {  	v23 =	vmul.f32 $4.500000000e+00, v23;
	v34 =	vmul.f32 $4.500000000e+00, v34;
	v43 =	vadd.f32 $1.000000000e+00, v10;
	v44 =	vld.idx.msk [tilespmem:v33+s24+$0x0], $0xffff  }
0x2e8: {  	v38 =	vmul.f32 $4.500000000e+00, v38;
	v40 =	vmul.f32 $4.500000000e+00, v40;
	vm0 =	vlt.s32 v31, $0x9;
	v45 =	vld.idx.msk [tilespmem:v30+s24+$0x0], $0xffff  }
0x2e9: {  	v19 =	vmul.f32 $4.500000000e+00, v19;
	v41 =	vmul.f32 $4.500000000e+00, v41;
	v31 =	vnsel vm0, $0x9, v31;
	v46 =	vld.idx.msk [tilespmem:v27+s24+$0x0], $0xffff  }
0x2ea: {  	v23 =	vadd.f32 $9.999999740e-06, v23;
	v43 =	vmul.f32 $4.500000000e+00, v43;
	v40 =	vadd.f32 $9.999999740e-06, v40;
	v47 =	vld.idx.msk [tilespmem:v28+s24+$0x0], $0xffff  }
0x2eb: {  	v34 =	vadd.f32 $9.999999740e-06, v34;
	v24 =	vmul.f32 v24, v1;
	v38 =	vadd.f32 $9.999999740e-06, v38;
	v48 =	vld.idx.msk [tilespmem:v25+s24+$0x0], $0xffff  }
0x2ec: {  	v19 =	vadd.f32 $9.999999740e-06, v19;
	v41 =	vadd.f32 $9.999999740e-06, v41;
	v40 =	vtrunc.f32 v40;
	v49 =	vld.idx.msk [tilespmem:v21+s23+$0x0], $0xffff  }
0x2ed: {  	v23 =	vtrunc.f32 v23;
	v34 =	vtrunc.f32 v34;
	v43 =	vadd.f32 $9.999999740e-06, v43;
	v50 =	vld.idx.msk [tilespmem:v33+s23+$0x0], $0xffff  }
0x2ee: {  	v38 =	vtrunc.f32 v38;
	v19 =	vtrunc.f32 v19;
	v42 =	vadd.f32 v24, v42;
	v51 =	vld.idx.msk [tilespmem:v31+s26+$0x0], $0xffff  }
0x2ef: {  	v15 =	vadd.f32 v18, v15;
	v24 =	vtrunc.f32 v41;
	v41 =	vtrunc.f32 v43;
	v43 =	vld.idx.msk [tilespmem:v30+s23+$0x0], $0xffff  }
0x2f0: {  	v14 =	vadd.f32 v20, v14;
	v23 =	vcvt.f32.s32 v23;
	v40 =	vcvt.f32.s32 v40;
	v52 =	vld.idx.msk [tilespmem:v27+s23+$0x0], $0xffff  }
0x2f1: {  	v34 =	vcvt.f32.s32 v34;
	v38 =	vcvt.f32.s32 v38;
	v53 =	vld.idx.msk [tilespmem:v28+s23+$0x0], $0xffff;
	[tilespmem:s5+$0x10] =	vst v15  }
0x2f2: {  	v54 =	vcvt.f32.s32 v24;
	vm0 =	vlt.s32 v40, $0x9;
	v15 =	vcvt.f32.s32 v19;
	v55 =	vld.idx.msk [tilespmem:v25+s23+$0x0], $0xffff;
	[tilespmem:s5+$0x20] =	vst v14;
	s5 =	smov.u32 s6  }
0x2f3: {  	vm1 =	vlt.s32 v23, $0x9;
	vm2 =	vlt.s32 v34, $0x9;
	v14 =	vcvt.f32.s32 v41;
	v20 =	vld.idx.msk [tilespmem:v16+s21+$0x0], $0xffff  }
0x2f4: {  	vm3 =	vlt.s32 v38, $0x9;
	vm4 =	vlt.s32 v15, $0x9;
	vm5 =	vle.f32 v22, v51;
	v19 =	vld.idx.msk [tilespmem:v21+s21+$0x0], $0xffff  }
0x2f5: {  	vm6 =	vlt.s32 v54, $0x9;
	vm7 =	vlt.s32 v14, $0x9;
	v16 =	vsel vm5, $0xFFFFFFFF, v0;
	v18 =	vld.idx.msk [tilespmem:v33+s21+$0x0], $0xffff  }
0x2f6: {  	v21 =	vnsel vm0, $0x9, v40;
	v33 =	vnsel vm1, $0x9, v23;
	v16 =	vadd.s32 v16, v31;
	v24 =	vld.idx.msk [tilespmem:v30+s21+$0x0], $0xffff  }
0x2f7: {  	v38 =	vnsel vm3, $0x9, v38;
	v30 =	vnsel vm2, $0x9, v34;
	vm0 =	vgt.s32 v16, $0x0;
	v23 =	vld.idx.msk [tilespmem:v27+s21+$0x0], $0xffff  }
0x2f8: {  	v41 =	vnsel vm6, $0x9, v54;
	v40 =	vnsel vm4, $0x9, v15;
	v27 =	vnsel vm0, $0x0, v16;
	v15 =	vld.idx.msk [tilespmem:v28+s21+$0x0], $0xffff  }
0x2f9: {  	v51 =	vnsel vm7, $0x9, v14;
	v16 =	vmul.f32 v32, v2;
	v28 =	vmul.f32 v29, v3;
	v14 =	vld.idx.msk [tilespmem:v25+s21+$0x0], $0xffff  }
0x2fa: {  	v29 =	vmul.f32 v39, v4;
	v25 =	vmul.f32 v35, v5  }
0x2fb: {  	v31 =	vmul.f32 v36, v6;
	v16 =	vadd.f32 v16, v44;
	v28 =	vadd.f32 v28, v45;
	v32 =	vld.idx.msk [tilespmem:v21+s26+$0x0], $0xffff  }
0x2fc: {  	v26 =	vmul.f32 v26, v13;
	v29 =	vadd.f32 v29, v47;
	v25 =	vadd.f32 v25, v46;
	v39 =	vld.idx.msk [tilespmem:v33+s26+$0x0], $0xffff  }
0x2fd: {  	v34 =	vmul.f32 v42, v1;
	v35 =	vadd.f32 v31, v48;
	v16 =	vmul.f32 v16, v2;
	v44 =	vld.idx.msk [tilespmem:v27+s25+$0x0], $0xffff  }
0x2fe: {  	v17 =	vadd.f32 v26, v17;
	v26 =	vmul.f32 v28, v3;
	v25 =	vmul.f32 v25, v5;
	v42 =	vld.idx.msk [tilespmem:v30+s26+$0x0], $0xffff  }
0x2ff: {  	v31 =	vadd.f32 v34, v49;
	v45 =	vmul.f32 v35, v6;
	v29 =	vmul.f32 v29, v4;
	v28 =	vld.idx.msk [tilespmem:v27+s24+$0x0], $0xffff  }
0x300: {  	v34 =	vmul.f32 v17, v13;
	v35 =	vadd.f32 v16, v50;
	v36 =	vadd.f32 v26, v43;
	v46 =	vld.idx.msk [tilespmem:v38+s26+$0x0], $0xffff  }
0x301: {  	v26 =	vadd.f32 v29, v53;
	vm0 =	vle.f32 v37, v32;
	v32 =	vadd.f32 v25, v52;
	v17 =	vld.idx.msk [tilespmem:v40+s26+$0x0], $0xffff  }
0x302: {  	v13 =	vmovc v37;
	v29 =	vadd.f32 v45, v55;
	v16 =	vsel vm0, $0xFFFFFFFF, v0;
	vm0 =	vle.f32 v11, v39;
	v39 =	vld.idx.msk [tilespmem:v41+s26+$0x0], $0xffff  }
0x303: {  	v16 =	vadd.s32 v16, v21;
	v21 =	vsel vm0, $0xFFFFFFFF, v0;
	v25 =	vmul.f32 v44, v22;
	v37 =	vld.idx.msk [tilespmem:v27+s23+$0x0], $0xffff  }
0x304: {  	vm0 =	vgt.s32 v16, $0x0;
	v21 =	vadd.s32 v21, v33;
	vm1 =	vle.f32 v12, v42;
	v33 =	vld.idx.msk [tilespmem:v51+s26+$0x0], $0xffff  }
0x305: {  	vm2 =	vgt.s32 v21, $0x0;
	v42 =	vsel vm1, $0xFFFFFFFF, v0;
	v28 =	vadd.f32 v25, v28  }
0x306: {  	v16 =	vnsel vm0, $0x0, v16;
	v25 =	vadd.s32 v42, v30;
	vm0 =	vle.f32 v9, v46  }
0x307: {  	v30 =	vsel vm0, $0xFFFFFFFF, v0;
	vm0 =	vle.f32 v8, v17;
	v17 =	vmul.f32 v28, v22;
	v42 =	vld.idx.msk [tilespmem:v27+s21+$0x0], $0xffff  }
0x308: {  	v27 =	vadd.s32 v30, v38;
	v28 =	vsel vm0, $0xFFFFFFFF, v0;
	vm0 =	vle.f32 v7, v39  }
.Ltmp3:
0x309: {  	v28 =	vadd.s32 v28, v40;
	v30 =	vsel vm0, $0xFFFFFFFF, v0;
	v17 =	vadd.f32 v17, v37;
	(pc) =	sbr.rel @p0 .LBB2_8-.Ltmp3, $4  }
0x30a: {  	vm0 =	vgt.s32 v25, $0x0;
	v38 =	vadd.s32 v30, v41;
	vm3 =	vle.f32 v10, v33  }
0x30b: {  	vm1 =	vgt.s32 v27, $0x0;
	v30 =	vsel vm3, $0xFFFFFFFF, v0;
	v33 =	vmul.f32 v17, v22;
	v37 =	vld.idx.msk [tilespmem:v16+s25+$0x0], $0xffff  }
0x30c: {  	vm4 =	vgt.s32 v28, $0x0;
	vm3 =	vgt.s32 v38, $0x0;
	v39 =	vadd.s32 v30, v51;
	v22 =	vld.idx.msk [tilespmem:v16+s24+$0x0], $0xffff  }
0x30d: {  	s8 =	sadd.s32 $0x80, s8;
	v21 =	vnsel vm2, $0x0, v21;
	vm2 =	vgt.s32 v39, $0x0;
	v40 =	vadd.f32 v33, v42;
	v17 =	vld.idx.msk [tilespmem:v16+s23+$0x0], $0xffff  }
0x30e: {  	_ =	sdelay $0x2  }
0x30f: {  	v1 =	vmul.f32 v31, v1  }
0x310: {  	v25 =	vnsel vm0, $0x0, v25;
	v51 =	vld.idx.msk [tilespmem:v21+s25+$0x0], $0xffff  }
0x311: {  	v27 =	vnsel vm1, $0x0, v27;
	v45 =	vld.idx.msk [tilespmem:v21+s24+$0x0], $0xffff;
	v3 =	vmul.f32 v36, v3;
	v1 =	vadd.f32 v1, v19  }
0x312: {  	v28 =	vnsel vm4, $0x0, v28;
	v16 =	vld.idx.msk [tilespmem:v16+s21+$0x0], $0xffff  }
0x313: {  	v30 =	vnsel vm3, $0x0, v38;
	[tilespmem:s5+$0xFFFFFFD0] =	vst v1;
	v1 =	vadd.f32 v3, v24;
	v3 =	vld.idx.msk [tilespmem:v21+s23+$0x0], $0xffff  }
0x314: {  	v33 =	vnsel vm2, $0x0, v39;
	v21 =	vld.idx.msk [tilespmem:v21+s21+$0x0], $0xffff  }
0x315: {  	v52 =	vld.idx.msk [tilespmem:v25+s25+$0x0], $0xffff  }
0x316: {  	v41 =	vld.idx.msk [tilespmem:v27+s25+$0x0], $0xffff  }
0x317: {  	v42 =	vld.idx.msk [tilespmem:v28+s25+$0x0], $0xffff  }
0x318: {  	v2 =	vmul.f32 v35, v2;
	v43 =	vld.idx.msk [tilespmem:v30+s25+$0x0], $0xffff  }
0x319: {  	s6 =	sadd.s32 $0x80, s6;
	v20 =	vadd.f32 v34, v20;
	v44 =	vld.idx.msk [tilespmem:v33+s25+$0x0], $0xffff  }
0x31a: {  	v4 =	vmul.f32 v26, v4;
	[tilespmem:s6+$0x30] =	vst v40;
	v2 =	vadd.f32 v2, v18;
	v46 =	vld.idx.msk [tilespmem:v25+s24+$0x0], $0xffff  }
0x31b: {  	v5 =	vmul.f32 v32, v5;
	v54 =	vmul.f32 v37, v13;
	[tilespmem:s5+$0xFFFFFFC0] =	vst v20;
	v31 =	vld.idx.msk [tilespmem:v27+s24+$0x0], $0xffff  }
0x31c: {  	v6 =	vmul.f32 v29, v6;
	v4 =	vadd.f32 v4, v15;
	[tilespmem:s5+$0xFFFFFFE0] =	vst v2;
	v53 =	vld.idx.msk [tilespmem:v28+s24+$0x0], $0xffff  }
0x31d: {  	v2 =	vadd.f32 v5, v23;
	v22 =	vadd.f32 v54, v22;
	v19 =	vld.idx.msk [tilespmem:v30+s24+$0x0], $0xffff;
	v5 =	vmul.f32 v51, v11  }
0x31e: {  	v6 =	vadd.f32 v6, v14;
	[tilespmem:s5+$0x10] =	vst v4;
	v18 =	vld.idx.msk [tilespmem:v33+s24+$0x0], $0xffff  }
0x31f: {  	v20 =	vld.idx.msk [tilespmem:v25+s23+$0x0], $0xffff;
	[tilespmem:s5+$0x0] =	vst v2;
	v22 =	vmul.f32 v22, v13;
	v2 =	vadd.f32 v5, v45  }
0x320: {  	[tilespmem:s5+$0x20] =	vst v6;
	v14 =	vld.idx.msk [tilespmem:v30+s23+$0x0], $0xffff;
	v15 =	vmul.f32 v52, v12  }
0x321: {  	[tilespmem:s5+$0xFFFFFFF0] =	vst v1;
	v17 =	vadd.f32 v22, v17;
	v2 =	vmul.f32 v2, v11;
	v4 =	vmul.f32 v41, v9  }
0x322: {  	v1 =	vld.idx.msk [tilespmem:v27+s23+$0x0], $0xffff;
	v24 =	vmul.f32 v42, v8;
	v26 =	vmul.f32 v43, v7;
	v15 =	vadd.f32 v15, v46  }
0x323: {  	v5 =	vld.idx.msk [tilespmem:v28+s23+$0x0], $0xffff;
	v6 =	vmul.f32 v44, v10;
	v13 =	vmul.f32 v17, v13;
	v4 =	vadd.f32 v4, v31  }
0x324: {  	v23 =	vld.idx.msk [tilespmem:v33+s23+$0x0], $0xffff;
	v2 =	vadd.f32 v2, v3;
	v24 =	vadd.f32 v24, v53;
	v15 =	vmul.f32 v15, v12  }
0x325: {  	v19 =	vadd.f32 v26, v19;
	v6 =	vadd.f32 v6, v18;
	v18 =	vld.idx.msk [tilespmem:v25+s21+$0x0], $0xffff;
	v4 =	vmul.f32 v4, v9  }
0x326: {  	v3 =	vld.idx.msk [tilespmem:v27+s21+$0x0], $0xffff;
	v2 =	vmul.f32 v2, v11;
	v22 =	vmul.f32 v24, v8;
	v15 =	vadd.f32 v15, v20  }
0x327: {  	v17 =	vld.idx.msk [tilespmem:v28+s21+$0x0], $0xffff;
	v11 =	vadd.f32 v13, v16;
	v6 =	vmul.f32 v6, v10;
	v1 =	vadd.f32 v4, v1  }
0x328: {  	v13 =	vld.idx.msk [tilespmem:v33+s21+$0x0], $0xffff;
	v19 =	vmul.f32 v19, v7;
	v5 =	vadd.f32 v22, v5;
	v12 =	vmul.f32 v15, v12  }
0x329: {  	v2 =	vadd.f32 v2, v21;
	v4 =	vld.idx.msk [tilespmem:v30+s21+$0x0], $0xffff;
	v6 =	vadd.f32 v6, v23;
	v1 =	vmul.f32 v1, v9  }
0x32a: {  	[tilespmem:s6+$0xFFFFFFC0] =	vst v11;
	v14 =	vadd.f32 v19, v14;
	v5 =	vmul.f32 v5, v8;
	v8 =	vadd.f32 v12, v18  }
0x32b: {  	[tilespmem:s6+$0xFFFFFFD0] =	vst v2;
	v2 =	vmul.f32 v6, v10;
	v1 =	vadd.f32 v1, v3  }
0x32c: {  	v7 =	vmul.f32 v14, v7;
	v3 =	vadd.f32 v5, v17;
	[tilespmem:s6+$0xFFFFFFE0] =	vst v8  }
0x32d: {  	v2 =	vadd.f32 v2, v13;
	[tilespmem:s6+$0xFFFFFFF0] =	vst v1  }
0x32e: {  	v1 =	vadd.f32 v7, v4;
	[tilespmem:s6+$0x0] =	vst v3  }
0x32f: {  	[tilespmem:s6+$0x20] =	vst v2  }
0x330: {  	[tilespmem:s6+$0x10] =	vst v1  }
0x331: {  	[hbm4b:s16+s2] =	stream.linear.scatter [tilespmem:s0], [sflag:$0x4], $0x7000, $0x38;
	[tilespmem:$0x1C280] =	vst v63  }
0x332: {  	_ = 	snop  }
0x333: {  	[tilespmem:s28], [sflag:$0x2] =	stream.linear.gather [hbm4b:s17+s2], $0x7000, $0x38;
	[tilespmem:$0x1C280] =	vst v63  }
0x334: {  	_ =	swait.ge [sflag:s29], $0x7000  }
0x335: {  	[sflag:s29] =	ssyncset.done $0x0  }
0x336: {  	[sflag:s29] =	ssyncadd.s32 $0xFFFF9000  }
0x337: {  	_ =	swait.ge [sflag:s1], $0x7000  }
0x338: {  	[sflag:s1] =	ssyncset.done $0x0  }
0x339: {  	s7 =	simm.s32 $0x40;
	[sflag:s1] =	ssyncadd.s32 $0xFFFF9000  }
0x33a: {  	v1 =	vld [tilespmem:s7+$0x30];
	_ =	sdelay $0x4  }
0x33b: {  	v1 =	vmax.f32 v1, $-1.000000000e+00  }
0x33c: {  	v3 =	vld [tilespmem:s7+$0xFFFFFFE0];
	v7 =	vmin.f32 v1, $1.000000000e+00  }
0x33d: {  	v4 =	vld [tilespmem:s7+$0xFFFFFFF0];
	v2 =	vadd.f32 $1.000000000e+00, v7  }
0x33e: {  	v1 =	vld [tilespmem:s7+$0xFFFFFFD0]  }
0x33f: {  	v9 =	vld [tilespmem:s7+$0x20];
	v2 =	vmul.f32 $4.500000000e+00, v2  }
0x340: {  	v5 =	vld [tilespmem:s7+$0xFFFFFFC0]  }
0x341: {  	v6 =	vld [tilespmem:s7+$0x0];
	v2 =	vadd.f32 $9.999999740e-06, v2  }
0x342: {  	v8 =	vld [tilespmem:s7+$0x10];
	v3 =	vmax.f32 v3, $-1.000000000e+00  }
0x343: {  	v4 =	vmax.f32 v4, $-1.000000000e+00;
	v1 =	vmax.f32 v1, $-1.000000000e+00;
	v2 =	vtrunc.f32 v2  }
0x344: {  	v9 =	vmax.f32 v9, $-1.000000000e+00;
	v1 =	vmin.f32 v1, $1.000000000e+00;
	v11 =	vcvt.f32.s32 v2  }
0x345: {  	v10 =	vadd.f32 $1.000000000e+00, v1;
	v2 =	vmin.f32 v3, $1.000000000e+00;
	v3 =	vmin.f32 v4, $1.000000000e+00  }
0x346: {  	v4 =	vmax.f32 v5, $-1.000000000e+00;
	v5 =	vmax.f32 v6, $-1.000000000e+00;
	vm0 =	vlt.s32 v11, $0x9  }
0x347: {  	v14 =	vmin.f32 v4, $1.000000000e+00;
	v4 =	vmax.f32 v8, $-1.000000000e+00;
	v8 =	vnsel vm0, $0x9, v11  }
0x348: {  	v5 =	vmin.f32 v5, $1.000000000e+00;
	v12 =	vadd.f32 $1.000000000e+00, v3;
	v6 =	vadd.f32 $1.000000000e+00, v14  }
0x349: {  	v10 =	vmul.f32 $4.500000000e+00, v10;
	v4 =	vmin.f32 v4, $1.000000000e+00;
	v11 =	vadd.f32 $1.000000000e+00, v2  }
0x34a: {  	v15 =	vadd.f32 $1.000000000e+00, v4;
	v12 =	vmul.f32 $4.500000000e+00, v12;
	v13 =	vmul.f32 $4.500000000e+00, v6  }
0x34b: {  	v10 =	vadd.f32 $9.999999740e-06, v10;
	v6 =	vmin.f32 v9, $1.000000000e+00;
	v9 =	vadd.f32 $1.000000000e+00, v5  }
0x34c: {  	v11 =	vmul.f32 $4.500000000e+00, v11;
	v15 =	vmul.f32 $4.500000000e+00, v15;
	v13 =	vadd.f32 $9.999999740e-06, v13;
	v17 =	vld.idx.msk [tilespmem:v8+s26+$0x0], $0xffff  }
0x34d: {  	v16 =	vadd.f32 $1.000000000e+00, v6;
	v10 =	vtrunc.f32 v10;
	v9 =	vmul.f32 $4.500000000e+00, v9  }
0x34e: {  	v12 =	vadd.f32 $9.999999740e-06, v12;
	v10 =	vcvt.f32.s32 v10;
	v13 =	vtrunc.f32 v13  }
0x34f: {  	v11 =	vadd.f32 $9.999999740e-06, v11;
	v16 =	vmul.f32 $4.500000000e+00, v16;
	v13 =	vcvt.f32.s32 v13  }
0x350: {  	v15 =	vadd.f32 $9.999999740e-06, v15;
	v12 =	vtrunc.f32 v12;
	v9 =	vadd.f32 $9.999999740e-06, v9  }
0x351: {  	v12 =	vcvt.f32.s32 v12;
	vm0 =	vlt.s32 v13, $0x9;
	vm1 =	vle.f32 v7, v17  }
0x352: {  	v11 =	vtrunc.f32 v11;
	v13 =	vnsel vm0, $0x9, v13;
	v17 =	vsel vm1, $0xFFFFFFFF, v0  }
0x353: {  	v11 =	vcvt.f32.s32 v11;
	vm0 =	vlt.s32 v10, $0x9;
	v8 =	vadd.s32 v17, v8  }
0x354: {  	v16 =	vadd.f32 $9.999999740e-06, v16;
	v10 =	vnsel vm0, $0x9, v10;
	vm0 =	vgt.s32 v8, $0x0  }
0x355: {  	v9 =	vtrunc.f32 v9;
	vm1 =	vlt.s32 v11, $0x9;
	v8 =	vnsel vm0, $0x0, v8  }
0x356: {  	v15 =	vtrunc.f32 v15;
	v9 =	vcvt.f32.s32 v9;
	v11 =	vnsel vm1, $0x9, v11  }
0x357: {  	s8 =	simm.s32 $0xC0;
	v15 =	vcvt.f32.s32 v15;
	v17 =	vld.idx.msk [tilespmem:v13+s26+$0x0], $0xffff;
	vm0 =	vlt.s32 v12, $0x9  }
0x358: {  	v27 =	vld [tilespmem:s8+$0x10];
	v16 =	vtrunc.f32 v16;
	vm1 =	vlt.s32 v9, $0x9;
	v12 =	vnsel vm0, $0x9, v12  }
0x359: {  	v16 =	vcvt.f32.s32 v16;
	v9 =	vnsel vm1, $0x9, v9;
	vm0 =	vlt.s32 v15, $0x9;
	v18 =	vld.idx.msk [tilespmem:v10+s26+$0x0], $0xffff  }
0x35a: {  	v15 =	vnsel vm0, $0x9, v15;
	v19 =	vld.idx.msk [tilespmem:v8+s25+$0x0], $0xffff  }
0x35b: {  	vm0 =	vlt.s32 v16, $0x9;
	v20 =	vld.idx.msk [tilespmem:v11+s26+$0x0], $0xffff  }
0x35c: {  	v16 =	vnsel vm0, $0x9, v16;
	vm1 =	vle.f32 v14, v17;
	v17 =	vld.idx.msk [tilespmem:v8+s24+$0x0], $0xffff  }
0x35d: {  	v21 =	vsel vm1, $0xFFFFFFFF, v0;
	v22 =	vld.idx.msk [tilespmem:v12+s26+$0x0], $0xffff  }
0x35e: {  	v13 =	vadd.s32 v21, v13;
	v21 =	vld.idx.msk [tilespmem:v9+s26+$0x0], $0xffff  }
0x35f: {  	vm1 =	vle.f32 v1, v18;
	v23 =	vld.idx.msk [tilespmem:v15+s26+$0x0], $0xffff;
	vm0 =	vgt.s32 v13, $0x0;
	v19 =	vmul.f32 v19, v7  }
0x360: {  	v27 =	vmax.f32 v27, $-1.000000000e+00;
	v24 =	vld.idx.msk [tilespmem:v8+s23+$0x0], $0xffff;
	v18 =	vnsel vm0, $0x0, v13;
	v13 =	vsel vm1, $0xFFFFFFFF, v0  }
0x361: {  	vm0 =	vle.f32 v2, v20;
	v10 =	vadd.s32 v13, v10;
	v13 =	vld.idx.msk [tilespmem:v16+s26+$0x0], $0xffff;
	v17 =	vadd.f32 v19, v17  }
0x362: {  	v20 =	vsel vm0, $0xFFFFFFFF, v0;
	vm0 =	vgt.s32 v10, $0x0;
	vm1 =	vle.f32 v3, v22  }
0x363: {  	v19 =	vsel vm1, $0xFFFFFFFF, v0;
	vm1 =	vle.f32 v5, v21;
	v17 =	vmul.f32 v17, v7  }
0x364: {  	v12 =	vadd.s32 v19, v12;
	v19 =	vsel vm1, $0xFFFFFFFF, v0;
	vm1 =	vle.f32 v4, v23;
	v23 =	vld [tilespmem:s8+$0x30]  }
0x365: {  	v11 =	vadd.s32 v20, v11;
	v25 =	vnsel vm0, $0x0, v10;
	v20 =	vld.idx.msk [tilespmem:v18+s25+$0x0], $0xffff;
	v17 =	vadd.f32 v17, v24  }
0x366: {  	v9 =	vadd.s32 v19, v9;
	v19 =	vsel vm1, $0xFFFFFFFF, v0;
	vm2 =	vle.f32 v6, v13;
	v13 =	vld [tilespmem:s8+$0xFFFFFFD0]  }
0x367: {  	v15 =	vadd.s32 v19, v15;
	v19 =	vsel vm2, $0xFFFFFFFF, v0;
	v24 =	vmul.f32 v17, v7;
	v7 =	vld [tilespmem:s8+$0xFFFFFFE0]  }
0x368: {  	vm1 =	vgt.s32 v11, $0x0;
	vm2 =	vgt.s32 v9, $0x0;
	v17 =	vadd.s32 v19, v16;
	v19 =	vld [tilespmem:s8+$0xFFFFFFF0]  }
0x369: {  	vm4 =	vgt.s32 v15, $0x0;
	v22 =	vnsel vm2, $0x0, v9;
	v9 =	vmax.f32 v23, $-1.000000000e+00;
	v23 =	vld [tilespmem:s8+$0xFFFFFFC0]  }
0x36a: {  	v10 =	vld [tilespmem:s8+$0x0];
	vm3 =	vgt.s32 v12, $0x0;
	v26 =	vnsel vm1, $0x0, v11;
	v15 =	vnsel vm4, $0x0, v15  }
0x36b: {  	v16 =	vnsel vm3, $0x0, v12;
	vm0 =	vgt.s32 v17, $0x0;
	v20 =	vmul.f32 v20, v14  }
0x36c: {  	v21 =	vnsel vm0, $0x0, v17;
	v11 =	vmax.f32 v13, $-1.000000000e+00;
	v13 =	vld [tilespmem:s8+$0x20];
	v17 =	vmin.f32 v9, $1.000000000e+00  }
0x36d: {  	v11 =	vmin.f32 v11, $1.000000000e+00;
	v28 =	vadd.f32 $1.000000000e+00, v17;
	v7 =	vmax.f32 v7, $-1.000000000e+00  }
0x36e: {  	v9 =	vmax.f32 v19, $-1.000000000e+00;
	v19 =	vadd.f32 $1.000000000e+00, v11;
	v23 =	vmax.f32 v23, $-1.000000000e+00  }
0x36f: {  	v31 =	vld.idx.msk [tilespmem:v18+s23+$0x0], $0xffff;
	v12 =	vmin.f32 v7, $1.000000000e+00;
	v9 =	vmin.f32 v9, $1.000000000e+00;
	v7 =	vmax.f32 v10, $-1.000000000e+00  }
0x370: {  	v10 =	vmul.f32 $4.500000000e+00, v28;
	v28 =	vld.idx.msk [tilespmem:v8+s21+$0x0], $0xffff;
	v29 =	vadd.f32 $1.000000000e+00, v12;
	v8 =	vmin.f32 v7, $1.000000000e+00  }
0x371: {  	v60 =	vld.idx.msk [tilespmem:v15+s25+$0x0], $0xffff;
	v7 =	vmin.f32 v27, $1.000000000e+00;
	v13 =	vmax.f32 v13, $-1.000000000e+00;
	v55 =	vadd.f32 $1.000000000e+00, v9  }
0x372: {  	v35 =	vld.idx.msk [tilespmem:v26+s25+$0x0], $0xffff;
	v19 =	vmul.f32 $4.500000000e+00, v19;
	v30 =	vadd.f32 $9.999999740e-06, v10;
	v10 =	vmin.f32 v13, $1.000000000e+00  }
0x373: {  	v61 =	vld.idx.msk [tilespmem:v25+s24+$0x0], $0xffff;
	v13 =	vmin.f32 v23, $1.000000000e+00;
	v56 =	vadd.f32 $1.000000000e+00, v8;
	v58 =	vadd.f32 $1.000000000e+00, v7  }
0x374: {  	v46 =	vld.idx.msk [tilespmem:v25+s23+$0x0], $0xffff;
	v57 =	vadd.f32 $1.000000000e+00, v13;
	v29 =	vmul.f32 $4.500000000e+00, v29;
	v30 =	vtrunc.f32 v30  }
0x375: {  	v37 =	vld.idx.msk [tilespmem:v16+s25+$0x0], $0xffff;
	v59 =	vadd.f32 $1.000000000e+00, v10;
	v32 =	vmul.f32 $4.500000000e+00, v55;
	v30 =	vcvt.f32.s32 v30  }
0x376: {  	v27 =	vld.idx.msk [tilespmem:v18+s24+$0x0], $0xffff;
	v19 =	vadd.f32 $9.999999740e-06, v19;
	v60 =	vmul.f32 v60, v4;
	v33 =	vmul.f32 $4.500000000e+00, v56  }
0x377: {  	v23 =	vld.idx.msk [tilespmem:v25+s25+$0x0], $0xffff;
	v36 =	vmul.f32 $4.500000000e+00, v58;
	v58 =	vmul.f32 v35, v2;
	vm0 =	vlt.s32 v30, $0x9  }
0x378: {  	v62 =	vld.idx.msk [tilespmem:v26+s24+$0x0], $0xffff;
	v34 =	vmul.f32 $4.500000000e+00, v57;
	v38 =	vmul.f32 $4.500000000e+00, v59;
	v30 =	vnsel vm0, $0x9, v30  }
0x379: {  	v47 =	vld.idx.msk [tilespmem:v26+s23+$0x0], $0xffff;
	v29 =	vadd.f32 $9.999999740e-06, v29;
	v32 =	vadd.f32 $9.999999740e-06, v32;
	v19 =	vtrunc.f32 v19  }
0x37a: {  	v39 =	vld.idx.msk [tilespmem:v22+s25+$0x0], $0xffff;
	v45 =	vadd.f32 v24, v28;
	v59 =	vmul.f32 v37, v3;
	v34 =	vadd.f32 $9.999999740e-06, v34  }
0x37b: {  	v49 =	vld.idx.msk [tilespmem:v22+s23+$0x0], $0xffff;
	v33 =	vadd.f32 $9.999999740e-06, v33;
	v36 =	vadd.f32 $9.999999740e-06, v36;
	v19 =	vcvt.f32.s32 v19  }
0x37c: {  	v52 =	vld.idx.msk [tilespmem:v15+s23+$0x0], $0xffff;
	v27 =	vadd.f32 v20, v27;
	v23 =	vmul.f32 v23, v1;
	v34 =	vtrunc.f32 v34  }
0x37d: {  	v29 =	vtrunc.f32 v29;
	v38 =	vadd.f32 $9.999999740e-06, v38;
	v34 =	vcvt.f32.s32 v34;
	v20 =	vld.idx.msk [tilespmem:v30+s26+$0x0], $0xffff  }
0x37e: {  	v63 =	vld.idx.msk [tilespmem:v16+s24+$0x0], $0xffff;
	v32 =	vtrunc.f32 v32;
	v28 =	vtrunc.f32 v33;
	vm1 =	vlt.s32 v19, $0x9  }
0x37f: {  	v48 =	vld.idx.msk [tilespmem:v16+s23+$0x0], $0xffff;
	v55 =	vtrunc.f32 v36;
	v51 =	vnsel vm1, $0x9, v19;
	vm0 =	vlt.s32 v34, $0x9  }
0x380: {  	v41 =	vld.idx.msk [tilespmem:v21+s25+$0x0], $0xffff;
	v29 =	vcvt.f32.s32 v29;
	v32 =	vcvt.f32.s32 v32;
	v50 =	vnsel vm0, $0x9, v34  }
0x381: {  	v24 =	vld.idx.msk [tilespmem:v22+s24+$0x0], $0xffff;
	v27 =	vmul.f32 v27, v14;
	v56 =	vtrunc.f32 v38;
	v23 =	vadd.f32 v23, v61  }
0x382: {  	v57 =	vld.idx.msk [tilespmem:v21+s24+$0x0], $0xffff;
	v28 =	vcvt.f32.s32 v28;
	v36 =	vcvt.f32.s32 v56;
	vm5 =	vle.f32 v17, v20  }
0x383: {  	v38 =	vld.idx.msk [tilespmem:v15+s24+$0x0], $0xffff;
	v33 =	vcvt.f32.s32 v55;
	v61 =	vadd.f32 v59, v63;
	v20 =	vsel vm5, $0xFFFFFFFF, v0  }
0x384: {  	vm2 =	vlt.s32 v29, $0x9;
	vm7 =	vlt.s32 v36, $0x9;
	v44 =	vld.idx.msk [tilespmem:v51+s26+$0x0], $0xffff;
	v19 =	vadd.s32 v20, v30  }
0x385: {  	vm3 =	vlt.s32 v32, $0x9;
	v55 =	vnsel vm7, $0x9, v36;
	v63 =	vld.idx.msk [tilespmem:v50+s26+$0x0], $0xffff;
	vm0 =	vgt.s32 v19, $0x0  }
0x386: {  	v27 =	vadd.f32 v27, v31;
	vm4 =	vlt.s32 v28, $0x9;
	v20 =	vld.idx.msk [tilespmem:v18+s21+$0x0], $0xffff;
	v54 =	vnsel vm0, $0x0, v19  }
0x387: {  	v30 =	vnsel vm2, $0x9, v29;
	v18 =	vld.idx.msk [tilespmem:v26+s21+$0x0], $0xffff;
	v26 =	vadd.f32 v58, v62;
	v62 =	vmul.f32 v41, v6  }
0x388: {  	vm6 =	vlt.s32 v33, $0x9;
	v53 =	vnsel vm3, $0x9, v32;
	v19 =	vld.idx.msk [tilespmem:v25+s21+$0x0], $0xffff;
	v25 =	vmul.f32 v39, v5  }
0x389: {  	v23 =	vmul.f32 v23, v1;
	v32 =	vmul.f32 v61, v3;
	v29 =	vld.idx.msk [tilespmem:v21+s23+$0x0], $0xffff;
	v34 =	vadd.f32 v62, v57  }
0x38a: {  	v28 =	vnsel vm4, $0x9, v28;
	v62 =	vld.idx.msk [tilespmem:v55+s26+$0x0], $0xffff;
	v24 =	vadd.f32 v25, v24;
	v25 =	vadd.f32 v60, v38  }
0x38b: {  	v33 =	vnsel vm6, $0x9, v33;
	v31 =	vadd.f32 v23, v46;
	v26 =	vmul.f32 v26, v2;
	v56 =	vld.idx.msk [tilespmem:v54+s25+$0x0], $0xffff  }
0x38c: {  	v36 =	vadd.f32 v32, v48;
	v57 =	vld.idx.msk [tilespmem:v30+s26+$0x0], $0xffff;
	v24 =	vmul.f32 v24, v5;
	v23 =	vmul.f32 v25, v4  }
0x38d: {  	vm0 =	vle.f32 v13, v63;
	v35 =	vadd.f32 v26, v47;
	v25 =	vmul.f32 v34, v6;
	v58 =	vld.idx.msk [tilespmem:v54+s24+$0x0], $0xffff  }
0x38e: {  	v34 =	vmul.f32 v27, v14;
	v14 =	vld.idx.msk [tilespmem:v53+s26+$0x0], $0xffff;
	v32 =	vadd.f32 v24, v49;
	v26 =	vadd.f32 v23, v52  }
0x38f: {  	v27 =	vld.idx.msk [tilespmem:v28+s26+$0x0], $0xffff;
	v23 =	vsel vm0, $0xFFFFFFFF, v0;
	vm0 =	vle.f32 v11, v44;
	v29 =	vadd.f32 v25, v29  }
0x390: {  	v59 =	vld.idx.msk [tilespmem:v33+s26+$0x0], $0xffff;
	v23 =	vadd.s32 v23, v50;
	v24 =	vsel vm0, $0xFFFFFFFF, v0;
	v25 =	vmul.f32 v56, v17  }
0x391: {  	v60 =	vld.idx.msk [tilespmem:v54+s23+$0x0], $0xffff;
	vm3 =	vle.f32 v10, v62;
	vm0 =	vgt.s32 v23, $0x0;
	v61 =	vadd.s32 v24, v51  }
0x392: {  	vm1 =	vle.f32 v12, v57;
	vm2 =	vgt.s32 v61, $0x0;
	v41 =	vadd.f32 v25, v58  }
0x393: {  	v24 =	vld.idx.msk [tilespmem:v16+s21+$0x0], $0xffff;
	v40 =	vsel vm1, $0xFFFFFFFF, v0;
	v16 =	vnsel vm0, $0x0, v23;
	vm0 =	vle.f32 v9, v14  }
0x394: {  	v23 =	vld.idx.msk [tilespmem:v22+s21+$0x0], $0xffff;
	v14 =	vsel vm0, $0xFFFFFFFF, v0;
	vm0 =	vle.f32 v8, v27;
	v22 =	vmul.f32 v41, v17  }
0x395: {  	v27 =	vadd.s32 v14, v53;
	v14 =	vsel vm0, $0xFFFFFFFF, v0;
	v25 =	vadd.s32 v40, v30;
	v30 =	vld.idx.msk [tilespmem:v54+s21+$0x0], $0xffff  }
0x396: {  	v15 =	vld.idx.msk [tilespmem:v15+s21+$0x0], $0xffff;
	vm0 =	vle.f32 v7, v59;
	v28 =	vadd.s32 v14, v28;
	v22 =	vadd.f32 v22, v60  }
0x397: {  	v37 =	vsel vm0, $0xFFFFFFFF, v0;
	v14 =	vld.idx.msk [tilespmem:v21+s21+$0x0], $0xffff;
	vm1 =	vgt.s32 v27, $0x0;
	v21 =	vsel vm3, $0xFFFFFFFF, v0  }
0x398: {  	vm0 =	vgt.s32 v25, $0x0;
	v38 =	vadd.s32 v37, v33;
	v37 =	vld.idx.msk [tilespmem:v16+s25+$0x0], $0xffff;
	v63 =	vmul.f32 v22, v17  }
0x399: {  	s6 =	simm.s32 $0xE040;
	vm4 =	vgt.s32 v28, $0x0;
	v39 =	vadd.s32 v21, v55;
	v21 =	vnsel vm2, $0x0, v61;
	v22 =	vld.idx.msk [tilespmem:v16+s24+$0x0], $0xffff  }
0x39a: {  	s5 =	simm.s32 $0xE040;
	s7 =	simm.s32 $0x80;
	s8 =	simm.s32 $0x140;
	[tilespmem:s6+$0x30] =	vst v45;
	vm3 =	vgt.s32 v38, $0x0;
	vm2 =	vgt.s32 v39, $0x0;
	v17 =	vld.idx.msk [tilespmem:v16+s23+$0x0], $0xffff;
	v40 =	vadd.f32 v63, v30  }
.LBB2_10:
0x39b: {  	v41 =	vld [tilespmem:s8+$0x30];
	s7 =	sadd.s32 $0x80, s7;
	v33 =	vnsel vm0, $0x0, v25;
	v30 =	vnsel vm1, $0x0, v27;
	v27 =	vnsel vm4, $0x0, v28;
	s6 =	sadd.s32 $0x80, s6  }
0x39c: {  	v28 =	vnsel vm3, $0x0, v38;
	v25 =	vnsel vm2, $0x0, v39;
	v31 =	vmul.f32 v31, v1;
	v1 =	vmovc v11;
	v42 =	vld [tilespmem:s8+$0xFFFFFFD0];
	p0 =	slt.u32 s7, $0x6F80;
	[tilespmem:s6+$0x30] =	vst v40  }
0x39d: {  	v11 =	vadd.f32 v34, v20;
	v20 =	vmul.f32 v35, v2;
	v34 =	vmul.f32 v36, v3;
	v2 =	vmovc v12;
	v38 =	vld [tilespmem:s8+$0xFFFFFFE0]  }
0x39e: {  	v3 =	vmovc v9;
	v12 =	vmul.f32 v37, v13;
	v19 =	vadd.f32 v31, v19;
	v31 =	vmul.f32 v32, v5;
	v35 =	vld [tilespmem:s8+$0xFFFFFFF0]  }
0x39f: {  	v9 =	vadd.f32 v20, v18;
	v18 =	vmul.f32 v26, v4;
	v20 =	vmul.f32 v29, v6;
	v32 =	vld [tilespmem:s8+$0x0];
	[tilespmem:s5+$0xFFFFFFC0] =	vst v11  }
0x3a0: {  	v5 =	vmovc v8;
	v26 =	vadd.f32 v12, v22;
	v12 =	vadd.f32 v34, v24;
	v29 =	vld [tilespmem:s8+$0x10];
	v11 =	vmax.f32 v41, $-1.000000000e+00;
	[tilespmem:s5+$0xFFFFFFD0] =	vst v19  }
0x3a1: {  	v4 =	vmovc v7;
	v6 =	vmovc v10;
	v8 =	vmax.f32 v42, $-1.000000000e+00;
	v19 =	vld [tilespmem:s8+$0x20];
	v22 =	vmin.f32 v11, $1.000000000e+00;
	[tilespmem:s5+$0xFFFFFFE0] =	vst v9;
	v9 =	vadd.f32 v31, v23  }
0x3a2: {  	v10 =	vld [tilespmem:s8+$0xFFFFFFC0];
	v11 =	vmin.f32 v8, $1.000000000e+00;
	v7 =	vmax.f32 v38, $-1.000000000e+00;
	v8 =	vadd.f32 $1.000000000e+00, v22;
	[tilespmem:s5+$0xFFFFFFF0] =	vst v12  }
0x3a3: {  	v23 =	vadd.f32 $1.000000000e+00, v11;
	v12 =	vmin.f32 v7, $1.000000000e+00;
	v7 =	vmax.f32 v35, $-1.000000000e+00;
	v24 =	vld.idx.msk [tilespmem:v21+s25+$0x0], $0xffff;
	[tilespmem:s5+$0x0] =	vst v9  }
0x3a4: {  	v9 =	vmin.f32 v7, $1.000000000e+00;
	v7 =	vmax.f32 v32, $-1.000000000e+00;
	v31 =	vmul.f32 $4.500000000e+00, v8;
	v32 =	vld.idx.msk [tilespmem:v33+s25+$0x0], $0xffff  }
0x3a5: {  	v34 =	vadd.f32 $1.000000000e+00, v12;
	v8 =	vmin.f32 v7, $1.000000000e+00;
	v7 =	vmax.f32 v29, $-1.000000000e+00;
	v29 =	vld.idx.msk [tilespmem:v30+s25+$0x0], $0xffff  }
0x3a6: {  	v7 =	vmin.f32 v7, $1.000000000e+00;
	v19 =	vmax.f32 v19, $-1.000000000e+00;
	v31 =	vadd.f32 $9.999999740e-06, v31;
	v35 =	vld.idx.msk [tilespmem:v27+s25+$0x0], $0xffff  }
0x3a7: {  	v38 =	vadd.f32 $1.000000000e+00, v9;
	v36 =	vmax.f32 v10, $-1.000000000e+00;
	v10 =	vmin.f32 v19, $1.000000000e+00;
	v39 =	vld.idx.msk [tilespmem:v28+s25+$0x0], $0xffff  }
0x3a8: {  	v19 =	vadd.f32 $1.000000000e+00, v8;
	v37 =	vmin.f32 v36, $1.000000000e+00;
	v31 =	vtrunc.f32 v31;
	v36 =	vld.idx.msk [tilespmem:v25+s25+$0x0], $0xffff  }
0x3a9: {  	v41 =	vadd.f32 $1.000000000e+00, v7;
	v40 =	vadd.f32 $1.000000000e+00, v37;
	v31 =	vcvt.f32.s32 v31;
	v42 =	vld.idx.msk [tilespmem:v21+s24+$0x0], $0xffff  }
0x3aa: {  	v23 =	vmul.f32 $4.500000000e+00, v23;
	v34 =	vmul.f32 $4.500000000e+00, v34;
	v43 =	vadd.f32 $1.000000000e+00, v10;
	v44 =	vld.idx.msk [tilespmem:v33+s24+$0x0], $0xffff  }
0x3ab: {  	v38 =	vmul.f32 $4.500000000e+00, v38;
	v40 =	vmul.f32 $4.500000000e+00, v40;
	vm0 =	vlt.s32 v31, $0x9;
	v45 =	vld.idx.msk [tilespmem:v30+s24+$0x0], $0xffff  }
0x3ac: {  	v19 =	vmul.f32 $4.500000000e+00, v19;
	v41 =	vmul.f32 $4.500000000e+00, v41;
	v31 =	vnsel vm0, $0x9, v31;
	v46 =	vld.idx.msk [tilespmem:v27+s24+$0x0], $0xffff  }
0x3ad: {  	v23 =	vadd.f32 $9.999999740e-06, v23;
	v43 =	vmul.f32 $4.500000000e+00, v43;
	v40 =	vadd.f32 $9.999999740e-06, v40;
	v47 =	vld.idx.msk [tilespmem:v28+s24+$0x0], $0xffff  }
0x3ae: {  	v34 =	vadd.f32 $9.999999740e-06, v34;
	v24 =	vmul.f32 v24, v1;
	v38 =	vadd.f32 $9.999999740e-06, v38;
	v48 =	vld.idx.msk [tilespmem:v25+s24+$0x0], $0xffff  }
0x3af: {  	v19 =	vadd.f32 $9.999999740e-06, v19;
	v41 =	vadd.f32 $9.999999740e-06, v41;
	v40 =	vtrunc.f32 v40;
	v49 =	vld.idx.msk [tilespmem:v21+s23+$0x0], $0xffff  }
0x3b0: {  	v23 =	vtrunc.f32 v23;
	v34 =	vtrunc.f32 v34;
	v43 =	vadd.f32 $9.999999740e-06, v43;
	v50 =	vld.idx.msk [tilespmem:v33+s23+$0x0], $0xffff  }
0x3b1: {  	v38 =	vtrunc.f32 v38;
	v19 =	vtrunc.f32 v19;
	v42 =	vadd.f32 v24, v42;
	v51 =	vld.idx.msk [tilespmem:v31+s26+$0x0], $0xffff  }
0x3b2: {  	v15 =	vadd.f32 v18, v15;
	v24 =	vtrunc.f32 v41;
	v41 =	vtrunc.f32 v43;
	v43 =	vld.idx.msk [tilespmem:v30+s23+$0x0], $0xffff  }
0x3b3: {  	v14 =	vadd.f32 v20, v14;
	v23 =	vcvt.f32.s32 v23;
	v40 =	vcvt.f32.s32 v40;
	v52 =	vld.idx.msk [tilespmem:v27+s23+$0x0], $0xffff  }
0x3b4: {  	v34 =	vcvt.f32.s32 v34;
	v38 =	vcvt.f32.s32 v38;
	v53 =	vld.idx.msk [tilespmem:v28+s23+$0x0], $0xffff;
	[tilespmem:s5+$0x10] =	vst v15  }
0x3b5: {  	v54 =	vcvt.f32.s32 v24;
	vm0 =	vlt.s32 v40, $0x9;
	v15 =	vcvt.f32.s32 v19;
	v55 =	vld.idx.msk [tilespmem:v25+s23+$0x0], $0xffff;
	[tilespmem:s5+$0x20] =	vst v14;
	s5 =	smov.u32 s6  }
0x3b6: {  	vm1 =	vlt.s32 v23, $0x9;
	vm2 =	vlt.s32 v34, $0x9;
	v14 =	vcvt.f32.s32 v41;
	v20 =	vld.idx.msk [tilespmem:v16+s21+$0x0], $0xffff  }
0x3b7: {  	vm3 =	vlt.s32 v38, $0x9;
	vm4 =	vlt.s32 v15, $0x9;
	vm5 =	vle.f32 v22, v51;
	v19 =	vld.idx.msk [tilespmem:v21+s21+$0x0], $0xffff  }
0x3b8: {  	vm6 =	vlt.s32 v54, $0x9;
	vm7 =	vlt.s32 v14, $0x9;
	v16 =	vsel vm5, $0xFFFFFFFF, v0;
	v18 =	vld.idx.msk [tilespmem:v33+s21+$0x0], $0xffff  }
0x3b9: {  	v21 =	vnsel vm0, $0x9, v40;
	v33 =	vnsel vm1, $0x9, v23;
	v16 =	vadd.s32 v16, v31;
	v24 =	vld.idx.msk [tilespmem:v30+s21+$0x0], $0xffff  }
0x3ba: {  	v38 =	vnsel vm3, $0x9, v38;
	v30 =	vnsel vm2, $0x9, v34;
	vm0 =	vgt.s32 v16, $0x0;
	v23 =	vld.idx.msk [tilespmem:v27+s21+$0x0], $0xffff  }
0x3bb: {  	v41 =	vnsel vm6, $0x9, v54;
	v40 =	vnsel vm4, $0x9, v15;
	v27 =	vnsel vm0, $0x0, v16;
	v15 =	vld.idx.msk [tilespmem:v28+s21+$0x0], $0xffff  }
0x3bc: {  	v51 =	vnsel vm7, $0x9, v14;
	v16 =	vmul.f32 v32, v2;
	v28 =	vmul.f32 v29, v3;
	v14 =	vld.idx.msk [tilespmem:v25+s21+$0x0], $0xffff  }
0x3bd: {  	v29 =	vmul.f32 v39, v4;
	v25 =	vmul.f32 v35, v5  }
0x3be: {  	v31 =	vmul.f32 v36, v6;
	v16 =	vadd.f32 v16, v44;
	v28 =	vadd.f32 v28, v45;
	v32 =	vld.idx.msk [tilespmem:v21+s26+$0x0], $0xffff  }
0x3bf: {  	v26 =	vmul.f32 v26, v13;
	v29 =	vadd.f32 v29, v47;
	v25 =	vadd.f32 v25, v46;
	v39 =	vld.idx.msk [tilespmem:v33+s26+$0x0], $0xffff  }
0x3c0: {  	v34 =	vmul.f32 v42, v1;
	v35 =	vadd.f32 v31, v48;
	v16 =	vmul.f32 v16, v2;
	v44 =	vld.idx.msk [tilespmem:v27+s25+$0x0], $0xffff  }
0x3c1: {  	v17 =	vadd.f32 v26, v17;
	v26 =	vmul.f32 v28, v3;
	v25 =	vmul.f32 v25, v5;
	v42 =	vld.idx.msk [tilespmem:v30+s26+$0x0], $0xffff  }
0x3c2: {  	v31 =	vadd.f32 v34, v49;
	v45 =	vmul.f32 v35, v6;
	v29 =	vmul.f32 v29, v4;
	v28 =	vld.idx.msk [tilespmem:v27+s24+$0x0], $0xffff  }
0x3c3: {  	v34 =	vmul.f32 v17, v13;
	v35 =	vadd.f32 v16, v50;
	v36 =	vadd.f32 v26, v43;
	v46 =	vld.idx.msk [tilespmem:v38+s26+$0x0], $0xffff  }
0x3c4: {  	v26 =	vadd.f32 v29, v53;
	vm0 =	vle.f32 v37, v32;
	v32 =	vadd.f32 v25, v52;
	v17 =	vld.idx.msk [tilespmem:v40+s26+$0x0], $0xffff  }
0x3c5: {  	v13 =	vmovc v37;
	v29 =	vadd.f32 v45, v55;
	v16 =	vsel vm0, $0xFFFFFFFF, v0;
	vm0 =	vle.f32 v11, v39;
	v39 =	vld.idx.msk [tilespmem:v41+s26+$0x0], $0xffff  }
0x3c6: {  	v16 =	vadd.s32 v16, v21;
	v21 =	vsel vm0, $0xFFFFFFFF, v0;
	v25 =	vmul.f32 v44, v22;
	v37 =	vld.idx.msk [tilespmem:v27+s23+$0x0], $0xffff  }
0x3c7: {  	vm0 =	vgt.s32 v16, $0x0;
	v21 =	vadd.s32 v21, v33;
	vm1 =	vle.f32 v12, v42;
	v33 =	vld.idx.msk [tilespmem:v51+s26+$0x0], $0xffff  }
0x3c8: {  	vm2 =	vgt.s32 v21, $0x0;
	v42 =	vsel vm1, $0xFFFFFFFF, v0;
	v28 =	vadd.f32 v25, v28  }
0x3c9: {  	v16 =	vnsel vm0, $0x0, v16;
	v25 =	vadd.s32 v42, v30;
	vm0 =	vle.f32 v9, v46  }
0x3ca: {  	v30 =	vsel vm0, $0xFFFFFFFF, v0;
	vm0 =	vle.f32 v8, v17;
	v17 =	vmul.f32 v28, v22;
	v42 =	vld.idx.msk [tilespmem:v27+s21+$0x0], $0xffff  }
0x3cb: {  	v27 =	vadd.s32 v30, v38;
	v28 =	vsel vm0, $0xFFFFFFFF, v0;
	vm0 =	vle.f32 v7, v39  }
.Ltmp4:
0x3cc: {  	v28 =	vadd.s32 v28, v40;
	v30 =	vsel vm0, $0xFFFFFFFF, v0;
	v17 =	vadd.f32 v17, v37;
	(pc) =	sbr.rel @p0 .LBB2_10-.Ltmp4, $4  }
0x3cd: {  	vm0 =	vgt.s32 v25, $0x0;
	v38 =	vadd.s32 v30, v41;
	vm3 =	vle.f32 v10, v33  }
0x3ce: {  	vm1 =	vgt.s32 v27, $0x0;
	v30 =	vsel vm3, $0xFFFFFFFF, v0;
	v33 =	vmul.f32 v17, v22;
	v37 =	vld.idx.msk [tilespmem:v16+s25+$0x0], $0xffff  }
0x3cf: {  	vm4 =	vgt.s32 v28, $0x0;
	vm3 =	vgt.s32 v38, $0x0;
	v39 =	vadd.s32 v30, v51;
	v22 =	vld.idx.msk [tilespmem:v16+s24+$0x0], $0xffff  }
0x3d0: {  	s8 =	sadd.s32 $0x80, s8;
	v21 =	vnsel vm2, $0x0, v21;
	vm2 =	vgt.s32 v39, $0x0;
	v40 =	vadd.f32 v33, v42;
	v17 =	vld.idx.msk [tilespmem:v16+s23+$0x0], $0xffff  }
0x3d1: {  	_ =	sdelay $0x2  }
0x3d2: {  	v1 =	vmul.f32 v31, v1  }
0x3d3: {  	v25 =	vnsel vm0, $0x0, v25;
	v50 =	vld.idx.msk [tilespmem:v21+s25+$0x0], $0xffff  }
0x3d4: {  	v27 =	vnsel vm1, $0x0, v27;
	v45 =	vld.idx.msk [tilespmem:v21+s24+$0x0], $0xffff;
	v3 =	vmul.f32 v36, v3;
	v1 =	vadd.f32 v1, v19  }
0x3d5: {  	v28 =	vnsel vm4, $0x0, v28;
	v16 =	vld.idx.msk [tilespmem:v16+s21+$0x0], $0xffff  }
0x3d6: {  	v30 =	vnsel vm3, $0x0, v38;
	[tilespmem:s5+$0xFFFFFFD0] =	vst v1;
	v1 =	vadd.f32 v3, v24;
	v3 =	vld.idx.msk [tilespmem:v21+s23+$0x0], $0xffff  }
0x3d7: {  	v33 =	vnsel vm2, $0x0, v39;
	v21 =	vld.idx.msk [tilespmem:v21+s21+$0x0], $0xffff  }
0x3d8: {  	v51 =	vld.idx.msk [tilespmem:v25+s25+$0x0], $0xffff  }
0x3d9: {  	v41 =	vld.idx.msk [tilespmem:v27+s25+$0x0], $0xffff  }
0x3da: {  	v42 =	vld.idx.msk [tilespmem:v28+s25+$0x0], $0xffff  }
0x3db: {  	v2 =	vmul.f32 v35, v2;
	v43 =	vld.idx.msk [tilespmem:v30+s25+$0x0], $0xffff  }
0x3dc: {  	s6 =	sadd.s32 $0x80, s6;
	v20 =	vadd.f32 v34, v20;
	v44 =	vld.idx.msk [tilespmem:v33+s25+$0x0], $0xffff  }
0x3dd: {  	v4 =	vmul.f32 v26, v4;
	[tilespmem:s6+$0x30] =	vst v40;
	v2 =	vadd.f32 v2, v18;
	v46 =	vld.idx.msk [tilespmem:v25+s24+$0x0], $0xffff  }
0x3de: {  	v5 =	vmul.f32 v32, v5;
	v53 =	vmul.f32 v37, v13;
	[tilespmem:s5+$0xFFFFFFC0] =	vst v20;
	v31 =	vld.idx.msk [tilespmem:v27+s24+$0x0], $0xffff  }
0x3df: {  	v6 =	vmul.f32 v29, v6;
	v4 =	vadd.f32 v4, v15;
	[tilespmem:s5+$0xFFFFFFE0] =	vst v2;
	v52 =	vld.idx.msk [tilespmem:v28+s24+$0x0], $0xffff  }
0x3e0: {  	v2 =	vadd.f32 v5, v23;
	v22 =	vadd.f32 v53, v22;
	v19 =	vld.idx.msk [tilespmem:v30+s24+$0x0], $0xffff;
	v5 =	vmul.f32 v50, v11  }
0x3e1: {  	v6 =	vadd.f32 v6, v14;
	[tilespmem:s5+$0x10] =	vst v4;
	v18 =	vld.idx.msk [tilespmem:v33+s24+$0x0], $0xffff  }
0x3e2: {  	v20 =	vld.idx.msk [tilespmem:v25+s23+$0x0], $0xffff;
	[tilespmem:s5+$0x0] =	vst v2;
	v22 =	vmul.f32 v22, v13;
	v2 =	vadd.f32 v5, v45  }
0x3e3: {  	[tilespmem:s5+$0x20] =	vst v6;
	v14 =	vld.idx.msk [tilespmem:v30+s23+$0x0], $0xffff;
	v15 =	vmul.f32 v51, v12  }
0x3e4: {  	[tilespmem:s5+$0xFFFFFFF0] =	vst v1;
	v17 =	vadd.f32 v22, v17;
	v2 =	vmul.f32 v2, v11;
	v4 =	vmul.f32 v41, v9  }
0x3e5: {  	v1 =	vld.idx.msk [tilespmem:v27+s23+$0x0], $0xffff;
	v24 =	vmul.f32 v42, v8;
	v26 =	vmul.f32 v43, v7;
	v15 =	vadd.f32 v15, v46  }
0x3e6: {  	v5 =	vld.idx.msk [tilespmem:v28+s23+$0x0], $0xffff;
	v6 =	vmul.f32 v44, v10;
	v13 =	vmul.f32 v17, v13;
	v4 =	vadd.f32 v4, v31  }
0x3e7: {  	v23 =	vld.idx.msk [tilespmem:v33+s23+$0x0], $0xffff;
	v2 =	vadd.f32 v2, v3;
	v24 =	vadd.f32 v24, v52;
	v15 =	vmul.f32 v15, v12  }
0x3e8: {  	v19 =	vadd.f32 v26, v19;
	v6 =	vadd.f32 v6, v18;
	v18 =	vld.idx.msk [tilespmem:v25+s21+$0x0], $0xffff;
	v4 =	vmul.f32 v4, v9  }
0x3e9: {  	v3 =	vld.idx.msk [tilespmem:v27+s21+$0x0], $0xffff;
	v2 =	vmul.f32 v2, v11;
	v22 =	vmul.f32 v24, v8;
	v15 =	vadd.f32 v15, v20  }
0x3ea: {  	v17 =	vld.idx.msk [tilespmem:v28+s21+$0x0], $0xffff;
	v11 =	vadd.f32 v13, v16;
	v6 =	vmul.f32 v6, v10;
	v1 =	vadd.f32 v4, v1  }
0x3eb: {  	v13 =	vld.idx.msk [tilespmem:v33+s21+$0x0], $0xffff;
	v19 =	vmul.f32 v19, v7;
	v5 =	vadd.f32 v22, v5;
	v12 =	vmul.f32 v15, v12  }
0x3ec: {  	v2 =	vadd.f32 v2, v21;
	v4 =	vld.idx.msk [tilespmem:v30+s21+$0x0], $0xffff;
	v6 =	vadd.f32 v6, v23;
	v1 =	vmul.f32 v1, v9  }
0x3ed: {  	[tilespmem:s6+$0xFFFFFFC0] =	vst v11;
	v14 =	vadd.f32 v19, v14;
	v5 =	vmul.f32 v5, v8;
	v8 =	vadd.f32 v12, v18  }
0x3ee: {  	[tilespmem:s6+$0xFFFFFFD0] =	vst v2;
	v2 =	vmul.f32 v6, v10;
	v1 =	vadd.f32 v1, v3  }
0x3ef: {  	v7 =	vmul.f32 v14, v7;
	v3 =	vadd.f32 v5, v17;
	[tilespmem:s6+$0xFFFFFFE0] =	vst v8  }
0x3f0: {  	v2 =	vadd.f32 v2, v13;
	[tilespmem:s6+$0xFFFFFFF0] =	vst v1  }
0x3f1: {  	v1 =	vadd.f32 v7, v4;
	[tilespmem:s6+$0x0] =	vst v3  }
0x3f2: {  	[tilespmem:s6+$0x20] =	vst v2  }
0x3f3: {  	[tilespmem:s6+$0x10] =	vst v1  }
0x3f4: {  	[hbm4b:s18+s2] =	stream.linear.scatter [tilespmem:s30], [sflag:$0x3], $0x7000, $0x38;
	[tilespmem:$0x1C280] =	vst v63  }
0x3f5: {  	_ =	swait.ge [sflag:s31], $0x7000  }
0x3f6: {  	[sflag:s31] =	ssyncset.done $0x0  }
0x3f7: {  	[sflag:s31] =	ssyncadd.s32 $0xFFFF9000  }
0x3f8: {  	_ =	swait.ge [sflag:s3], $0x7000  }
0x3f9: {  	[sflag:s3] =	ssyncset.done $0x0  }
0x3fa: {  	s7 =	simm.s32 $0x7040;
	[sflag:s3] =	ssyncadd.s32 $0xFFFF9000  }
0x3fb: {  	v1 =	vld [tilespmem:s7+$0x30];
	_ =	sdelay $0x4  }
0x3fc: {  	v1 =	vmax.f32 v1, $-1.000000000e+00  }
0x3fd: {  	v3 =	vld [tilespmem:s7+$0xFFFFFFE0];
	v7 =	vmin.f32 v1, $1.000000000e+00  }
0x3fe: {  	v4 =	vld [tilespmem:s7+$0xFFFFFFF0];
	v2 =	vadd.f32 $1.000000000e+00, v7  }
0x3ff: {  	v1 =	vld [tilespmem:s7+$0xFFFFFFD0]  }
0x400: {  	v9 =	vld [tilespmem:s7+$0x20];
	v2 =	vmul.f32 $4.500000000e+00, v2  }
0x401: {  	v5 =	vld [tilespmem:s7+$0xFFFFFFC0]  }
0x402: {  	v6 =	vld [tilespmem:s7+$0x0];
	v2 =	vadd.f32 $9.999999740e-06, v2  }
0x403: {  	v8 =	vld [tilespmem:s7+$0x10];
	v3 =	vmax.f32 v3, $-1.000000000e+00  }
0x404: {  	v4 =	vmax.f32 v4, $-1.000000000e+00;
	v1 =	vmax.f32 v1, $-1.000000000e+00;
	v2 =	vtrunc.f32 v2  }
0x405: {  	v9 =	vmax.f32 v9, $-1.000000000e+00;
	v1 =	vmin.f32 v1, $1.000000000e+00;
	v11 =	vcvt.f32.s32 v2  }
0x406: {  	v10 =	vadd.f32 $1.000000000e+00, v1;
	v2 =	vmin.f32 v3, $1.000000000e+00;
	v3 =	vmin.f32 v4, $1.000000000e+00  }
0x407: {  	v4 =	vmax.f32 v5, $-1.000000000e+00;
	v5 =	vmax.f32 v6, $-1.000000000e+00;
	vm0 =	vlt.s32 v11, $0x9  }
0x408: {  	v14 =	vmin.f32 v4, $1.000000000e+00;
	v4 =	vmax.f32 v8, $-1.000000000e+00;
	v8 =	vnsel vm0, $0x9, v11  }
0x409: {  	v5 =	vmin.f32 v5, $1.000000000e+00;
	v12 =	vadd.f32 $1.000000000e+00, v3;
	v6 =	vadd.f32 $1.000000000e+00, v14  }
0x40a: {  	v10 =	vmul.f32 $4.500000000e+00, v10;
	v4 =	vmin.f32 v4, $1.000000000e+00;
	v11 =	vadd.f32 $1.000000000e+00, v2  }
0x40b: {  	v15 =	vadd.f32 $1.000000000e+00, v4;
	v12 =	vmul.f32 $4.500000000e+00, v12;
	v13 =	vmul.f32 $4.500000000e+00, v6  }
0x40c: {  	v10 =	vadd.f32 $9.999999740e-06, v10;
	v6 =	vmin.f32 v9, $1.000000000e+00;
	v9 =	vadd.f32 $1.000000000e+00, v5  }
0x40d: {  	v11 =	vmul.f32 $4.500000000e+00, v11;
	v15 =	vmul.f32 $4.500000000e+00, v15;
	v13 =	vadd.f32 $9.999999740e-06, v13;
	v17 =	vld.idx.msk [tilespmem:v8+s26+$0x0], $0xffff  }
0x40e: {  	v16 =	vadd.f32 $1.000000000e+00, v6;
	v10 =	vtrunc.f32 v10;
	v9 =	vmul.f32 $4.500000000e+00, v9  }
0x40f: {  	v12 =	vadd.f32 $9.999999740e-06, v12;
	v10 =	vcvt.f32.s32 v10;
	v13 =	vtrunc.f32 v13  }
0x410: {  	v11 =	vadd.f32 $9.999999740e-06, v11;
	v16 =	vmul.f32 $4.500000000e+00, v16;
	v13 =	vcvt.f32.s32 v13  }
0x411: {  	v15 =	vadd.f32 $9.999999740e-06, v15;
	v12 =	vtrunc.f32 v12;
	v9 =	vadd.f32 $9.999999740e-06, v9  }
0x412: {  	v12 =	vcvt.f32.s32 v12;
	vm0 =	vlt.s32 v13, $0x9;
	vm1 =	vle.f32 v7, v17  }
0x413: {  	v11 =	vtrunc.f32 v11;
	v13 =	vnsel vm0, $0x9, v13;
	v17 =	vsel vm1, $0xFFFFFFFF, v0  }
0x414: {  	v11 =	vcvt.f32.s32 v11;
	vm0 =	vlt.s32 v10, $0x9;
	v8 =	vadd.s32 v17, v8  }
0x415: {  	v16 =	vadd.f32 $9.999999740e-06, v16;
	v10 =	vnsel vm0, $0x9, v10;
	vm0 =	vgt.s32 v8, $0x0  }
0x416: {  	v9 =	vtrunc.f32 v9;
	vm1 =	vlt.s32 v11, $0x9;
	v8 =	vnsel vm0, $0x0, v8  }
0x417: {  	v15 =	vtrunc.f32 v15;
	v9 =	vcvt.f32.s32 v9;
	v11 =	vnsel vm1, $0x9, v11  }
0x418: {  	s8 =	simm.s32 $0x70C0;
	v15 =	vcvt.f32.s32 v15;
	v17 =	vld.idx.msk [tilespmem:v13+s26+$0x0], $0xffff;
	vm0 =	vlt.s32 v12, $0x9  }
0x419: {  	v27 =	vld [tilespmem:s8+$0x10];
	v16 =	vtrunc.f32 v16;
	vm1 =	vlt.s32 v9, $0x9;
	v12 =	vnsel vm0, $0x9, v12  }
0x41a: {  	v16 =	vcvt.f32.s32 v16;
	v9 =	vnsel vm1, $0x9, v9;
	vm0 =	vlt.s32 v15, $0x9;
	v18 =	vld.idx.msk [tilespmem:v10+s26+$0x0], $0xffff  }
0x41b: {  	v15 =	vnsel vm0, $0x9, v15;
	v19 =	vld.idx.msk [tilespmem:v8+s25+$0x0], $0xffff  }
0x41c: {  	vm0 =	vlt.s32 v16, $0x9;
	v20 =	vld.idx.msk [tilespmem:v11+s26+$0x0], $0xffff  }
0x41d: {  	v16 =	vnsel vm0, $0x9, v16;
	vm1 =	vle.f32 v14, v17;
	v17 =	vld.idx.msk [tilespmem:v8+s24+$0x0], $0xffff  }
0x41e: {  	v21 =	vsel vm1, $0xFFFFFFFF, v0;
	v22 =	vld.idx.msk [tilespmem:v12+s26+$0x0], $0xffff  }
0x41f: {  	v13 =	vadd.s32 v21, v13;
	v21 =	vld.idx.msk [tilespmem:v9+s26+$0x0], $0xffff  }
0x420: {  	vm1 =	vle.f32 v1, v18;
	v23 =	vld.idx.msk [tilespmem:v15+s26+$0x0], $0xffff;
	vm0 =	vgt.s32 v13, $0x0;
	v19 =	vmul.f32 v19, v7  }
0x421: {  	v27 =	vmax.f32 v27, $-1.000000000e+00;
	v24 =	vld.idx.msk [tilespmem:v8+s23+$0x0], $0xffff;
	v18 =	vnsel vm0, $0x0, v13;
	v13 =	vsel vm1, $0xFFFFFFFF, v0  }
0x422: {  	vm0 =	vle.f32 v2, v20;
	v10 =	vadd.s32 v13, v10;
	v13 =	vld.idx.msk [tilespmem:v16+s26+$0x0], $0xffff;
	v17 =	vadd.f32 v19, v17  }
0x423: {  	v20 =	vsel vm0, $0xFFFFFFFF, v0;
	vm0 =	vgt.s32 v10, $0x0;
	vm1 =	vle.f32 v3, v22  }
0x424: {  	v19 =	vsel vm1, $0xFFFFFFFF, v0;
	vm1 =	vle.f32 v5, v21;
	v17 =	vmul.f32 v17, v7  }
0x425: {  	v12 =	vadd.s32 v19, v12;
	v19 =	vsel vm1, $0xFFFFFFFF, v0;
	vm1 =	vle.f32 v4, v23;
	v23 =	vld [tilespmem:s8+$0x30]  }
0x426: {  	v11 =	vadd.s32 v20, v11;
	v25 =	vnsel vm0, $0x0, v10;
	v20 =	vld.idx.msk [tilespmem:v18+s25+$0x0], $0xffff;
	v17 =	vadd.f32 v17, v24  }
0x427: {  	v9 =	vadd.s32 v19, v9;
	v19 =	vsel vm1, $0xFFFFFFFF, v0;
	vm2 =	vle.f32 v6, v13;
	v13 =	vld [tilespmem:s8+$0xFFFFFFD0]  }
0x428: {  	v15 =	vadd.s32 v19, v15;
	v19 =	vsel vm2, $0xFFFFFFFF, v0;
	v24 =	vmul.f32 v17, v7;
	v7 =	vld [tilespmem:s8+$0xFFFFFFE0]  }
0x429: {  	vm1 =	vgt.s32 v11, $0x0;
	vm2 =	vgt.s32 v9, $0x0;
	v17 =	vadd.s32 v19, v16;
	v19 =	vld [tilespmem:s8+$0xFFFFFFF0]  }
0x42a: {  	vm4 =	vgt.s32 v15, $0x0;
	v22 =	vnsel vm2, $0x0, v9;
	v9 =	vmax.f32 v23, $-1.000000000e+00;
	v23 =	vld [tilespmem:s8+$0xFFFFFFC0]  }
0x42b: {  	v10 =	vld [tilespmem:s8+$0x0];
	vm3 =	vgt.s32 v12, $0x0;
	v26 =	vnsel vm1, $0x0, v11;
	v15 =	vnsel vm4, $0x0, v15  }
0x42c: {  	v16 =	vnsel vm3, $0x0, v12;
	vm0 =	vgt.s32 v17, $0x0;
	v20 =	vmul.f32 v20, v14  }
0x42d: {  	v21 =	vnsel vm0, $0x0, v17;
	v11 =	vmax.f32 v13, $-1.000000000e+00;
	v13 =	vld [tilespmem:s8+$0x20];
	v17 =	vmin.f32 v9, $1.000000000e+00  }
0x42e: {  	v11 =	vmin.f32 v11, $1.000000000e+00;
	v28 =	vadd.f32 $1.000000000e+00, v17;
	v7 =	vmax.f32 v7, $-1.000000000e+00  }
0x42f: {  	v9 =	vmax.f32 v19, $-1.000000000e+00;
	v19 =	vadd.f32 $1.000000000e+00, v11;
	v23 =	vmax.f32 v23, $-1.000000000e+00  }
0x430: {  	v31 =	vld.idx.msk [tilespmem:v18+s23+$0x0], $0xffff;
	v12 =	vmin.f32 v7, $1.000000000e+00;
	v9 =	vmin.f32 v9, $1.000000000e+00;
	v7 =	vmax.f32 v10, $-1.000000000e+00  }
0x431: {  	v10 =	vmul.f32 $4.500000000e+00, v28;
	v28 =	vld.idx.msk [tilespmem:v8+s21+$0x0], $0xffff;
	v29 =	vadd.f32 $1.000000000e+00, v12;
	v8 =	vmin.f32 v7, $1.000000000e+00  }
0x432: {  	v59 =	vld.idx.msk [tilespmem:v25+s24+$0x0], $0xffff;
	v7 =	vmin.f32 v27, $1.000000000e+00;
	v13 =	vmax.f32 v13, $-1.000000000e+00;
	v54 =	vadd.f32 $1.000000000e+00, v9  }
0x433: {  	v35 =	vld.idx.msk [tilespmem:v26+s25+$0x0], $0xffff;
	v19 =	vmul.f32 $4.500000000e+00, v19;
	v30 =	vadd.f32 $9.999999740e-06, v10;
	v10 =	vmin.f32 v13, $1.000000000e+00  }
0x434: {  	v46 =	vld.idx.msk [tilespmem:v25+s23+$0x0], $0xffff;
	v13 =	vmin.f32 v23, $1.000000000e+00;
	v55 =	vadd.f32 $1.000000000e+00, v8;
	v57 =	vadd.f32 $1.000000000e+00, v7  }
0x435: {  	v43 =	vld.idx.msk [tilespmem:v26+s24+$0x0], $0xffff;
	v56 =	vadd.f32 $1.000000000e+00, v13;
	v29 =	vmul.f32 $4.500000000e+00, v29;
	v30 =	vtrunc.f32 v30  }
0x436: {  	v47 =	vld.idx.msk [tilespmem:v26+s23+$0x0], $0xffff;
	v58 =	vadd.f32 $1.000000000e+00, v10;
	v32 =	vmul.f32 $4.500000000e+00, v54;
	v30 =	vcvt.f32.s32 v30  }
0x437: {  	v39 =	vld.idx.msk [tilespmem:v22+s25+$0x0], $0xffff;
	v19 =	vadd.f32 $9.999999740e-06, v19;
	v33 =	vmul.f32 $4.500000000e+00, v55;
	v36 =	vmul.f32 $4.500000000e+00, v57  }
0x438: {  	v27 =	vld.idx.msk [tilespmem:v18+s24+$0x0], $0xffff;
	v57 =	vmul.f32 v35, v2;
	v34 =	vmul.f32 $4.500000000e+00, v56;
	vm0 =	vlt.s32 v30, $0x9  }
0x439: {  	v40 =	vld.idx.msk [tilespmem:v15+s25+$0x0], $0xffff;
	v38 =	vmul.f32 $4.500000000e+00, v58;
	v29 =	vadd.f32 $9.999999740e-06, v29;
	v30 =	vnsel vm0, $0x9, v30  }
0x43a: {  	v37 =	vld.idx.msk [tilespmem:v16+s25+$0x0], $0xffff;
	v32 =	vadd.f32 $9.999999740e-06, v32;
	v19 =	vtrunc.f32 v19;
	v34 =	vadd.f32 $9.999999740e-06, v34  }
0x43b: {  	v63 =	vld.idx.msk [tilespmem:v15+s24+$0x0], $0xffff;
	v45 =	vadd.f32 v24, v28;
	v29 =	vtrunc.f32 v29;
	v38 =	vadd.f32 $9.999999740e-06, v38  }
0x43c: {  	v23 =	vld.idx.msk [tilespmem:v25+s25+$0x0], $0xffff;
	v36 =	vadd.f32 $9.999999740e-06, v36;
	v29 =	vcvt.f32.s32 v29;
	v34 =	vtrunc.f32 v34  }
0x43d: {  	v60 =	vld.idx.msk [tilespmem:v16+s24+$0x0], $0xffff;
	v27 =	vadd.f32 v20, v27;
	v62 =	vtrunc.f32 v38;
	v34 =	vcvt.f32.s32 v34  }
0x43e: {  	v61 =	vtrunc.f32 v36;
	v36 =	vcvt.f32.s32 v62;
	vm2 =	vlt.s32 v29, $0x9;
	v20 =	vld.idx.msk [tilespmem:v30+s26+$0x0], $0xffff  }
0x43f: {  	v41 =	vld.idx.msk [tilespmem:v21+s25+$0x0], $0xffff;
	v58 =	vmul.f32 v37, v3;
	v29 =	vnsel vm2, $0x9, v29;
	vm0 =	vlt.s32 v34, $0x9  }
0x440: {  	v52 =	vld.idx.msk [tilespmem:v15+s23+$0x0], $0xffff;
	v33 =	vadd.f32 $9.999999740e-06, v33;
	vm7 =	vlt.s32 v36, $0x9;
	v50 =	vnsel vm0, $0x9, v34  }
0x441: {  	v42 =	vld.idx.msk [tilespmem:v21+s24+$0x0], $0xffff;
	v19 =	vcvt.f32.s32 v19;
	v23 =	vmul.f32 v23, v1;
	v55 =	vnsel vm7, $0x9, v36  }
0x442: {  	v48 =	vld.idx.msk [tilespmem:v16+s23+$0x0], $0xffff;
	v32 =	vtrunc.f32 v32;
	v60 =	vadd.f32 v58, v60;
	v28 =	vtrunc.f32 v33  }
0x443: {  	v24 =	vld.idx.msk [tilespmem:v22+s24+$0x0], $0xffff;
	v32 =	vcvt.f32.s32 v32;
	vm1 =	vlt.s32 v19, $0x9;
	vm5 =	vle.f32 v17, v20  }
0x444: {  	v33 =	vcvt.f32.s32 v61;
	v61 =	vmul.f32 v41, v6;
	v56 =	vld.idx.msk [tilespmem:v29+s26+$0x0], $0xffff;
	v20 =	vsel vm5, $0xFFFFFFFF, v0  }
0x445: {  	v27 =	vmul.f32 v27, v14;
	v51 =	vnsel vm1, $0x9, v19;
	v62 =	vld.idx.msk [tilespmem:v50+s26+$0x0], $0xffff;
	v19 =	vadd.s32 v20, v30  }
0x446: {  	v23 =	vadd.f32 v23, v59;
	v34 =	vadd.f32 v61, v42;
	v61 =	vld.idx.msk [tilespmem:v55+s26+$0x0], $0xffff;
	vm0 =	vgt.s32 v19, $0x0  }
0x447: {  	v28 =	vcvt.f32.s32 v28;
	v59 =	vmul.f32 v40, v4;
	v30 =	vld.idx.msk [tilespmem:v21+s23+$0x0], $0xffff;
	v54 =	vnsel vm0, $0x0, v19  }
0x448: {  	vm3 =	vlt.s32 v32, $0x9;
	v27 =	vadd.f32 v27, v31;
	v31 =	vmul.f32 v60, v3;
	v20 =	vld.idx.msk [tilespmem:v18+s21+$0x0], $0xffff  }
0x449: {  	vm4 =	vlt.s32 v28, $0x9;
	vm6 =	vlt.s32 v33, $0x9;
	v19 =	vld.idx.msk [tilespmem:v25+s21+$0x0], $0xffff;
	v25 =	vmul.f32 v39, v5  }
0x44a: {  	v53 =	vnsel vm3, $0x9, v32;
	v23 =	vmul.f32 v23, v1;
	v18 =	vld.idx.msk [tilespmem:v26+s21+$0x0], $0xffff;
	v26 =	vadd.f32 v57, v43  }
0x44b: {  	v28 =	vnsel vm4, $0x9, v28;
	v24 =	vadd.f32 v25, v24;
	v25 =	vadd.f32 v59, v63;
	v63 =	vld.idx.msk [tilespmem:v51+s26+$0x0], $0xffff  }
0x44c: {  	v33 =	vnsel vm6, $0x9, v33;
	v35 =	vadd.f32 v31, v48;
	v32 =	vadd.f32 v23, v46;
	v44 =	vld.idx.msk [tilespmem:v54+s25+$0x0], $0xffff  }
0x44d: {  	v49 =	vld.idx.msk [tilespmem:v22+s23+$0x0], $0xffff;
	v36 =	vmul.f32 v27, v14;
	vm1 =	vle.f32 v12, v56;
	v26 =	vmul.f32 v26, v2  }
0x44e: {  	vm0 =	vle.f32 v13, v62;
	v62 =	vsel vm1, $0xFFFFFFFF, v0;
	v23 =	vmul.f32 v25, v4;
	v57 =	vld.idx.msk [tilespmem:v54+s24+$0x0], $0xffff  }
0x44f: {  	v14 =	vld.idx.msk [tilespmem:v53+s26+$0x0], $0xffff;
	vm3 =	vle.f32 v10, v61;
	v24 =	vmul.f32 v24, v5;
	v25 =	vmul.f32 v34, v6  }
0x450: {  	v27 =	vld.idx.msk [tilespmem:v28+s26+$0x0], $0xffff;
	v34 =	vadd.f32 v26, v47;
	v26 =	vadd.f32 v23, v52;
	v23 =	vsel vm0, $0xFFFFFFFF, v0  }
0x451: {  	v58 =	vld.idx.msk [tilespmem:v33+s26+$0x0], $0xffff;
	v30 =	vadd.f32 v25, v30;
	vm0 =	vle.f32 v11, v63;
	v25 =	vmul.f32 v44, v17  }
0x452: {  	v59 =	vld.idx.msk [tilespmem:v54+s23+$0x0], $0xffff;
	v31 =	vadd.f32 v24, v49;
	v23 =	vadd.s32 v23, v50;
	v24 =	vsel vm0, $0xFFFFFFFF, v0  }
0x453: {  	vm0 =	vgt.s32 v23, $0x0;
	v60 =	vadd.s32 v24, v51;
	v41 =	vadd.f32 v25, v57  }
0x454: {  	v24 =	vld.idx.msk [tilespmem:v16+s21+$0x0], $0xffff;
	v16 =	vnsel vm0, $0x0, v23;
	vm0 =	vle.f32 v9, v14;
	vm2 =	vgt.s32 v60, $0x0  }
0x455: {  	v23 =	vld.idx.msk [tilespmem:v22+s21+$0x0], $0xffff;
	v14 =	vsel vm0, $0xFFFFFFFF, v0;
	vm0 =	vle.f32 v8, v27;
	v22 =	vmul.f32 v41, v17  }
0x456: {  	v27 =	vadd.s32 v14, v53;
	v14 =	vsel vm0, $0xFFFFFFFF, v0;
	v25 =	vadd.s32 v62, v29;
	v29 =	vld.idx.msk [tilespmem:v54+s21+$0x0], $0xffff  }
0x457: {  	v15 =	vld.idx.msk [tilespmem:v15+s21+$0x0], $0xffff;
	vm0 =	vle.f32 v7, v58;
	v28 =	vadd.s32 v14, v28;
	v22 =	vadd.f32 v22, v59  }
0x458: {  	v37 =	vsel vm0, $0xFFFFFFFF, v0;
	v14 =	vld.idx.msk [tilespmem:v21+s21+$0x0], $0xffff;
	vm1 =	vgt.s32 v27, $0x0;
	v21 =	vsel vm3, $0xFFFFFFFF, v0  }
0x459: {  	vm0 =	vgt.s32 v25, $0x0;
	v38 =	vadd.s32 v37, v33;
	v37 =	vld.idx.msk [tilespmem:v16+s25+$0x0], $0xffff;
	v63 =	vmul.f32 v22, v17  }
0x45a: {  	s6 =	simm.s32 $0x15040;
	vm4 =	vgt.s32 v28, $0x0;
	v40 =	vadd.s32 v21, v55;
	v21 =	vnsel vm2, $0x0, v60;
	v22 =	vld.idx.msk [tilespmem:v16+s24+$0x0], $0xffff  }
0x45b: {  	s5 =	simm.s32 $0x15040;
	s7 =	simm.s32 $0x80;
	s8 =	simm.s32 $0x7140;
	[tilespmem:s6+$0x30] =	vst v45;
	vm3 =	vgt.s32 v38, $0x0;
	vm2 =	vgt.s32 v40, $0x0;
	v17 =	vld.idx.msk [tilespmem:v16+s23+$0x0], $0xffff;
	v39 =	vadd.f32 v63, v29  }
.LBB2_12:
0x45c: {  	v41 =	vld [tilespmem:s8+$0x30];
	s7 =	sadd.s32 $0x80, s7;
	v33 =	vnsel vm0, $0x0, v25;
	v29 =	vnsel vm1, $0x0, v27;
	v27 =	vnsel vm4, $0x0, v28;
	s6 =	sadd.s32 $0x80, s6  }
0x45d: {  	v28 =	vnsel vm3, $0x0, v38;
	v25 =	vnsel vm2, $0x0, v40;
	v32 =	vmul.f32 v32, v1;
	v1 =	vmovc v11;
	v42 =	vld [tilespmem:s8+$0xFFFFFFD0];
	p0 =	slt.u32 s7, $0x6F80;
	[tilespmem:s6+$0x30] =	vst v39  }
0x45e: {  	v11 =	vadd.f32 v36, v20;
	v20 =	vmul.f32 v34, v2;
	v34 =	vmul.f32 v35, v3;
	v2 =	vmovc v12;
	v38 =	vld [tilespmem:s8+$0xFFFFFFE0]  }
0x45f: {  	v31 =	vmul.f32 v31, v5;
	v3 =	vmovc v9;
	v12 =	vmul.f32 v37, v13;
	v19 =	vadd.f32 v32, v19;
	v35 =	vld [tilespmem:s8+$0xFFFFFFF0]  }
0x460: {  	v9 =	vadd.f32 v20, v18;
	v18 =	vmul.f32 v26, v4;
	v20 =	vmul.f32 v30, v6;
	v32 =	vld [tilespmem:s8+$0x0];
	[tilespmem:s5+$0xFFFFFFC0] =	vst v11  }
0x461: {  	v5 =	vmovc v8;
	v26 =	vadd.f32 v12, v22;
	v12 =	vadd.f32 v34, v24;
	v30 =	vld [tilespmem:s8+$0x10];
	v11 =	vmax.f32 v41, $-1.000000000e+00;
	[tilespmem:s5+$0xFFFFFFD0] =	vst v19  }
0x462: {  	v4 =	vmovc v7;
	v6 =	vmovc v10;
	v8 =	vmax.f32 v42, $-1.000000000e+00;
	v19 =	vld [tilespmem:s8+$0x20];
	v22 =	vmin.f32 v11, $1.000000000e+00;
	[tilespmem:s5+$0xFFFFFFE0] =	vst v9;
	v9 =	vadd.f32 v31, v23  }
0x463: {  	v10 =	vld [tilespmem:s8+$0xFFFFFFC0];
	v11 =	vmin.f32 v8, $1.000000000e+00;
	v7 =	vmax.f32 v38, $-1.000000000e+00;
	v8 =	vadd.f32 $1.000000000e+00, v22;
	[tilespmem:s5+$0xFFFFFFF0] =	vst v12  }
0x464: {  	v23 =	vadd.f32 $1.000000000e+00, v11;
	v12 =	vmin.f32 v7, $1.000000000e+00;
	v7 =	vmax.f32 v35, $-1.000000000e+00;
	v24 =	vld.idx.msk [tilespmem:v21+s25+$0x0], $0xffff;
	[tilespmem:s5+$0x0] =	vst v9  }
0x465: {  	v9 =	vmin.f32 v7, $1.000000000e+00;
	v7 =	vmax.f32 v32, $-1.000000000e+00;
	v31 =	vmul.f32 $4.500000000e+00, v8;
	v32 =	vld.idx.msk [tilespmem:v33+s25+$0x0], $0xffff  }
0x466: {  	v34 =	vadd.f32 $1.000000000e+00, v12;
	v8 =	vmin.f32 v7, $1.000000000e+00;
	v7 =	vmax.f32 v30, $-1.000000000e+00;
	v30 =	vld.idx.msk [tilespmem:v29+s25+$0x0], $0xffff  }
0x467: {  	v7 =	vmin.f32 v7, $1.000000000e+00;
	v19 =	vmax.f32 v19, $-1.000000000e+00;
	v31 =	vadd.f32 $9.999999740e-06, v31;
	v35 =	vld.idx.msk [tilespmem:v27+s25+$0x0], $0xffff  }
0x468: {  	v38 =	vadd.f32 $1.000000000e+00, v9;
	v36 =	vmax.f32 v10, $-1.000000000e+00;
	v10 =	vmin.f32 v19, $1.000000000e+00;
	v39 =	vld.idx.msk [tilespmem:v28+s25+$0x0], $0xffff  }
0x469: {  	v19 =	vadd.f32 $1.000000000e+00, v8;
	v37 =	vmin.f32 v36, $1.000000000e+00;
	v31 =	vtrunc.f32 v31;
	v36 =	vld.idx.msk [tilespmem:v25+s25+$0x0], $0xffff  }
0x46a: {  	v41 =	vadd.f32 $1.000000000e+00, v7;
	v40 =	vadd.f32 $1.000000000e+00, v37;
	v31 =	vcvt.f32.s32 v31;
	v42 =	vld.idx.msk [tilespmem:v21+s24+$0x0], $0xffff  }
0x46b: {  	v23 =	vmul.f32 $4.500000000e+00, v23;
	v34 =	vmul.f32 $4.500000000e+00, v34;
	v43 =	vadd.f32 $1.000000000e+00, v10;
	v44 =	vld.idx.msk [tilespmem:v33+s24+$0x0], $0xffff  }
0x46c: {  	v38 =	vmul.f32 $4.500000000e+00, v38;
	v40 =	vmul.f32 $4.500000000e+00, v40;
	vm0 =	vlt.s32 v31, $0x9;
	v45 =	vld.idx.msk [tilespmem:v29+s24+$0x0], $0xffff  }
0x46d: {  	v19 =	vmul.f32 $4.500000000e+00, v19;
	v41 =	vmul.f32 $4.500000000e+00, v41;
	v31 =	vnsel vm0, $0x9, v31;
	v46 =	vld.idx.msk [tilespmem:v27+s24+$0x0], $0xffff  }
0x46e: {  	v23 =	vadd.f32 $9.999999740e-06, v23;
	v43 =	vmul.f32 $4.500000000e+00, v43;
	v40 =	vadd.f32 $9.999999740e-06, v40;
	v47 =	vld.idx.msk [tilespmem:v28+s24+$0x0], $0xffff  }
0x46f: {  	v34 =	vadd.f32 $9.999999740e-06, v34;
	v24 =	vmul.f32 v24, v1;
	v38 =	vadd.f32 $9.999999740e-06, v38;
	v48 =	vld.idx.msk [tilespmem:v25+s24+$0x0], $0xffff  }
0x470: {  	v19 =	vadd.f32 $9.999999740e-06, v19;
	v41 =	vadd.f32 $9.999999740e-06, v41;
	v40 =	vtrunc.f32 v40;
	v49 =	vld.idx.msk [tilespmem:v21+s23+$0x0], $0xffff  }
0x471: {  	v23 =	vtrunc.f32 v23;
	v34 =	vtrunc.f32 v34;
	v43 =	vadd.f32 $9.999999740e-06, v43;
	v50 =	vld.idx.msk [tilespmem:v33+s23+$0x0], $0xffff  }
0x472: {  	v38 =	vtrunc.f32 v38;
	v19 =	vtrunc.f32 v19;
	v42 =	vadd.f32 v24, v42;
	v51 =	vld.idx.msk [tilespmem:v31+s26+$0x0], $0xffff  }
0x473: {  	v15 =	vadd.f32 v18, v15;
	v24 =	vtrunc.f32 v41;
	v41 =	vtrunc.f32 v43;
	v43 =	vld.idx.msk [tilespmem:v29+s23+$0x0], $0xffff  }
0x474: {  	v14 =	vadd.f32 v20, v14;
	v23 =	vcvt.f32.s32 v23;
	v40 =	vcvt.f32.s32 v40;
	v52 =	vld.idx.msk [tilespmem:v27+s23+$0x0], $0xffff  }
0x475: {  	v34 =	vcvt.f32.s32 v34;
	v38 =	vcvt.f32.s32 v38;
	v53 =	vld.idx.msk [tilespmem:v28+s23+$0x0], $0xffff;
	[tilespmem:s5+$0x10] =	vst v15  }
0x476: {  	v54 =	vcvt.f32.s32 v24;
	vm0 =	vlt.s32 v40, $0x9;
	v15 =	vcvt.f32.s32 v19;
	v55 =	vld.idx.msk [tilespmem:v25+s23+$0x0], $0xffff;
	[tilespmem:s5+$0x20] =	vst v14;
	s5 =	smov.u32 s6  }
0x477: {  	vm1 =	vlt.s32 v23, $0x9;
	vm2 =	vlt.s32 v34, $0x9;
	v14 =	vcvt.f32.s32 v41;
	v20 =	vld.idx.msk [tilespmem:v16+s21+$0x0], $0xffff  }
0x478: {  	vm3 =	vlt.s32 v38, $0x9;
	vm4 =	vlt.s32 v15, $0x9;
	vm5 =	vle.f32 v22, v51;
	v19 =	vld.idx.msk [tilespmem:v21+s21+$0x0], $0xffff  }
0x479: {  	vm6 =	vlt.s32 v54, $0x9;
	vm7 =	vlt.s32 v14, $0x9;
	v16 =	vsel vm5, $0xFFFFFFFF, v0;
	v18 =	vld.idx.msk [tilespmem:v33+s21+$0x0], $0xffff  }
0x47a: {  	v21 =	vnsel vm0, $0x9, v40;
	v33 =	vnsel vm1, $0x9, v23;
	v16 =	vadd.s32 v16, v31;
	v24 =	vld.idx.msk [tilespmem:v29+s21+$0x0], $0xffff  }
0x47b: {  	v38 =	vnsel vm3, $0x9, v38;
	v29 =	vnsel vm2, $0x9, v34;
	vm0 =	vgt.s32 v16, $0x0;
	v23 =	vld.idx.msk [tilespmem:v27+s21+$0x0], $0xffff  }
0x47c: {  	v41 =	vnsel vm6, $0x9, v54;
	v40 =	vnsel vm4, $0x9, v15;
	v27 =	vnsel vm0, $0x0, v16;
	v15 =	vld.idx.msk [tilespmem:v28+s21+$0x0], $0xffff  }
0x47d: {  	v51 =	vnsel vm7, $0x9, v14;
	v16 =	vmul.f32 v32, v2;
	v28 =	vmul.f32 v30, v3;
	v14 =	vld.idx.msk [tilespmem:v25+s21+$0x0], $0xffff  }
0x47e: {  	v30 =	vmul.f32 v39, v4;
	v25 =	vmul.f32 v35, v5  }
0x47f: {  	v32 =	vmul.f32 v36, v6;
	v16 =	vadd.f32 v16, v44;
	v28 =	vadd.f32 v28, v45;
	v31 =	vld.idx.msk [tilespmem:v21+s26+$0x0], $0xffff  }
0x480: {  	v26 =	vmul.f32 v26, v13;
	v30 =	vadd.f32 v30, v47;
	v25 =	vadd.f32 v25, v46;
	v39 =	vld.idx.msk [tilespmem:v33+s26+$0x0], $0xffff  }
0x481: {  	v34 =	vmul.f32 v42, v1;
	v35 =	vadd.f32 v32, v48;
	v16 =	vmul.f32 v16, v2;
	v44 =	vld.idx.msk [tilespmem:v27+s25+$0x0], $0xffff  }
0x482: {  	v17 =	vadd.f32 v26, v17;
	v26 =	vmul.f32 v28, v3;
	v25 =	vmul.f32 v25, v5;
	v42 =	vld.idx.msk [tilespmem:v29+s26+$0x0], $0xffff  }
0x483: {  	v32 =	vadd.f32 v34, v49;
	v45 =	vmul.f32 v35, v6;
	v30 =	vmul.f32 v30, v4;
	v28 =	vld.idx.msk [tilespmem:v27+s24+$0x0], $0xffff  }
0x484: {  	v36 =	vmul.f32 v17, v13;
	v34 =	vadd.f32 v16, v50;
	v35 =	vadd.f32 v26, v43;
	v46 =	vld.idx.msk [tilespmem:v38+s26+$0x0], $0xffff  }
0x485: {  	v26 =	vadd.f32 v30, v53;
	vm0 =	vle.f32 v37, v31;
	v31 =	vadd.f32 v25, v52;
	v17 =	vld.idx.msk [tilespmem:v40+s26+$0x0], $0xffff  }
0x486: {  	v13 =	vmovc v37;
	v30 =	vadd.f32 v45, v55;
	v16 =	vsel vm0, $0xFFFFFFFF, v0;
	vm0 =	vle.f32 v11, v39;
	v39 =	vld.idx.msk [tilespmem:v41+s26+$0x0], $0xffff  }
0x487: {  	v16 =	vadd.s32 v16, v21;
	v21 =	vsel vm0, $0xFFFFFFFF, v0;
	v25 =	vmul.f32 v44, v22;
	v37 =	vld.idx.msk [tilespmem:v27+s23+$0x0], $0xffff  }
0x488: {  	vm0 =	vgt.s32 v16, $0x0;
	v21 =	vadd.s32 v21, v33;
	vm1 =	vle.f32 v12, v42;
	v33 =	vld.idx.msk [tilespmem:v51+s26+$0x0], $0xffff  }
0x489: {  	vm2 =	vgt.s32 v21, $0x0;
	v42 =	vsel vm1, $0xFFFFFFFF, v0;
	v28 =	vadd.f32 v25, v28  }
0x48a: {  	v16 =	vnsel vm0, $0x0, v16;
	v25 =	vadd.s32 v42, v29;
	vm0 =	vle.f32 v9, v46  }
0x48b: {  	v29 =	vsel vm0, $0xFFFFFFFF, v0;
	vm0 =	vle.f32 v8, v17;
	v17 =	vmul.f32 v28, v22;
	v42 =	vld.idx.msk [tilespmem:v27+s21+$0x0], $0xffff  }
0x48c: {  	v27 =	vadd.s32 v29, v38;
	v28 =	vsel vm0, $0xFFFFFFFF, v0;
	vm0 =	vle.f32 v7, v39  }
.Ltmp5:
0x48d: {  	v28 =	vadd.s32 v28, v40;
	v29 =	vsel vm0, $0xFFFFFFFF, v0;
	v17 =	vadd.f32 v17, v37;
	(pc) =	sbr.rel @p0 .LBB2_12-.Ltmp5, $4  }
0x48e: {  	vm0 =	vgt.s32 v25, $0x0;
	v38 =	vadd.s32 v29, v41;
	vm3 =	vle.f32 v10, v33  }
0x48f: {  	vm1 =	vgt.s32 v27, $0x0;
	v29 =	vsel vm3, $0xFFFFFFFF, v0;
	v33 =	vmul.f32 v17, v22;
	v37 =	vld.idx.msk [tilespmem:v16+s25+$0x0], $0xffff  }
0x490: {  	vm4 =	vgt.s32 v28, $0x0;
	vm3 =	vgt.s32 v38, $0x0;
	v40 =	vadd.s32 v29, v51;
	v22 =	vld.idx.msk [tilespmem:v16+s24+$0x0], $0xffff  }
0x491: {  	s8 =	sadd.s32 $0x80, s8;
	v21 =	vnsel vm2, $0x0, v21;
	vm2 =	vgt.s32 v40, $0x0;
	v39 =	vadd.f32 v33, v42;
	v17 =	vld.idx.msk [tilespmem:v16+s23+$0x0], $0xffff  }
0x492: {  	_ =	sdelay $0x3  }
0x493: {  	v25 =	vnsel vm0, $0x0, v25;
	v60 =	vld.idx.msk [tilespmem:v21+s25+$0x0], $0xffff  }
0x494: {  	v27 =	vnsel vm1, $0x0, v27;
	v45 =	vld.idx.msk [tilespmem:v21+s24+$0x0], $0xffff  }
0x495: {  	v28 =	vnsel vm4, $0x0, v28;
	v20 =	vadd.f32 v36, v20;
	v36 =	vld.idx.msk [tilespmem:v21+s23+$0x0], $0xffff  }
0x496: {  	v29 =	vnsel vm3, $0x0, v38;
	v16 =	vld.idx.msk [tilespmem:v16+s21+$0x0], $0xffff  }
0x497: {  	v33 =	vnsel vm2, $0x0, v40;
	v53 =	vld.idx.msk [tilespmem:v21+s21+$0x0], $0xffff  }
0x498: {  	v61 =	vld.idx.msk [tilespmem:v25+s25+$0x0], $0xffff  }
0x499: {  	v1 =	vmul.f32 v32, v1;
	v41 =	vld.idx.msk [tilespmem:v27+s25+$0x0], $0xffff  }
0x49a: {  	v2 =	vmul.f32 v34, v2;
	v42 =	vld.idx.msk [tilespmem:v28+s25+$0x0], $0xffff  }
0x49b: {  	s6 =	sadd.s32 $0x80, s6;
	v3 =	vmul.f32 v35, v3;
	v5 =	vmul.f32 v31, v5;
	v1 =	vadd.f32 v1, v19;
	v43 =	vld.idx.msk [tilespmem:v29+s25+$0x0], $0xffff  }
0x49c: {  	v4 =	vmul.f32 v26, v4;
	[tilespmem:s6+$0x30] =	vst v39;
	v2 =	vadd.f32 v2, v18;
	v44 =	vld.idx.msk [tilespmem:v33+s25+$0x0], $0xffff  }
0x49d: {  	v6 =	vmul.f32 v30, v6;
	[tilespmem:s5+$0xFFFFFFD0] =	vst v1;
	v1 =	vmul.f32 v37, v13;
	v46 =	vld.idx.msk [tilespmem:v25+s24+$0x0], $0xffff  }
0x49e: {  	[tilespmem:s5+$0xFFFFFFE0] =	vst v2;
	v2 =	vadd.f32 v5, v23;
	v62 =	vld.idx.msk [tilespmem:v27+s24+$0x0], $0xffff;
	v37 =	vmul.f32 v60, v11  }
0x49f: {  	[tilespmem:s5+$0xFFFFFFC0] =	vst v20;
	v3 =	vadd.f32 v3, v24;
	v63 =	vld.idx.msk [tilespmem:v28+s24+$0x0], $0xffff;
	v1 =	vadd.f32 v1, v22  }
0x4a0: {  	v4 =	vadd.f32 v4, v15;
	v31 =	vld.idx.msk [tilespmem:v29+s24+$0x0], $0xffff;
	[tilespmem:s5+$0x0] =	vst v2;
	v2 =	vadd.f32 v37, v45  }
0x4a1: {  	v6 =	vadd.f32 v6, v14;
	[tilespmem:s5+$0xFFFFFFF0] =	vst v3;
	v35 =	vld.idx.msk [tilespmem:v33+s24+$0x0], $0xffff;
	v1 =	vmul.f32 v1, v13  }
0x4a2: {  	[tilespmem:s5+$0x10] =	vst v4;
	v38 =	vld.idx.msk [tilespmem:v25+s23+$0x0], $0xffff;
	v2 =	vmul.f32 v2, v11;
	v45 =	vmul.f32 v61, v12  }
0x4a3: {  	[tilespmem:s5+$0x20] =	vst v6;
	v3 =	vld.idx.msk [tilespmem:v27+s23+$0x0], $0xffff;
	v48 =	vmul.f32 v41, v9;
	v50 =	vmul.f32 v42, v8  }
0x4a4: {  	v39 =	vld.idx.msk [tilespmem:v28+s23+$0x0], $0xffff;
	v51 =	vmul.f32 v43, v7;
	v1 =	vadd.f32 v1, v17;
	v15 =	vadd.f32 v45, v46  }
0x4a5: {  	v47 =	vld.idx.msk [tilespmem:v29+s23+$0x0], $0xffff;
	v52 =	vmul.f32 v44, v10;
	v2 =	vadd.f32 v2, v36;
	v4 =	vadd.f32 v48, v62  }
0x4a6: {  	v49 =	vld.idx.msk [tilespmem:v33+s23+$0x0], $0xffff;
	v24 =	vadd.f32 v50, v63;
	v19 =	vadd.f32 v51, v31;
	v15 =	vmul.f32 v15, v12  }
0x4a7: {  	v54 =	vld.idx.msk [tilespmem:v25+s21+$0x0], $0xffff;
	v6 =	vadd.f32 v52, v35;
	v1 =	vmul.f32 v1, v13;
	v4 =	vmul.f32 v4, v9  }
0x4a8: {  	v56 =	vld.idx.msk [tilespmem:v27+s21+$0x0], $0xffff;
	v2 =	vmul.f32 v2, v11;
	v55 =	vmul.f32 v24, v8;
	v57 =	vadd.f32 v15, v38  }
0x4a9: {  	v58 =	vld.idx.msk [tilespmem:v28+s21+$0x0], $0xffff;
	v19 =	vmul.f32 v19, v7;
	v6 =	vmul.f32 v6, v10;
	v3 =	vadd.f32 v4, v3  }
0x4aa: {  	v59 =	vld.idx.msk [tilespmem:v29+s21+$0x0], $0xffff;
	v1 =	vadd.f32 v1, v16;
	v5 =	vadd.f32 v55, v39;
	v60 =	vmul.f32 v57, v12  }
0x4ab: {  	v61 =	vld.idx.msk [tilespmem:v33+s21+$0x0], $0xffff;
	v2 =	vadd.f32 v2, v53;
	v62 =	vadd.f32 v19, v47;
	v3 =	vmul.f32 v3, v9  }
0x4ac: {  	v6 =	vadd.f32 v6, v49;
	[tilespmem:s6+$0xFFFFFFC0] =	vst v1;
	v5 =	vmul.f32 v5, v8;
	v1 =	vadd.f32 v60, v54  }
0x4ad: {  	[tilespmem:s6+$0xFFFFFFD0] =	vst v2;
	v63 =	vmul.f32 v62, v7;
	v2 =	vadd.f32 v3, v56  }
0x4ae: {  	v3 =	vmul.f32 v6, v10;
	[tilespmem:s6+$0xFFFFFFE0] =	vst v1;
	v1 =	vadd.f32 v5, v58  }
0x4af: {  	[tilespmem:s6+$0xFFFFFFF0] =	vst v2;
	v2 =	vadd.f32 v63, v59  }
0x4b0: {  	[tilespmem:s6+$0x0] =	vst v1;
	v1 =	vadd.f32 v3, v61  }
0x4b1: {  	[tilespmem:s6+$0x10] =	vst v2  }
0x4b2: {  	s4 =	sadd.s32 $0x1, s4;
	[tilespmem:s6+$0x20] =	vst v1  }
0x4b3: {  	[hbm4b:s19+s2] =	stream.linear.scatter [tilespmem:s0], [sflag:$0x4], $0x7000, $0x38;
	[tilespmem:$0x1C280] =	vst v63  }
0x4b4: {  	p0 =	sne.s32 s4, s20;
	_ =	swait.ge [sflag:s1], $0x7000  }
.Ltmp6:
0x4b5: {  	[sflag:s1] =	ssyncset.done $0x0;
	(pc) =	sbr.rel @p0 .LBB2_1-.Ltmp6, $4  }
0x4b6: {  	[sflag:s1] =	ssyncadd.s32 $0xFFFF9000  }
0x4b7: {  	_ =	swait.ge [sflag:s3], $0x7000  }
0x4b8: {  	[sflag:s3] =	ssyncset.done $0x0  }
0x4b9: {  	[sflag:s3] =	ssyncadd.s32 $0xFFFF9000  }
0x4ba: {  	_ =	sfence.sel $0x180000  }
0x4bb: {  	[bflag:$0x0] =	sbarrier.arrive $0xFFFF  }
0x4bc: {  	_ =	strace $0x90000047  }
0x4bd: {  	s0 =	stileid.u32;
	[bflag:$0x2] =	sbarrier.arrive $0xFFFF  }
0x4be: {  	p0 =	sne.s32 s0, $0x0;
	s0 =	rddreg [dreg:$0x2]  }
0x4bf: {  	s0 =	sadd.s32 @!p0 $0x100000, s0  }
0x4c0: {  	[sflag:s0] =	ssyncadd.tile.s32 @!p0 $0x1;
	_ =	shalt  }
.Lfunc_end2:
_tile_overlayer_lowered:
.L_overlay_start_2:
0x4c1: {  	(tag) =	ssettag $0x2  }
0x4c2: {  	s0 =	rddreg [dreg:$0x0];
	s2 =	stileid.u32  }
0x4c3: {  	s1 =	rddreg [dreg:$0x1];
	p0 =	sne.s32 s2, $0x0  }
0x4c4: {  	s3 =	rddreg [dreg:$0x2];
	[bflag:$0x3] =	sbarrier.arrive $0xFFFF;
	s2 =	simm.s32 @!p0 $0x1C05  }
0x4c5: {  	[timem:s3], [sflag:s2] =	dma.local @!p0 [hbm:s0], s1  }
0x4c6: {  	s0 =	simm.s32 @!p0 $0x5  }
0x4c7: {  	_ =	swait.ge @!p0 [sflag:s0], s1  }
0x4c8: {  	s1 =	ssub.s32 @!p0 $0x0, s1;
	[sflag:s0] =	ssyncset.done @!p0 $0x0  }
0x4c9: {  	[sflag:s0] =	ssyncadd.s32 @!p0 s1  }
0x4ca: {  	[bflag:$0x3] =	sbarrier.arrive $0xFFFF  }
0x4cb: {  	_ =	shalt  }

</sc_bundles>
